<compile_context>
chip_gen: v7x
topology: tpu7x:2x2x1
jax: 0.10.2.dev20260603
libtpu: 0.0.44.dev20260713+nightly
codegen_flags: <defaults>
</compile_context>

<pallas_src>
import jax
import jax.numpy as jnp
from jax import lax
from jax.experimental import pallas as pl
from jax.experimental.pallas import tpu as pltpu
from jax.experimental.pallas import tpu_sc as plsc

B = 16384
D = 128
C = 64
O = 10
K = 8
TB = 4096
NC = 2
NS = 16
NW = NC * NS
RW = B // NW


def _tc1_kernel(x_ref, keys_ref, wv_ref, bv_ref, wt_ref, bt_ref,
                cos_out, cosd_out, van_out, tanh_out):
    x = x_ref[...]
    norm = jnp.sqrt(jnp.sum(x * x, axis=1, keepdims=True))
    xn = x / jnp.maximum(norm, 1e-12)

    dn = (((1,), (1,)), ((), ()))
    cos = lax.dot_general(xn, keys_ref[...], dn,
                          preferred_element_type=jnp.float32)
    cos_out[...] = cos
    cosd_out[...] = 1.0 - cos

    lv = lax.dot_general(x, wv_ref[...], dn,
                         preferred_element_type=jnp.float32) + bv_ref[...]
    m = jnp.max(lv, axis=1, keepdims=True)
    sh = lv - m
    van_out[...] = sh - jnp.log(jnp.sum(jnp.exp(sh), axis=1, keepdims=True))

    lt = lax.dot_general(x, wt_ref[...], dn,
                         preferred_element_type=jnp.float32) + bt_ref[...]
    tanh_out[...] = jnp.tanh(lt)


_PERM_DNUMS = lax.GatherDimensionNumbers(
    offset_dims=(), collapsed_slice_dims=(0,), start_index_map=(0,))


def _lane_perm(v, perm_idx):
    return lax.gather(v, perm_idx[:, None], dimension_numbers=_PERM_DNUMS,
                      slice_sizes=(1,),
                      mode=lax.GatherScatterMode.PROMISE_IN_BOUNDS)


def _sc_topk_body(cos_hbm, mask_hbm, in_v, out_v):
    wid = lax.axis_index("s") * NC + lax.axis_index("c")
    base = wid * (RW * C)
    pltpu.sync_copy(cos_hbm.at[pl.ds(base, RW * C)], in_v)

    iota = lax.broadcasted_iota(jnp.int32, (16,), 0)
    perms = [iota ^ p for p in (8, 4, 2, 1)]
    lane_ids = [iota + 16 * j for j in range(4)]
    neg_inf = jnp.full((16,), -jnp.inf, jnp.float32)
    big = jnp.full((16,), 1000, jnp.int32)
    ones = jnp.full((16,), 1.0, jnp.float32)
    zeros = jnp.zeros((16,), jnp.float32)

    @plsc.parallel_loop(0, RW, step=1, unroll=8)
    def row_body(r):
        off = r * C
        vs = [in_v[pl.ds(off + 16 * j, 16)] for j in range(4)]
        ms = [zeros, zeros, zeros, zeros]
        for _ in range(K):
            m = jnp.maximum(jnp.maximum(vs[0], vs[1]),
                            jnp.maximum(vs[2], vs[3]))
            for p in perms:
                m = jnp.maximum(m, _lane_perm(m, p))
            cands = [jnp.where(vs[j] == m, lane_ids[j], big)
                     for j in range(4)]
            g = jnp.minimum(jnp.minimum(cands[0], cands[1]),
                            jnp.minimum(cands[2], cands[3]))
            for p in perms:
                g = jnp.minimum(g, _lane_perm(g, p))
            for j in range(4):
                s = lane_ids[j] == g
                vs[j] = jnp.where(s, neg_inf, vs[j])
                ms[j] = jnp.where(s, ones, ms[j])
        for j in range(4):
            out_v[pl.ds(off + 16 * j, 16)] = ms[j]

    pltpu.sync_copy(out_v, mask_hbm.at[pl.ds(base, RW * C)])


def _tc2_kernel(x_ref, cos_ref, mask_ref, wm_ref, bm_ref, sel_ref, ens_out):
    x = x_ref[...]
    cos = cos_ref[...]
    maskf = mask_ref[...]
    w = cos * maskf
    denom = jnp.sum(w, axis=1, keepdims=True)

    dn = (((1,), (1,)), ((), ()))
    z = lax.dot_general(x, wm_ref[...], dn,
                        preferred_element_type=jnp.float32) + bm_ref[...]
    ens = jnp.tanh(z)
    w_tiled = jnp.concatenate([w] * O, axis=1)
    p = ens * w_tiled
    num = lax.dot_general(
        p, sel_ref[...], (((1,), (0,)), ((), ())),
        preferred_element_type=jnp.float32)
    ens_out[...] = num / denom


@jax.jit
def kernel(x, keys, W_models, b_models, W_van, b_van, W_tanh, b_tanh):
    wm_perm = W_models.transpose(1, 0, 2).reshape(O * C, D)
    bm_perm = b_models.T.reshape(1, O * C)
    sel = (jnp.arange(O * C)[:, None] // C ==
           jnp.arange(O)[None, :]).astype(jnp.float32)
    bv = b_van.reshape(1, O)
    bt = b_tanh.reshape(1, O)

    grid = (B // TB,)
    f32 = jnp.float32

    cos, cosd, van, tanh_o = pl.pallas_call(
        _tc1_kernel,
        grid=grid,
        in_specs=[
            pl.BlockSpec((TB, D), lambda i: (i, 0)),
            pl.BlockSpec((C, D), lambda i: (0, 0)),
            pl.BlockSpec((O, D), lambda i: (0, 0)),
            pl.BlockSpec((1, O), lambda i: (0, 0)),
            pl.BlockSpec((O, D), lambda i: (0, 0)),
            pl.BlockSpec((1, O), lambda i: (0, 0)),
        ],
        out_specs=[
            pl.BlockSpec((TB, C), lambda i: (i, 0)),
            pl.BlockSpec((TB, C), lambda i: (i, 0)),
            pl.BlockSpec((TB, O), lambda i: (i, 0)),
            pl.BlockSpec((TB, O), lambda i: (i, 0)),
        ],
        out_shape=[
            jax.ShapeDtypeStruct((B, C), f32),
            jax.ShapeDtypeStruct((B, C), f32),
            jax.ShapeDtypeStruct((B, O), f32),
            jax.ShapeDtypeStruct((B, O), f32),
        ],
    )(x, keys, W_van, bv, W_tanh, bt)

    mesh = plsc.VectorSubcoreMesh(core_axis_name="c", subcore_axis_name="s",
                                  num_cores=NC, num_subcores=NS)
    mask_flat = pl.kernel(
        _sc_topk_body,
        out_type=jax.ShapeDtypeStruct((B * C,), f32),
        mesh=mesh,
        scratch_types=[
            pltpu.VMEM((RW * C,), f32),
            pltpu.VMEM((RW * C,), f32),
        ],
    )(cos.reshape(B * C))
    knn = mask_flat.reshape(B, C)

    ens_o = pl.pallas_call(
        _tc2_kernel,
        grid=grid,
        in_specs=[
            pl.BlockSpec((TB, D), lambda i: (i, 0)),
            pl.BlockSpec((TB, C), lambda i: (i, 0)),
            pl.BlockSpec((TB, C), lambda i: (i, 0)),
            pl.BlockSpec((O * C, D), lambda i: (0, 0)),
            pl.BlockSpec((1, O * C), lambda i: (0, 0)),
            pl.BlockSpec((O * C, O), lambda i: (0, 0)),
        ],
        out_specs=pl.BlockSpec((TB, O), lambda i: (i, 0)),
        out_shape=jax.ShapeDtypeStruct((B, O), f32),
    )(x, cos, knn, wm_perm, bm_perm, sel)

    return (ens_o, tanh_o, van, cosd, knn)

# --- scband reference (transcript-rebuilt; emitter-appended) ---
"""Pipeline reference for scband-ensemble-e2-emodule-19756849562163 (READ-ONLY COPY).

The authoritative reference and input builder live on the scoring server;
editing this copy changes nothing except your own understanding.
"""

import jax, jax.numpy as jnp
import numpy as np

B = 16384
D = 128      # input_size
C = 64       # num_classifiers (memory size / number of keys & weak learners)
O = 10       # num_classes
K = 8        # k_neighbors
TANH_FACTOR = 1.0


def setup_inputs(seed: int = 0) -> dict:
    key = jax.random.key(seed)
    ks = jax.random.split(key, 8)
    x = jax.random.normal(ks[0], (B, D), dtype=jnp.float32)
    keys_raw = jax.random.normal(ks[1], (C, D), dtype=jnp.float32)
    keys = keys_raw / jnp.maximum(jnp.linalg.norm(keys_raw, axis=1, keepdims=True), 1e-12)
    # weak learner stack: C independent linear layers (fan_in variance scaling, scale=1.0)
    W_models = jax.random.normal(ks[2], (C, O, D), dtype=jnp.float32) * (1.0 / np.sqrt(D))
    b_models = jnp.zeros((C, O), dtype=jnp.float32)
    # vanilla / tanh classifiers (fan_in variance scaling, scale=0.1)
    W_van = jax.random.normal(ks[3], (O, D), dtype=jnp.float32) * np.sqrt(0.1 / D)
    b_van = jnp.zeros((O,), dtype=jnp.float32)
    W_tanh = jax.random.normal(ks[4], (O, D), dtype=jnp.float32) * np.sqrt(0.1 / D)
    b_tanh = jnp.zeros((O,), dtype=jnp.float32)
    return {"x": x, "keys": keys, "W_models": W_models, "b_models": b_models,
            "W_van": W_van, "b_van": b_van, "W_tanh": W_tanh, "b_tanh": b_tanh}


def reference(x, keys, W_models, b_models, W_van, b_van, W_tanh, b_tanh):
    # lookup_memory: L2-normalize queries, cosine similarity vs keys, differentiable kNN mask
    xn = x / jnp.maximum(jnp.linalg.norm(x, axis=1, keepdims=True), 1e-12)
    cos_sim = xn @ keys.T              # [B, C]
    cos_dist = 1.0 - cos_sim           # [B, C]
    _, topk_idx = jax.lax.top_k(cos_sim, K)   # k nearest neighbors (largest cosine similarity)
    knn_sim = jnp.zeros_like(cos_sim).at[jnp.arange(cos_sim.shape[0])[:, None], topk_idx].set(1.0)
    # vanilla classifier: log_softmax(linear(x))
    vanilla_output = jax.nn.log_softmax(x @ W_van.T + b_van, axis=1)
    # tanh classifier: tanh(linear(x)/tf)*tf
    tanh_output = jnp.tanh((x @ W_tanh.T + b_tanh) / TANH_FACTOR) * TANH_FACTOR
    # ensemble of C weak learners applied to every sample
    ens = jnp.tanh((jnp.einsum('bd,cod->bco', x, W_models) + b_models[None, :, :]) / TANH_FACTOR) * TANH_FACTOR  # [B,C,O]
    eb = ens * knn_sim[:, :, None]
    cs = cos_sim[:, :, None] * knn_sim[:, :, None]
    ensemble_outputs = jnp.sum(eb * cs, axis=1) / jnp.sum(cs, axis=1)  # [B, O]
    return (ensemble_outputs, tanh_output, vanilla_output, cos_dist, knn_sim)

if __name__ == "__main__":
    import jax
    _d = setup_inputs()
    print(jax.jit(kernel)(*tuple(_d.values())))

</pallas_src>

<mosaic_0001>
#map = affine_map<(d0, d1) -> (0)>
module attributes {stable_mosaic.version = 14 : i64} {
  func.func @_sc_topk_body(%arg0: i32, %arg1: i32, %arg2: memref<1048576xf32, #tpu.memory_space<hbm>>, %arg3: memref<1048576xf32, #tpu.memory_space<hbm>>, %arg4: memref<32768xf32, #tpu.memory_space<vmem>>, %arg5: memref<32768xf32, #tpu.memory_space<vmem>>) attributes {dimension_semantics = [#tpu.dimension_semantics<core_parallel>, #tpu.dimension_semantics<subcore_parallel>], iteration_bounds = array<i64: 2, 16>, scalar_prefetch = 0 : i64, scratch_operands = 2 : i64, tpu.core_type = #tpu.core_type<sc_vector_subcore>, window_params = [{transform_indices = #map}, {transform_indices = #map}]} {
    %mul3A = arith.constant 2 : i32
    %mul3A_0 = arith.muli %arg1, %mul3A : i32
    %add3A = arith.addi %mul3A_0, %arg0 : i32
    %mul3A_1 = arith.constant 32768 : i32
    %mul3A_2 = arith.muli %add3A, %mul3A_1 : i32
    "tpu.region"() ({
      %run_scoped3A = tpu.sem_alloc : memref<!tpu.dma_semaphore, #tpu.memory_space<semaphore_mem>>
      %dma_start3A = tpu.memref_slice %arg2[%mul3A_2] : memref<1048576xf32, #tpu.memory_space<hbm>> -> memref<32768xf32, #tpu.memory_space<hbm>>
      %dma_start3A_35 = tpu.memref_slice %arg2[%mul3A_2] : memref<1048576xf32, #tpu.memory_space<hbm>> -> memref<32768xf32, #tpu.memory_space<hbm>>
      tpu.enqueue_dma source(%dma_start3A_35 : memref<32768xf32, #tpu.memory_space<hbm>>) target(%arg4 : memref<32768xf32, #tpu.memory_space<vmem>>) target_semaphore(%run_scoped3A : memref<!tpu.dma_semaphore, #tpu.memory_space<semaphore_mem>>)
      %dma_wait3A = tpu.memref_slice %arg2[%mul3A_2] : memref<1048576xf32, #tpu.memory_space<hbm>> -> memref<32768xf32, #tpu.memory_space<hbm>>
      %dma_wait3A_36 = tpu.memref_slice %arg2[%mul3A_2] : memref<1048576xf32, #tpu.memory_space<hbm>> -> memref<32768xf32, #tpu.memory_space<hbm>>
      tpu.wait_dma2 semaphore(%run_scoped3A : memref<!tpu.dma_semaphore, #tpu.memory_space<semaphore_mem>>) src(%dma_wait3A_36 : memref<32768xf32, #tpu.memory_space<hbm>>) dst(%arg4 : memref<32768xf32, #tpu.memory_space<vmem>>)
      tpu.yield
    }) : () -> ()
    %iota3A = tpu.iota {dimensions = array<i32: 0>} : vector<16xi32>
    %xor3A = arith.constant 8 : i32
    %xor3A_3 = vector.broadcast %xor3A : i32 to vector<16xi32>
    %xor3A_4 = arith.xori %iota3A, %xor3A_3 : vector<16xi32>
    %xor3A_5 = arith.constant 4 : i32
    %xor3A_6 = vector.broadcast %xor3A_5 : i32 to vector<16xi32>
    %xor3A_7 = arith.xori %iota3A, %xor3A_6 : vector<16xi32>
    %xor3A_8 = arith.constant 2 : i32
    %xor3A_9 = vector.broadcast %xor3A_8 : i32 to vector<16xi32>
    %xor3A_10 = arith.xori %iota3A, %xor3A_9 : vector<16xi32>
    %xor3A_11 = arith.constant 1 : i32
    %xor3A_12 = vector.broadcast %xor3A_11 : i32 to vector<16xi32>
    %xor3A_13 = arith.xori %iota3A, %xor3A_12 : vector<16xi32>
    %add3A_14 = arith.constant 0 : i32
    %add3A_15 = vector.broadcast %add3A_14 : i32 to vector<16xi32>
    %add3A_16 = arith.addi %iota3A, %add3A_15 : vector<16xi32>
    %add3A_17 = arith.constant 16 : i32
    %add3A_18 = vector.broadcast %add3A_17 : i32 to vector<16xi32>
    %add3A_19 = arith.addi %iota3A, %add3A_18 : vector<16xi32>
    %add3A_20 = arith.constant 32 : i32
    %add3A_21 = vector.broadcast %add3A_20 : i32 to vector<16xi32>
    %add3A_22 = arith.addi %iota3A, %add3A_21 : vector<16xi32>
    %add3A_23 = arith.constant 48 : i32
    %add3A_24 = vector.broadcast %add3A_23 : i32 to vector<16xi32>
    %add3A_25 = arith.addi %iota3A, %add3A_24 : vector<16xi32>
    %broadcast_in_dim3A = arith.constant 0xFF800000 : f32
    %broadcast_in_dim3A_26 = vector.broadcast %broadcast_in_dim3A : f32 to vector<16xf32>
    %broadcast_in_dim3A_27 = arith.constant 1000 : i32
    %broadcast_in_dim3A_28 = vector.broadcast %broadcast_in_dim3A_27 : i32 to vector<16xi32>
    %broadcast_in_dim3A_29 = arith.constant 1.000000e+00 : f32
    %broadcast_in_dim3A_30 = vector.broadcast %broadcast_in_dim3A_29 : f32 to vector<16xf32>
    %broadcast_in_dim3A_31 = arith.constant 0.000000e+00 : f32
    %broadcast_in_dim3A_32 = vector.broadcast %broadcast_in_dim3A_31 : f32 to vector<16xf32>
    %parallel_loop3A = arith.constant 0 : i32
    %parallel_loop3A_33 = arith.constant 512 : i32
    %parallel_loop3A_34 = arith.constant 1 : i32
    scf.for %parallel_loop3A_35 = %parallel_loop3A to %parallel_loop3A_33 step %parallel_loop3A_34  : i32 {
      %parallel_loop3A_36 = arith.constant 64 : i32
      %parallel_loop3A_37 = arith.muli %parallel_loop3A_35, %parallel_loop3A_36 : i32
      %parallel_loop3A_38 = arith.constant 0 : i32
      %parallel_loop3A_39 = arith.addi %parallel_loop3A_37, %parallel_loop3A_38 : i32
      %parallel_loop3A_40 = arith.index_cast %parallel_loop3A_39 : i32 to index
      %parallel_loop3A_41 = tpu.vector_load %arg4[%parallel_loop3A_40] {strides = array<i32>} : memref<32768xf32, #tpu.memory_space<vmem>>, vector<16xf32>,
      %parallel_loop3A_42 = vector.shape_cast %parallel_loop3A_41 : vector<16xf32> to vector<16xf32>
      %parallel_loop3A_43 = arith.constant 16 : i32
      %parallel_loop3A_44 = arith.addi %parallel_loop3A_37, %parallel_loop3A_43 : i32
      %parallel_loop3A_45 = arith.index_cast %parallel_loop3A_44 : i32 to index
      %parallel_loop3A_46 = tpu.vector_load %arg4[%parallel_loop3A_45] {strides = array<i32>} : memref<32768xf32, #tpu.memory_space<vmem>>, vector<16xf32>,
      %parallel_loop3A_47 = vector.shape_cast %parallel_loop3A_46 : vector<16xf32> to vector<16xf32>
      %parallel_loop3A_48 = arith.constant 32 : i32
      %parallel_loop3A_49 = arith.addi %parallel_loop3A_37, %parallel_loop3A_48 : i32
      %parallel_loop3A_50 = arith.index_cast %parallel_loop3A_49 : i32 to index
      %parallel_loop3A_51 = tpu.vector_load %arg4[%parallel_loop3A_50] {strides = array<i32>} : memref<32768xf32, #tpu.memory_space<vmem>>, vector<16xf32>,
      %parallel_loop3A_52 = vector.shape_cast %parallel_loop3A_51 : vector<16xf32> to vector<16xf32>
      %parallel_loop3A_53 = arith.constant 48 : i32
      %parallel_loop3A_54 = arith.addi %parallel_loop3A_37, %parallel_loop3A_53 : i32
      %parallel_loop3A_55 = arith.index_cast %parallel_loop3A_54 : i32 to index
      %parallel_loop3A_56 = tpu.vector_load %arg4[%parallel_loop3A_55] {strides = array<i32>} : memref<32768xf32, #tpu.memory_space<vmem>>, vector<16xf32>,
      %parallel_loop3A_57 = vector.shape_cast %parallel_loop3A_56 : vector<16xf32> to vector<16xf32>
      %parallel_loop3A_58 = arith.maximumf %parallel_loop3A_42, %parallel_loop3A_47 : vector<16xf32>
      %parallel_loop3A_59 = arith.maximumf %parallel_loop3A_52, %parallel_loop3A_57 : vector<16xf32>
      %parallel_loop3A_60 = arith.maximumf %parallel_loop3A_58, %parallel_loop3A_59 : vector<16xf32>
      %parallel_loop3A_61 = vector.shape_cast %xor3A_4 : vector<16xi32> to vector<16x1xi32>
      %parallel_loop3A_62 = vector.shape_cast %parallel_loop3A_61 : vector<16x1xi32> to vector<16xi32>
      %parallel_loop3A_63 = tpu.dynamic_gather %parallel_loop3A_60[%parallel_loop3A_62] in [0] : vector<16xf32>, vector<16xi32> -> vector<16xf32>
      %parallel_loop3A_64 = arith.maximumf %parallel_loop3A_60, %parallel_loop3A_63 : vector<16xf32>
      %parallel_loop3A_65 = vector.shape_cast %xor3A_7 : vector<16xi32> to vector<16x1xi32>
      %parallel_loop3A_66 = vector.shape_cast %parallel_loop3A_65 : vector<16x1xi32> to vector<16xi32>
      %parallel_loop3A_67 = tpu.dynamic_gather %parallel_loop3A_64[%parallel_loop3A_66] in [0] : vector<16xf32>, vector<16xi32> -> vector<16xf32>
      %parallel_loop3A_68 = arith.maximumf %parallel_loop3A_64, %parallel_loop3A_67 : vector<16xf32>
      %parallel_loop3A_69 = vector.shape_cast %xor3A_10 : vector<16xi32> to vector<16x1xi32>
      %parallel_loop3A_70 = vector.shape_cast %parallel_loop3A_69 : vector<16x1xi32> to vector<16xi32>
      %parallel_loop3A_71 = tpu.dynamic_gather %parallel_loop3A_68[%parallel_loop3A_70] in [0] : vector<16xf32>, vector<16xi32> -> vector<16xf32>
      %parallel_loop3A_72 = arith.maximumf %parallel_loop3A_68, %parallel_loop3A_71 : vector<16xf32>
      %parallel_loop3A_73 = vector.shape_cast %xor3A_13 : vector<16xi32> to vector<16x1xi32>
      %parallel_loop3A_74 = vector.shape_cast %parallel_loop3A_73 : vector<16x1xi32> to vector<16xi32>
      %parallel_loop3A_75 = tpu.dynamic_gather %parallel_loop3A_72[%parallel_loop3A_74] in [0] : vector<16xf32>, vector<16xi32> -> vector<16xf32>
      %parallel_loop3A_76 = arith.maximumf %parallel_loop3A_72, %parallel_loop3A_75 : vector<16xf32>
      %parallel_loop3A_77 = arith.cmpf oeq, %parallel_loop3A_42, %parallel_loop3A_76 : vector<16xf32>
      %parallel_loop3A_78 = arith.select %parallel_loop3A_77, %add3A_16, %broadcast_in_dim3A_28 : vector<16xi1>, vector<16xi32>
      %parallel_loop3A_79 = arith.cmpf oeq, %parallel_loop3A_47, %parallel_loop3A_76 : vector<16xf32>
      %parallel_loop3A_80 = arith.select %parallel_loop3A_79, %add3A_19, %broadcast_in_dim3A_28 : vector<16xi1>, vector<16xi32>
      %parallel_loop3A_81 = arith.cmpf oeq, %parallel_loop3A_52, %parallel_loop3A_76 : vector<16xf32>
      %parallel_loop3A_82 = arith.select %parallel_loop3A_81, %add3A_22, %broadcast_in_dim3A_28 : vector<16xi1>, vector<16xi32>
      %parallel_loop3A_83 = arith.cmpf oeq, %parallel_loop3A_57, %parallel_loop3A_76 : vector<16xf32>
      %parallel_loop3A_84 = arith.select %parallel_loop3A_83, %add3A_25, %broadcast_in_dim3A_28 : vector<16xi1>, vector<16xi32>
      %parallel_loop3A_85 = arith.minsi %parallel_loop3A_78, %parallel_loop3A_80 : vector<16xi32>
      %parallel_loop3A_86 = arith.minsi %parallel_loop3A_82, %parallel_loop3A_84 : vector<16xi32>
      %parallel_loop3A_87 = arith.minsi %parallel_loop3A_85, %parallel_loop3A_86 : vector<16xi32>
      %parallel_loop3A_88 = vector.shape_cast %xor3A_4 : vector<16xi32> to vector<16x1xi32>
      %parallel_loop3A_89 = vector.shape_cast %parallel_loop3A_88 : vector<16x1xi32> to vector<16xi32>
      %parallel_loop3A_90 = tpu.dynamic_gather %parallel_loop3A_87[%parallel_loop3A_89] in [0] : vector<16xi32>, vector<16xi32> -> vector<16xi32>
      %parallel_loop3A_91 = arith.minsi %parallel_loop3A_87, %parallel_loop3A_90 : vector<16xi32>
      %parallel_loop3A_92 = vector.shape_cast %xor3A_7 : vector<16xi32> to vector<16x1xi32>
      %parallel_loop3A_93 = vector.shape_cast %parallel_loop3A_92 : vector<16x1xi32> to vector<16xi32>
      %parallel_loop3A_94 = tpu.dynamic_gather %parallel_loop3A_91[%parallel_loop3A_93] in [0] : vector<16xi32>, vector<16xi32> -> vector<16xi32>
      %parallel_loop3A_95 = arith.minsi %parallel_loop3A_91, %parallel_loop3A_94 : vector<16xi32>
      %parallel_loop3A_96 = vector.shape_cast %xor3A_10 : vector<16xi32> to vector<16x1xi32>
      %parallel_loop3A_97 = vector.shape_cast %parallel_loop3A_96 : vector<16x1xi32> to vector<16xi32>
      %parallel_loop3A_98 = tpu.dynamic_gather %parallel_loop3A_95[%parallel_loop3A_97] in [0] : vector<16xi32>, vector<16xi32> -> vector<16xi32>
      %parallel_loop3A_99 = arith.minsi %parallel_loop3A_95, %parallel_loop3A_98 : vector<16xi32>
      %parallel_loop3A_100 = vector.shape_cast %xor3A_13 : vector<16xi32> to vector<16x1xi32>
      %parallel_loop3A_101 = vector.shape_cast %parallel_loop3A_100 : vector<16x1xi32> to vector<16xi32>
      %parallel_loop3A_102 = tpu.dynamic_gather %parallel_loop3A_99[%parallel_loop3A_101] in [0] : vector<16xi32>, vector<16xi32> -> vector<16xi32>
      %parallel_loop3A_103 = arith.minsi %parallel_loop3A_99, %parallel_loop3A_102 : vector<16xi32>
      %parallel_loop3A_104 = arith.cmpi eq, %add3A_16, %parallel_loop3A_103 : vector<16xi32>
      %parallel_loop3A_105 = arith.select %parallel_loop3A_104, %broadcast_in_dim3A_26, %parallel_loop3A_42 : vector<16xi1>, vector<16xf32>
      %parallel_loop3A_106 = arith.select %parallel_loop3A_104, %broadcast_in_dim3A_30, %broadcast_in_dim3A_32 : vector<16xi1>, vector<16xf32>
      %parallel_loop3A_107 = arith.cmpi eq, %add3A_19, %parallel_loop3A_103 : vector<16xi32>
      %parallel_loop3A_108 = arith.select %parallel_loop3A_107, %broadcast_in_dim3A_26, %parallel_loop3A_47 : vector<16xi1>, vector<16xf32>
      %parallel_loop3A_109 = arith.select %parallel_loop3A_107, %broadcast_in_dim3A_30, %broadcast_in_dim3A_32 : vector<16xi1>, vector<16xf32>
      %parallel_loop3A_110 = arith.cmpi eq, %add3A_22, %parallel_loop3A_103 : vector<16xi32>
      %parallel_loop3A_111 = arith.select %parallel_loop3A_110, %broadcast_in_dim3A_26, %parallel_loop3A_52 : vector<16xi1>, vector<16xf32>
      %parallel_loop3A_112 = arith.select %parallel_loop3A_110, %broadcast_in_dim3A_30, %broadcast_in_dim3A_32 : vector<16xi1>, vector<16xf32>
      %parallel_loop3A_113 = arith.cmpi eq, %add3A_25, %parallel_loop3A_103 : vector<16xi32>
      %parallel_loop3A_114 = arith.select %parallel_loop3A_113, %broadcast_in_dim3A_26, %parallel_loop3A_57 : vector<16xi1>, vector<16xf32>
      %parallel_loop3A_115 = arith.select %parallel_loop3A_113, %broadcast_in_dim3A_30, %broadcast_in_dim3A_32 : vector<16xi1>, vector<16xf32>
      %parallel_loop3A_116 = arith.maximumf %parallel_loop3A_105, %parallel_loop3A_108 : vector<16xf32>
      %parallel_loop3A_117 = arith.maximumf %parallel_loop3A_111, %parallel_loop3A_114 : vector<16xf32>
      %parallel_loop3A_118 = arith.maximumf %parallel_loop3A_116, %parallel_loop3A_117 : vector<16xf32>
      %parallel_loop3A_119 = vector.shape_cast %xor3A_4 : vector<16xi32> to vector<16x1xi32>
      %parallel_loop3A_120 = vector.shape_cast %parallel_loop3A_119 : vector<16x1xi32> to vector<16xi32>
      %parallel_loop3A_121 = tpu.dynamic_gather %parallel_loop3A_118[%parallel_loop3A_120] in [0] : vector<16xf32>, vector<16xi32> -> vector<16xf32>
      %parallel_loop3A_122 = arith.maximumf %parallel_loop3A_118, %parallel_loop3A_121 : vector<16xf32>
      %parallel_loop3A_123 = vector.shape_cast %xor3A_7 : vector<16xi32> to vector<16x1xi32>
      %parallel_loop3A_124 = vector.shape_cast %parallel_loop3A_123 : vector<16x1xi32> to vector<16xi32>
      %parallel_loop3A_125 = tpu.dynamic_gather %parallel_loop3A_122[%parallel_loop3A_124] in [0] : vector<16xf32>, vector<16xi32> -> vector<16xf32>
      %parallel_loop3A_126 = arith.maximumf %parallel_loop3A_122, %parallel_loop3A_125 : vector<16xf32>
      %parallel_loop3A_127 = vector.shape_cast %xor3A_10 : vector<16xi32> to vector<16x1xi32>
      %parallel_loop3A_128 = vector.shape_cast %parallel_loop3A_127 : vector<16x1xi32> to vector<16xi32>
      %parallel_loop3A_129 = tpu.dynamic_gather %parallel_loop3A_126[%parallel_loop3A_128] in [0] : vector<16xf32>, vector<16xi32> -> vector<16xf32>
      %parallel_loop3A_130 = arith.maximumf %parallel_loop3A_126, %parallel_loop3A_129 : vector<16xf32>
      %parallel_loop3A_131 = vector.shape_cast %xor3A_13 : vector<16xi32> to vector<16x1xi32>
      %parallel_loop3A_132 = vector.shape_cast %parallel_loop3A_131 : vector<16x1xi32> to vector<16xi32>
      %parallel_loop3A_133 = tpu.dynamic_gather %parallel_loop3A_130[%parallel_loop3A_132] in [0] : vector<16xf32>, vector<16xi32> -> vector<16xf32>
      %parallel_loop3A_134 = arith.maximumf %parallel_loop3A_130, %parallel_loop3A_133 : vector<16xf32>
      %parallel_loop3A_135 = arith.cmpf oeq, %parallel_loop3A_105, %parallel_loop3A_134 : vector<16xf32>
      %parallel_loop3A_136 = arith.select %parallel_loop3A_135, %add3A_16, %broadcast_in_dim3A_28 : vector<16xi1>, vector<16xi32>
      %parallel_loop3A_137 = arith.cmpf oeq, %parallel_loop3A_108, %parallel_loop3A_134 : vector<16xf32>
      %parallel_loop3A_138 = arith.select %parallel_loop3A_137, %add3A_19, %broadcast_in_dim3A_28 : vector<16xi1>, vector<16xi32>
      %parallel_loop3A_139 = arith.cmpf oeq, %parallel_loop3A_111, %parallel_loop3A_134 : vector<16xf32>
      %parallel_loop3A_140 = arith.select %parallel_loop3A_139, %add3A_22, %broadcast_in_dim3A_28 : vector<16xi1>, vector<16xi32>
      %parallel_loop3A_141 = arith.cmpf oeq, %parallel_loop3A_114, %parallel_loop3A_134 : vector<16xf32>
      %parallel_loop3A_142 = arith.select %parallel_loop3A_141, %add3A_25, %broadcast_in_dim3A_28 : vector<16xi1>, vector<16xi32>
      %parallel_loop3A_143 = arith.minsi %parallel_loop3A_136, %parallel_loop3A_138 : vector<16xi32>
      %parallel_loop3A_144 = arith.minsi %parallel_loop3A_140, %parallel_loop3A_142 : vector<16xi32>
      %parallel_loop3A_145 = arith.minsi %parallel_loop3A_143, %parallel_loop3A_144 : vector<16xi32>
      %parallel_loop3A_146 = vector.shape_cast %xor3A_4 : vector<16xi32> to vector<16x1xi32>
      %parallel_loop3A_147 = vector.shape_cast %parallel_loop3A_146 : vector<16x1xi32> to vector<16xi32>
      %parallel_loop3A_148 = tpu.dynamic_gather %parallel_loop3A_145[%parallel_loop3A_147] in [0] : vector<16xi32>, vector<16xi32> -> vector<16xi32>
      %parallel_loop3A_149 = arith.minsi %parallel_loop3A_145, %parallel_loop3A_148 : vector<16xi32>
      %parallel_loop3A_150 = vector.shape_cast %xor3A_7 : vector<16xi32> to vector<16x1xi32>
      %parallel_loop3A_151 = vector.shape_cast %parallel_loop3A_150 : vector<16x1xi32> to vector<16xi32>
      %parallel_loop3A_152 = tpu.dynamic_gather %parallel_loop3A_149[%parallel_loop3A_151] in [0] : vector<16xi32>, vector<16xi32> -> vector<16xi32>
      %parallel_loop3A_153 = arith.minsi %parallel_loop3A_149, %parallel_loop3A_152 : vector<16xi32>
      %parallel_loop3A_154 = vector.shape_cast %xor3A_10 : vector<16xi32> to vector<16x1xi32>
      %parallel_loop3A_155 = vector.shape_cast %parallel_loop3A_154 : vector<16x1xi32> to vector<16xi32>
      %parallel_loop3A_156 = tpu.dynamic_gather %parallel_loop3A_153[%parallel_loop3A_155] in [0] : vector<16xi32>, vector<16xi32> -> vector<16xi32>
      %parallel_loop3A_157 = arith.minsi %parallel_loop3A_153, %parallel_loop3A_156 : vector<16xi32>
      %parallel_loop3A_158 = vector.shape_cast %xor3A_13 : vector<16xi32> to vector<16x1xi32>
      %parallel_loop3A_159 = vector.shape_cast %parallel_loop3A_158 : vector<16x1xi32> to vector<16xi32>
      %parallel_loop3A_160 = tpu.dynamic_gather %parallel_loop3A_157[%parallel_loop3A_159] in [0] : vector<16xi32>, vector<16xi32> -> vector<16xi32>
      %parallel_loop3A_161 = arith.minsi %parallel_loop3A_157, %parallel_loop3A_160 : vector<16xi32>
      %parallel_loop3A_162 = arith.cmpi eq, %add3A_16, %parallel_loop3A_161 : vector<16xi32>
      %parallel_loop3A_163 = arith.select %parallel_loop3A_162, %broadcast_in_dim3A_26, %parallel_loop3A_105 : vector<16xi1>, vector<16xf32>
      %parallel_loop3A_164 = arith.select %parallel_loop3A_162, %broadcast_in_dim3A_30, %parallel_loop3A_106 : vector<16xi1>, vector<16xf32>
      %parallel_loop3A_165 = arith.cmpi eq, %add3A_19, %parallel_loop3A_161 : vector<16xi32>
      %parallel_loop3A_166 = arith.select %parallel_loop3A_165, %broadcast_in_dim3A_26, %parallel_loop3A_108 : vector<16xi1>, vector<16xf32>
      %parallel_loop3A_167 = arith.select %parallel_loop3A_165, %broadcast_in_dim3A_30, %parallel_loop3A_109 : vector<16xi1>, vector<16xf32>
      %parallel_loop3A_168 = arith.cmpi eq, %add3A_22, %parallel_loop3A_161 : vector<16xi32>
      %parallel_loop3A_169 = arith.select %parallel_loop3A_168, %broadcast_in_dim3A_26, %parallel_loop3A_111 : vector<16xi1>, vector<16xf32>
      %parallel_loop3A_170 = arith.select %parallel_loop3A_168, %broadcast_in_dim3A_30, %parallel_loop3A_112 : vector<16xi1>, vector<16xf32>
      %parallel_loop3A_171 = arith.cmpi eq, %add3A_25, %parallel_loop3A_161 : vector<16xi32>
      %parallel_loop3A_172 = arith.select %parallel_loop3A_171, %broadcast_in_dim3A_26, %parallel_loop3A_114 : vector<16xi1>, vector<16xf32>
      %parallel_loop3A_173 = arith.select %parallel_loop3A_171, %broadcast_in_dim3A_30, %parallel_loop3A_115 : vector<16xi1>, vector<16xf32>
      %parallel_loop3A_174 = arith.maximumf %parallel_loop3A_163, %parallel_loop3A_166 : vector<16xf32>
      %parallel_loop3A_175 = arith.maximumf %parallel_loop3A_169, %parallel_loop3A_172 : vector<16xf32>
      %parallel_loop3A_176 = arith.maximumf %parallel_loop3A_174, %parallel_loop3A_175 : vector<16xf32>
      %parallel_loop3A_177 = vector.shape_cast %xor3A_4 : vector<16xi32> to vector<16x1xi32>
      %parallel_loop3A_178 = vector.shape_cast %parallel_loop3A_177 : vector<16x1xi32> to vector<16xi32>
      %parallel_loop3A_179 = tpu.dynamic_gather %parallel_loop3A_176[%parallel_loop3A_178] in [0] : vector<16xf32>, vector<16xi32> -> vector<16xf32>
      %parallel_loop3A_180 = arith.maximumf %parallel_loop3A_176, %parallel_loop3A_179 : vector<16xf32>
      %parallel_loop3A_181 = vector.shape_cast %xor3A_7 : vector<16xi32> to vector<16x1xi32>
      %parallel_loop3A_182 = vector.shape_cast %parallel_loop3A_181 : vector<16x1xi32> to vector<16xi32>
      %parallel_loop3A_183 = tpu.dynamic_gather %parallel_loop3A_180[%parallel_loop3A_182] in [0] : vector<16xf32>, vector<16xi32> -> vector<16xf32>
      %parallel_loop3A_184 = arith.maximumf %parallel_loop3A_180, %parallel_loop3A_183 : vector<16xf32>
      %parallel_loop3A_185 = vector.shape_cast %xor3A_10 : vector<16xi32> to vector<16x1xi32>
      %parallel_loop3A_186 = vector.shape_cast %parallel_loop3A_185 : vector<16x1xi32> to vector<16xi32>
      %parallel_loop3A_187 = tpu.dynamic_gather %parallel_loop3A_184[%parallel_loop3A_186] in [0] : vector<16xf32>, vector<16xi32> -> vector<16xf32>
      %parallel_loop3A_188 = arith.maximumf %parallel_loop3A_184, %parallel_loop3A_187 : vector<16xf32>
      %parallel_loop3A_189 = vector.shape_cast %xor3A_13 : vector<16xi32> to vector<16x1xi32>
      %parallel_loop3A_190 = vector.shape_cast %parallel_loop3A_189 : vector<16x1xi32> to vector<16xi32>
      %parallel_loop3A_191 = tpu.dynamic_gather %parallel_loop3A_188[%parallel_loop3A_190] in [0] : vector<16xf32>, vector<16xi32> -> vector<16xf32>
      %parallel_loop3A_192 = arith.maximumf %parallel_loop3A_188, %parallel_loop3A_191 : vector<16xf32>
      %parallel_loop3A_193 = arith.cmpf oeq, %parallel_loop3A_163, %parallel_loop3A_192 : vector<16xf32>
      %parallel_loop3A_194 = arith.select %parallel_loop3A_193, %add3A_16, %broadcast_in_dim3A_28 : vector<16xi1>, vector<16xi32>
      %parallel_loop3A_195 = arith.cmpf oeq, %parallel_loop3A_166, %parallel_loop3A_192 : vector<16xf32>
      %parallel_loop3A_196 = arith.select %parallel_loop3A_195, %add3A_19, %broadcast_in_dim3A_28 : vector<16xi1>, vector<16xi32>
      %parallel_loop3A_197 = arith.cmpf oeq, %parallel_loop3A_169, %parallel_loop3A_192 : vector<16xf32>
      %parallel_loop3A_198 = arith.select %parallel_loop3A_197, %add3A_22, %broadcast_in_dim3A_28 : vector<16xi1>, vector<16xi32>
      %parallel_loop3A_199 = arith.cmpf oeq, %parallel_loop3A_172, %parallel_loop3A_192 : vector<16xf32>
      %parallel_loop3A_200 = arith.select %parallel_loop3A_199, %add3A_25, %broadcast_in_dim3A_28 : vector<16xi1>, vector<16xi32>
      %parallel_loop3A_201 = arith.minsi %parallel_loop3A_194, %parallel_loop3A_196 : vector<16xi32>
      %parallel_loop3A_202 = arith.minsi %parallel_loop3A_198, %parallel_loop3A_200 : vector<16xi32>
      %parallel_loop3A_203 = arith.minsi %parallel_loop3A_201, %parallel_loop3A_202 : vector<16xi32>
      %parallel_loop3A_204 = vector.shape_cast %xor3A_4 : vector<16xi32> to vector<16x1xi32>
      %parallel_loop3A_205 = vector.shape_cast %parallel_loop3A_204 : vector<16x1xi32> to vector<16xi32>
      %parallel_loop3A_206 = tpu.dynamic_gather %parallel_loop3A_203[%parallel_loop3A_205] in [0] : vector<16xi32>, vector<16xi32> -> vector<16xi32>
      %parallel_loop3A_207 = arith.minsi %parallel_loop3A_203, %parallel_loop3A_206 : vector<16xi32>
      %parallel_loop3A_208 = vector.shape_cast %xor3A_7 : vector<16xi32> to vector<16x1xi32>
      %parallel_loop3A_209 = vector.shape_cast %parallel_loop3A_208 : vector<16x1xi32> to vector<16xi32>
      %parallel_loop3A_210 = tpu.dynamic_gather %parallel_loop3A_207[%parallel_loop3A_209] in [0] : vector<16xi32>, vector<16xi32> -> vector<16xi32>
      %parallel_loop3A_211 = arith.minsi %parallel_loop3A_207, %parallel_loop3A_210 : vector<16xi32>
      %parallel_loop3A_212 = vector.shape_cast %xor3A_10 : vector<16xi32> to vector<16x1xi32>
      %parallel_loop3A_213 = vector.shape_cast %parallel_loop3A_212 : vector<16x1xi32> to vector<16xi32>
      %parallel_loop3A_214 = tpu.dynamic_gather %parallel_loop3A_211[%parallel_loop3A_213] in [0] : vector<16xi32>, vector<16xi32> -> vector<16xi32>
      %parallel_loop3A_215 = arith.minsi %parallel_loop3A_211, %parallel_loop3A_214 : vector<16xi32>
      %parallel_loop3A_216 = vector.shape_cast %xor3A_13 : vector<16xi32> to vector<16x1xi32>
      %parallel_loop3A_217 = vector.shape_cast %parallel_loop3A_216 : vector<16x1xi32> to vector<16xi32>
      %parallel_loop3A_218 = tpu.dynamic_gather %parallel_loop3A_215[%parallel_loop3A_217] in [0] : vector<16xi32>, vector<16xi32> -> vector<16xi32>
      %parallel_loop3A_219 = arith.minsi %parallel_loop3A_215, %parallel_loop3A_218 : vector<16xi32>
      %parallel_loop3A_220 = arith.cmpi eq, %add3A_16, %parallel_loop3A_219 : vector<16xi32>
      %parallel_loop3A_221 = arith.select %parallel_loop3A_220, %broadcast_in_dim3A_26, %parallel_loop3A_163 : vector<16xi1>, vector<16xf32>
      %parallel_loop3A_222 = arith.select %parallel_loop3A_220, %broadcast_in_dim3A_30, %parallel_loop3A_164 : vector<16xi1>, vector<16xf32>
      %parallel_loop3A_223 = arith.cmpi eq, %add3A_19, %parallel_loop3A_219 : vector<16xi32>
      %parallel_loop3A_224 = arith.select %parallel_loop3A_223, %broadcast_in_dim3A_26, %parallel_loop3A_166 : vector<16xi1>, vector<16xf32>
      %parallel_loop3A_225 = arith.select %parallel_loop3A_223, %broadcast_in_dim3A_30, %parallel_loop3A_167 : vector<16xi1>, vector<16xf32>
      %parallel_loop3A_226 = arith.cmpi eq, %add3A_22, %parallel_loop3A_219 : vector<16xi32>
      %parallel_loop3A_227 = arith.select %parallel_loop3A_226, %broadcast_in_dim3A_26, %parallel_loop3A_169 : vector<16xi1>, vector<16xf32>
      %parallel_loop3A_228 = arith.select %parallel_loop3A_226, %broadcast_in_dim3A_30, %parallel_loop3A_170 : vector<16xi1>, vector<16xf32>
      %parallel_loop3A_229 = arith.cmpi eq, %add3A_25, %parallel_loop3A_219 : vector<16xi32>
      %parallel_loop3A_230 = arith.select %parallel_loop3A_229, %broadcast_in_dim3A_26, %parallel_loop3A_172 : vector<16xi1>, vector<16xf32>
      %parallel_loop3A_231 = arith.select %parallel_loop3A_229, %broadcast_in_dim3A_30, %parallel_loop3A_173 : vector<16xi1>, vector<16xf32>
      %parallel_loop3A_232 = arith.maximumf %parallel_loop3A_221, %parallel_loop3A_224 : vector<16xf32>
      %parallel_loop3A_233 = arith.maximumf %parallel_loop3A_227, %parallel_loop3A_230 : vector<16xf32>
      %parallel_loop3A_234 = arith.maximumf %parallel_loop3A_232, %parallel_loop3A_233 : vector<16xf32>
      %parallel_loop3A_235 = vector.shape_cast %xor3A_4 : vector<16xi32> to vector<16x1xi32>
      %parallel_loop3A_236 = vector.shape_cast %parallel_loop3A_235 : vector<16x1xi32> to vector<16xi32>
      %parallel_loop3A_237 = tpu.dynamic_gather %parallel_loop3A_234[%parallel_loop3A_236] in [0] : vector<16xf32>, vector<16xi32> -> vector<16xf32>
      %parallel_loop3A_238 = arith.maximumf %parallel_loop3A_234, %parallel_loop3A_237 : vector<16xf32>
      %parallel_loop3A_239 = vector.shape_cast %xor3A_7 : vector<16xi32> to vector<16x1xi32>
      %parallel_loop3A_240 = vector.shape_cast %parallel_loop3A_239 : vector<16x1xi32> to vector<16xi32>
      %parallel_loop3A_241 = tpu.dynamic_gather %parallel_loop3A_238[%parallel_loop3A_240] in [0] : vector<16xf32>, vector<16xi32> -> vector<16xf32>
      %parallel_loop3A_242 = arith.maximumf %parallel_loop3A_238, %parallel_loop3A_241 : vector<16xf32>
      %parallel_loop3A_243 = vector.shape_cast %xor3A_10 : vector<16xi32> to vector<16x1xi32>
      %parallel_loop3A_244 = vector.shape_cast %parallel_loop3A_243 : vector<16x1xi32> to vector<16xi32>
      %parallel_loop3A_245 = tpu.dynamic_gather %parallel_loop3A_242[%parallel_loop3A_244] in [0] : vector<16xf32>, vector<16xi32> -> vector<16xf32>
      %parallel_loop3A_246 = arith.maximumf %parallel_loop3A_242, %parallel_loop3A_245 : vector<16xf32>
      %parallel_loop3A_247 = vector.shape_cast %xor3A_13 : vector<16xi32> to vector<16x1xi32>
      %parallel_loop3A_248 = vector.shape_cast %parallel_loop3A_247 : vector<16x1xi32> to vector<16xi32>
      %parallel_loop3A_249 = tpu.dynamic_gather %parallel_loop3A_246[%parallel_loop3A_248] in [0] : vector<16xf32>, vector<16xi32> -> vector<16xf32>
      %parallel_loop3A_250 = arith.maximumf %parallel_loop3A_246, %parallel_loop3A_249 : vector<16xf32>
      %parallel_loop3A_251 = arith.cmpf oeq, %parallel_loop3A_221, %parallel_loop3A_250 : vector<16xf32>
      %parallel_loop3A_252 = arith.select %parallel_loop3A_251, %add3A_16, %broadcast_in_dim3A_28 : vector<16xi1>, vector<16xi32>
      %parallel_loop3A_253 = arith.cmpf oeq, %parallel_loop3A_224, %parallel_loop3A_250 : vector<16xf32>
      %parallel_loop3A_254 = arith.select %parallel_loop3A_253, %add3A_19, %broadcast_in_dim3A_28 : vector<16xi1>, vector<16xi32>
      %parallel_loop3A_255 = arith.cmpf oeq, %parallel_loop3A_227, %parallel_loop3A_250 : vector<16xf32>
      %parallel_loop3A_256 = arith.select %parallel_loop3A_255, %add3A_22, %broadcast_in_dim3A_28 : vector<16xi1>, vector<16xi32>
      %parallel_loop3A_257 = arith.cmpf oeq, %parallel_loop3A_230, %parallel_loop3A_250 : vector<16xf32>
      %parallel_loop3A_258 = arith.select %parallel_loop3A_257, %add3A_25, %broadcast_in_dim3A_28 : vector<16xi1>, vector<16xi32>
      %parallel_loop3A_259 = arith.minsi %parallel_loop3A_252, %parallel_loop3A_254 : vector<16xi32>
      %parallel_loop3A_260 = arith.minsi %parallel_loop3A_256, %parallel_loop3A_258 : vector<16xi32>
      %parallel_loop3A_261 = arith.minsi %parallel_loop3A_259, %parallel_loop3A_260 : vector<16xi32>
      %parallel_loop3A_262 = vector.shape_cast %xor3A_4 : vector<16xi32> to vector<16x1xi32>
      %parallel_loop3A_263 = vector.shape_cast %parallel_loop3A_262 : vector<16x1xi32> to vector<16xi32>
      %parallel_loop3A_264 = tpu.dynamic_gather %parallel_loop3A_261[%parallel_loop3A_263] in [0] : vector<16xi32>, vector<16xi32> -> vector<16xi32>
      %parallel_loop3A_265 = arith.minsi %parallel_loop3A_261, %parallel_loop3A_264 : vector<16xi32>
      %parallel_loop3A_266 = vector.shape_cast %xor3A_7 : vector<16xi32> to vector<16x1xi32>
      %parallel_loop3A_267 = vector.shape_cast %parallel_loop3A_266 : vector<16x1xi32> to vector<16xi32>
      %parallel_loop3A_268 = tpu.dynamic_gather %parallel_loop3A_265[%parallel_loop3A_267] in [0] : vector<16xi32>, vector<16xi32> -> vector<16xi32>
      %parallel_loop3A_269 = arith.minsi %parallel_loop3A_265, %parallel_loop3A_268 : vector<16xi32>
      %parallel_loop3A_270 = vector.shape_cast %xor3A_10 : vector<16xi32> to vector<16x1xi32>
      %parallel_loop3A_271 = vector.shape_cast %parallel_loop3A_270 : vector<16x1xi32> to vector<16xi32>
      %parallel_loop3A_272 = tpu.dynamic_gather %parallel_loop3A_269[%parallel_loop3A_271] in [0] : vector<16xi32>, vector<16xi32> -> vector<16xi32>
      %parallel_loop3A_273 = arith.minsi %parallel_loop3A_269, %parallel_loop3A_272 : vector<16xi32>
      %parallel_loop3A_274 = vector.shape_cast %xor3A_13 : vector<16xi32> to vector<16x1xi32>
      %parallel_loop3A_275 = vector.shape_cast %parallel_loop3A_274 : vector<16x1xi32> to vector<16xi32>
      %parallel_loop3A_276 = tpu.dynamic_gather %parallel_loop3A_273[%parallel_loop3A_275] in [0] : vector<16xi32>, vector<16xi32> -> vector<16xi32>
      %parallel_loop3A_277 = arith.minsi %parallel_loop3A_273, %parallel_loop3A_276 : vector<16xi32>
      %parallel_loop3A_278 = arith.cmpi eq, %add3A_16, %parallel_loop3A_277 : vector<16xi32>
      %parallel_loop3A_279 = arith.select %parallel_loop3A_278, %broadcast_in_dim3A_26, %parallel_loop3A_221 : vector<16xi1>, vector<16xf32>
      %parallel_loop3A_280 = arith.select %parallel_loop3A_278, %broadcast_in_dim3A_30, %parallel_loop3A_222 : vector<16xi1>, vector<16xf32>
      %parallel_loop3A_281 = arith.cmpi eq, %add3A_19, %parallel_loop3A_277 : vector<16xi32>
      %parallel_loop3A_282 = arith.select %parallel_loop3A_281, %broadcast_in_dim3A_26, %parallel_loop3A_224 : vector<16xi1>, vector<16xf32>
      %parallel_loop3A_283 = arith.select %parallel_loop3A_281, %broadcast_in_dim3A_30, %parallel_loop3A_225 : vector<16xi1>, vector<16xf32>
      %parallel_loop3A_284 = arith.cmpi eq, %add3A_22, %parallel_loop3A_277 : vector<16xi32>
      %parallel_loop3A_285 = arith.select %parallel_loop3A_284, %broadcast_in_dim3A_26, %parallel_loop3A_227 : vector<16xi1>, vector<16xf32>
      %parallel_loop3A_286 = arith.select %parallel_loop3A_284, %broadcast_in_dim3A_30, %parallel_loop3A_228 : vector<16xi1>, vector<16xf32>
      %parallel_loop3A_287 = arith.cmpi eq, %add3A_25, %parallel_loop3A_277 : vector<16xi32>
      %parallel_loop3A_288 = arith.select %parallel_loop3A_287, %broadcast_in_dim3A_26, %parallel_loop3A_230 : vector<16xi1>, vector<16xf32>
      %parallel_loop3A_289 = arith.select %parallel_loop3A_287, %broadcast_in_dim3A_30, %parallel_loop3A_231 : vector<16xi1>, vector<16xf32>
      %parallel_loop3A_290 = arith.maximumf %parallel_loop3A_279, %parallel_loop3A_282 : vector<16xf32>
      %parallel_loop3A_291 = arith.maximumf %parallel_loop3A_285, %parallel_loop3A_288 : vector<16xf32>
      %parallel_loop3A_292 = arith.maximumf %parallel_loop3A_290, %parallel_loop3A_291 : vector<16xf32>
      %parallel_loop3A_293 = vector.shape_cast %xor3A_4 : vector<16xi32> to vector<16x1xi32>
      %parallel_loop3A_294 = vector.shape_cast %parallel_loop3A_293 : vector<16x1xi32> to vector<16xi32>
      %parallel_loop3A_295 = tpu.dynamic_gather %parallel_loop3A_292[%parallel_loop3A_294] in [0] : vector<16xf32>, vector<16xi32> -> vector<16xf32>
      %parallel_loop3A_296 = arith.maximumf %parallel_loop3A_292, %parallel_loop3A_295 : vector<16xf32>
      %parallel_loop3A_297 = vector.shape_cast %xor3A_7 : vector<16xi32> to vector<16x1xi32>
      %parallel_loop3A_298 = vector.shape_cast %parallel_loop3A_297 : vector<16x1xi32> to vector<16xi32>
      %parallel_loop3A_299 = tpu.dynamic_gather %parallel_loop3A_296[%parallel_loop3A_298] in [0] : vector<16xf32>, vector<16xi32> -> vector<16xf32>
      %parallel_loop3A_300 = arith.maximumf %parallel_loop3A_296, %parallel_loop3A_299 : vector<16xf32>
      %parallel_loop3A_301 = vector.shape_cast %xor3A_10 : vector<16xi32> to vector<16x1xi32>
      %parallel_loop3A_302 = vector.shape_cast %parallel_loop3A_301 : vector<16x1xi32> to vector<16xi32>
      %parallel_loop3A_303 = tpu.dynamic_gather %parallel_loop3A_300[%parallel_loop3A_302] in [0] : vector<16xf32>, vector<16xi32> -> vector<16xf32>
      %parallel_loop3A_304 = arith.maximumf %parallel_loop3A_300, %parallel_loop3A_303 : vector<16xf32>
      %parallel_loop3A_305 = vector.shape_cast %xor3A_13 : vector<16xi32> to vector<16x1xi32>
      %parallel_loop3A_306 = vector.shape_cast %parallel_loop3A_305 : vector<16x1xi32> to vector<16xi32>
      %parallel_loop3A_307 = tpu.dynamic_gather %parallel_loop3A_304[%parallel_loop3A_306] in [0] : vector<16xf32>, vector<16xi32> -> vector<16xf32>
      %parallel_loop3A_308 = arith.maximumf %parallel_loop3A_304, %parallel_loop3A_307 : vector<16xf32>
      %parallel_loop3A_309 = arith.cmpf oeq, %parallel_loop3A_279, %parallel_loop3A_308 : vector<16xf32>
      %parallel_loop3A_310 = arith.select %parallel_loop3A_309, %add3A_16, %broadcast_in_dim3A_28 : vector<16xi1>, vector<16xi32>
      %parallel_loop3A_311 = arith.cmpf oeq, %parallel_loop3A_282, %parallel_loop3A_308 : vector<16xf32>
      %parallel_loop3A_312 = arith.select %parallel_loop3A_311, %add3A_19, %broadcast_in_dim3A_28 : vector<16xi1>, vector<16xi32>
      %parallel_loop3A_313 = arith.cmpf oeq, %parallel_loop3A_285, %parallel_loop3A_308 : vector<16xf32>
      %parallel_loop3A_314 = arith.select %parallel_loop3A_313, %add3A_22, %broadcast_in_dim3A_28 : vector<16xi1>, vector<16xi32>
      %parallel_loop3A_315 = arith.cmpf oeq, %parallel_loop3A_288, %parallel_loop3A_308 : vector<16xf32>
      %parallel_loop3A_316 = arith.select %parallel_loop3A_315, %add3A_25, %broadcast_in_dim3A_28 : vector<16xi1>, vector<16xi32>
      %parallel_loop3A_317 = arith.minsi %parallel_loop3A_310, %parallel_loop3A_312 : vector<16xi32>
      %parallel_loop3A_318 = arith.minsi %parallel_loop3A_314, %parallel_loop3A_316 : vector<16xi32>
      %parallel_loop3A_319 = arith.minsi %parallel_loop3A_317, %parallel_loop3A_318 : vector<16xi32>
      %parallel_loop3A_320 = vector.shape_cast %xor3A_4 : vector<16xi32> to vector<16x1xi32>
      %parallel_loop3A_321 = vector.shape_cast %parallel_loop3A_320 : vector<16x1xi32> to vector<16xi32>
      %parallel_loop3A_322 = tpu.dynamic_gather %parallel_loop3A_319[%parallel_loop3A_321] in [0] : vector<16xi32>, vector<16xi32> -> vector<16xi32>
      %parallel_loop3A_323 = arith.minsi %parallel_loop3A_319, %parallel_loop3A_322 : vector<16xi32>
      %parallel_loop3A_324 = vector.shape_cast %xor3A_7 : vector<16xi32> to vector<16x1xi32>
      %parallel_loop3A_325 = vector.shape_cast %parallel_loop3A_324 : vector<16x1xi32> to vector<16xi32>
      %parallel_loop3A_326 = tpu.dynamic_gather %parallel_loop3A_323[%parallel_loop3A_325] in [0] : vector<16xi32>, vector<16xi32> -> vector<16xi32>
      %parallel_loop3A_327 = arith.minsi %parallel_loop3A_323, %parallel_loop3A_326 : vector<16xi32>
      %parallel_loop3A_328 = vector.shape_cast %xor3A_10 : vector<16xi32> to vector<16x1xi32>
      %parallel_loop3A_329 = vector.shape_cast %parallel_loop3A_328 : vector<16x1xi32> to vector<16xi32>
      %parallel_loop3A_330 = tpu.dynamic_gather %parallel_loop3A_327[%parallel_loop3A_329] in [0] : vector<16xi32>, vector<16xi32> -> vector<16xi32>
      %parallel_loop3A_331 = arith.minsi %parallel_loop3A_327, %parallel_loop3A_330 : vector<16xi32>
      %parallel_loop3A_332 = vector.shape_cast %xor3A_13 : vector<16xi32> to vector<16x1xi32>
      %parallel_loop3A_333 = vector.shape_cast %parallel_loop3A_332 : vector<16x1xi32> to vector<16xi32>
      %parallel_loop3A_334 = tpu.dynamic_gather %parallel_loop3A_331[%parallel_loop3A_333] in [0] : vector<16xi32>, vector<16xi32> -> vector<16xi32>
      %parallel_loop3A_335 = arith.minsi %parallel_loop3A_331, %parallel_loop3A_334 : vector<16xi32>
      %parallel_loop3A_336 = arith.cmpi eq, %add3A_16, %parallel_loop3A_335 : vector<16xi32>
      %parallel_loop3A_337 = arith.select %parallel_loop3A_336, %broadcast_in_dim3A_26, %parallel_loop3A_279 : vector<16xi1>, vector<16xf32>
      %parallel_loop3A_338 = arith.select %parallel_loop3A_336, %broadcast_in_dim3A_30, %parallel_loop3A_280 : vector<16xi1>, vector<16xf32>
      %parallel_loop3A_339 = arith.cmpi eq, %add3A_19, %parallel_loop3A_335 : vector<16xi32>
      %parallel_loop3A_340 = arith.select %parallel_loop3A_339, %broadcast_in_dim3A_26, %parallel_loop3A_282 : vector<16xi1>, vector<16xf32>
      %parallel_loop3A_341 = arith.select %parallel_loop3A_339, %broadcast_in_dim3A_30, %parallel_loop3A_283 : vector<16xi1>, vector<16xf32>
      %parallel_loop3A_342 = arith.cmpi eq, %add3A_22, %parallel_loop3A_335 : vector<16xi32>
      %parallel_loop3A_343 = arith.select %parallel_loop3A_342, %broadcast_in_dim3A_26, %parallel_loop3A_285 : vector<16xi1>, vector<16xf32>
      %parallel_loop3A_344 = arith.select %parallel_loop3A_342, %broadcast_in_dim3A_30, %parallel_loop3A_286 : vector<16xi1>, vector<16xf32>
      %parallel_loop3A_345 = arith.cmpi eq, %add3A_25, %parallel_loop3A_335 : vector<16xi32>
      %parallel_loop3A_346 = arith.select %parallel_loop3A_345, %broadcast_in_dim3A_26, %parallel_loop3A_288 : vector<16xi1>, vector<16xf32>
      %parallel_loop3A_347 = arith.select %parallel_loop3A_345, %broadcast_in_dim3A_30, %parallel_loop3A_289 : vector<16xi1>, vector<16xf32>
      %parallel_loop3A_348 = arith.maximumf %parallel_loop3A_337, %parallel_loop3A_340 : vector<16xf32>
      %parallel_loop3A_349 = arith.maximumf %parallel_loop3A_343, %parallel_loop3A_346 : vector<16xf32>
      %parallel_loop3A_350 = arith.maximumf %parallel_loop3A_348, %parallel_loop3A_349 : vector<16xf32>
      %parallel_loop3A_351 = vector.shape_cast %xor3A_4 : vector<16xi32> to vector<16x1xi32>
      %parallel_loop3A_352 = vector.shape_cast %parallel_loop3A_351 : vector<16x1xi32> to vector<16xi32>
      %parallel_loop3A_353 = tpu.dynamic_gather %parallel_loop3A_350[%parallel_loop3A_352] in [0] : vector<16xf32>, vector<16xi32> -> vector<16xf32>
      %parallel_loop3A_354 = arith.maximumf %parallel_loop3A_350, %parallel_loop3A_353 : vector<16xf32>
      %parallel_loop3A_355 = vector.shape_cast %xor3A_7 : vector<16xi32> to vector<16x1xi32>
      %parallel_loop3A_356 = vector.shape_cast %parallel_loop3A_355 : vector<16x1xi32> to vector<16xi32>
      %parallel_loop3A_357 = tpu.dynamic_gather %parallel_loop3A_354[%parallel_loop3A_356] in [0] : vector<16xf32>, vector<16xi32> -> vector<16xf32>
      %parallel_loop3A_358 = arith.maximumf %parallel_loop3A_354, %parallel_loop3A_357 : vector<16xf32>
      %parallel_loop3A_359 = vector.shape_cast %xor3A_10 : vector<16xi32> to vector<16x1xi32>
      %parallel_loop3A_360 = vector.shape_cast %parallel_loop3A_359 : vector<16x1xi32> to vector<16xi32>
      %parallel_loop3A_361 = tpu.dynamic_gather %parallel_loop3A_358[%parallel_loop3A_360] in [0] : vector<16xf32>, vector<16xi32> -> vector<16xf32>
      %parallel_loop3A_362 = arith.maximumf %parallel_loop3A_358, %parallel_loop3A_361 : vector<16xf32>
      %parallel_loop3A_363 = vector.shape_cast %xor3A_13 : vector<16xi32> to vector<16x1xi32>
      %parallel_loop3A_364 = vector.shape_cast %parallel_loop3A_363 : vector<16x1xi32> to vector<16xi32>
      %parallel_loop3A_365 = tpu.dynamic_gather %parallel_loop3A_362[%parallel_loop3A_364] in [0] : vector<16xf32>, vector<16xi32> -> vector<16xf32>
      %parallel_loop3A_366 = arith.maximumf %parallel_loop3A_362, %parallel_loop3A_365 : vector<16xf32>
      %parallel_loop3A_367 = arith.cmpf oeq, %parallel_loop3A_337, %parallel_loop3A_366 : vector<16xf32>
      %parallel_loop3A_368 = arith.select %parallel_loop3A_367, %add3A_16, %broadcast_in_dim3A_28 : vector<16xi1>, vector<16xi32>
      %parallel_loop3A_369 = arith.cmpf oeq, %parallel_loop3A_340, %parallel_loop3A_366 : vector<16xf32>
      %parallel_loop3A_370 = arith.select %parallel_loop3A_369, %add3A_19, %broadcast_in_dim3A_28 : vector<16xi1>, vector<16xi32>
      %parallel_loop3A_371 = arith.cmpf oeq, %parallel_loop3A_343, %parallel_loop3A_366 : vector<16xf32>
      %parallel_loop3A_372 = arith.select %parallel_loop3A_371, %add3A_22, %broadcast_in_dim3A_28 : vector<16xi1>, vector<16xi32>
      %parallel_loop3A_373 = arith.cmpf oeq, %parallel_loop3A_346, %parallel_loop3A_366 : vector<16xf32>
      %parallel_loop3A_374 = arith.select %parallel_loop3A_373, %add3A_25, %broadcast_in_dim3A_28 : vector<16xi1>, vector<16xi32>
      %parallel_loop3A_375 = arith.minsi %parallel_loop3A_368, %parallel_loop3A_370 : vector<16xi32>
      %parallel_loop3A_376 = arith.minsi %parallel_loop3A_372, %parallel_loop3A_374 : vector<16xi32>
      %parallel_loop3A_377 = arith.minsi %parallel_loop3A_375, %parallel_loop3A_376 : vector<16xi32>
      %parallel_loop3A_378 = vector.shape_cast %xor3A_4 : vector<16xi32> to vector<16x1xi32>
      %parallel_loop3A_379 = vector.shape_cast %parallel_loop3A_378 : vector<16x1xi32> to vector<16xi32>
      %parallel_loop3A_380 = tpu.dynamic_gather %parallel_loop3A_377[%parallel_loop3A_379] in [0] : vector<16xi32>, vector<16xi32> -> vector<16xi32>
      %parallel_loop3A_381 = arith.minsi %parallel_loop3A_377, %parallel_loop3A_380 : vector<16xi32>
      %parallel_loop3A_382 = vector.shape_cast %xor3A_7 : vector<16xi32> to vector<16x1xi32>
      %parallel_loop3A_383 = vector.shape_cast %parallel_loop3A_382 : vector<16x1xi32> to vector<16xi32>
      %parallel_loop3A_384 = tpu.dynamic_gather %parallel_loop3A_381[%parallel_loop3A_383] in [0] : vector<16xi32>, vector<16xi32> -> vector<16xi32>
      %parallel_loop3A_385 = arith.minsi %parallel_loop3A_381, %parallel_loop3A_384 : vector<16xi32>
      %parallel_loop3A_386 = vector.shape_cast %xor3A_10 : vector<16xi32> to vector<16x1xi32>
      %parallel_loop3A_387 = vector.shape_cast %parallel_loop3A_386 : vector<16x1xi32> to vector<16xi32>
      %parallel_loop3A_388 = tpu.dynamic_gather %parallel_loop3A_385[%parallel_loop3A_387] in [0] : vector<16xi32>, vector<16xi32> -> vector<16xi32>
      %parallel_loop3A_389 = arith.minsi %parallel_loop3A_385, %parallel_loop3A_388 : vector<16xi32>
      %parallel_loop3A_390 = vector.shape_cast %xor3A_13 : vector<16xi32> to vector<16x1xi32>
      %parallel_loop3A_391 = vector.shape_cast %parallel_loop3A_390 : vector<16x1xi32> to vector<16xi32>
      %parallel_loop3A_392 = tpu.dynamic_gather %parallel_loop3A_389[%parallel_loop3A_391] in [0] : vector<16xi32>, vector<16xi32> -> vector<16xi32>
      %parallel_loop3A_393 = arith.minsi %parallel_loop3A_389, %parallel_loop3A_392 : vector<16xi32>
      %parallel_loop3A_394 = arith.cmpi eq, %add3A_16, %parallel_loop3A_393 : vector<16xi32>
      %parallel_loop3A_395 = arith.select %parallel_loop3A_394, %broadcast_in_dim3A_26, %parallel_loop3A_337 : vector<16xi1>, vector<16xf32>
      %parallel_loop3A_396 = arith.select %parallel_loop3A_394, %broadcast_in_dim3A_30, %parallel_loop3A_338 : vector<16xi1>, vector<16xf32>
      %parallel_loop3A_397 = arith.cmpi eq, %add3A_19, %parallel_loop3A_393 : vector<16xi32>
      %parallel_loop3A_398 = arith.select %parallel_loop3A_397, %broadcast_in_dim3A_26, %parallel_loop3A_340 : vector<16xi1>, vector<16xf32>
      %parallel_loop3A_399 = arith.select %parallel_loop3A_397, %broadcast_in_dim3A_30, %parallel_loop3A_341 : vector<16xi1>, vector<16xf32>
      %parallel_loop3A_400 = arith.cmpi eq, %add3A_22, %parallel_loop3A_393 : vector<16xi32>
      %parallel_loop3A_401 = arith.select %parallel_loop3A_400, %broadcast_in_dim3A_26, %parallel_loop3A_343 : vector<16xi1>, vector<16xf32>
      %parallel_loop3A_402 = arith.select %parallel_loop3A_400, %broadcast_in_dim3A_30, %parallel_loop3A_344 : vector<16xi1>, vector<16xf32>
      %parallel_loop3A_403 = arith.cmpi eq, %add3A_25, %parallel_loop3A_393 : vector<16xi32>
      %parallel_loop3A_404 = arith.select %parallel_loop3A_403, %broadcast_in_dim3A_26, %parallel_loop3A_346 : vector<16xi1>, vector<16xf32>
      %parallel_loop3A_405 = arith.select %parallel_loop3A_403, %broadcast_in_dim3A_30, %parallel_loop3A_347 : vector<16xi1>, vector<16xf32>
      %parallel_loop3A_406 = arith.maximumf %parallel_loop3A_395, %parallel_loop3A_398 : vector<16xf32>
      %parallel_loop3A_407 = arith.maximumf %parallel_loop3A_401, %parallel_loop3A_404 : vector<16xf32>
      %parallel_loop3A_408 = arith.maximumf %parallel_loop3A_406, %parallel_loop3A_407 : vector<16xf32>
      %parallel_loop3A_409 = vector.shape_cast %xor3A_4 : vector<16xi32> to vector<16x1xi32>
      %parallel_loop3A_410 = vector.shape_cast %parallel_loop3A_409 : vector<16x1xi32> to vector<16xi32>
      %parallel_loop3A_411 = tpu.dynamic_gather %parallel_loop3A_408[%parallel_loop3A_410] in [0] : vector<16xf32>, vector<16xi32> -> vector<16xf32>
      %parallel_loop3A_412 = arith.maximumf %parallel_loop3A_408, %parallel_loop3A_411 : vector<16xf32>
      %parallel_loop3A_413 = vector.shape_cast %xor3A_7 : vector<16xi32> to vector<16x1xi32>
      %parallel_loop3A_414 = vector.shape_cast %parallel_loop3A_413 : vector<16x1xi32> to vector<16xi32>
      %parallel_loop3A_415 = tpu.dynamic_gather %parallel_loop3A_412[%parallel_loop3A_414] in [0] : vector<16xf32>, vector<16xi32> -> vector<16xf32>
      %parallel_loop3A_416 = arith.maximumf %parallel_loop3A_412, %parallel_loop3A_415 : vector<16xf32>
      %parallel_loop3A_417 = vector.shape_cast %xor3A_10 : vector<16xi32> to vector<16x1xi32>
      %parallel_loop3A_418 = vector.shape_cast %parallel_loop3A_417 : vector<16x1xi32> to vector<16xi32>
      %parallel_loop3A_419 = tpu.dynamic_gather %parallel_loop3A_416[%parallel_loop3A_418] in [0] : vector<16xf32>, vector<16xi32> -> vector<16xf32>
      %parallel_loop3A_420 = arith.maximumf %parallel_loop3A_416, %parallel_loop3A_419 : vector<16xf32>
      %parallel_loop3A_421 = vector.shape_cast %xor3A_13 : vector<16xi32> to vector<16x1xi32>
      %parallel_loop3A_422 = vector.shape_cast %parallel_loop3A_421 : vector<16x1xi32> to vector<16xi32>
      %parallel_loop3A_423 = tpu.dynamic_gather %parallel_loop3A_420[%parallel_loop3A_422] in [0] : vector<16xf32>, vector<16xi32> -> vector<16xf32>
      %parallel_loop3A_424 = arith.maximumf %parallel_loop3A_420, %parallel_loop3A_423 : vector<16xf32>
      %parallel_loop3A_425 = arith.cmpf oeq, %parallel_loop3A_395, %parallel_loop3A_424 : vector<16xf32>
      %parallel_loop3A_426 = arith.select %parallel_loop3A_425, %add3A_16, %broadcast_in_dim3A_28 : vector<16xi1>, vector<16xi32>
      %parallel_loop3A_427 = arith.cmpf oeq, %parallel_loop3A_398, %parallel_loop3A_424 : vector<16xf32>
      %parallel_loop3A_428 = arith.select %parallel_loop3A_427, %add3A_19, %broadcast_in_dim3A_28 : vector<16xi1>, vector<16xi32>
      %parallel_loop3A_429 = arith.cmpf oeq, %parallel_loop3A_401, %parallel_loop3A_424 : vector<16xf32>
      %parallel_loop3A_430 = arith.select %parallel_loop3A_429, %add3A_22, %broadcast_in_dim3A_28 : vector<16xi1>, vector<16xi32>
      %parallel_loop3A_431 = arith.cmpf oeq, %parallel_loop3A_404, %parallel_loop3A_424 : vector<16xf32>
      %parallel_loop3A_432 = arith.select %parallel_loop3A_431, %add3A_25, %broadcast_in_dim3A_28 : vector<16xi1>, vector<16xi32>
      %parallel_loop3A_433 = arith.minsi %parallel_loop3A_426, %parallel_loop3A_428 : vector<16xi32>
      %parallel_loop3A_434 = arith.minsi %parallel_loop3A_430, %parallel_loop3A_432 : vector<16xi32>
      %parallel_loop3A_435 = arith.minsi %parallel_loop3A_433, %parallel_loop3A_434 : vector<16xi32>
      %parallel_loop3A_436 = vector.shape_cast %xor3A_4 : vector<16xi32> to vector<16x1xi32>
      %parallel_loop3A_437 = vector.shape_cast %parallel_loop3A_436 : vector<16x1xi32> to vector<16xi32>
      %parallel_loop3A_438 = tpu.dynamic_gather %parallel_loop3A_435[%parallel_loop3A_437] in [0] : vector<16xi32>, vector<16xi32> -> vector<16xi32>
      %parallel_loop3A_439 = arith.minsi %parallel_loop3A_435, %parallel_loop3A_438 : vector<16xi32>
      %parallel_loop3A_440 = vector.shape_cast %xor3A_7 : vector<16xi32> to vector<16x1xi32>
      %parallel_loop3A_441 = vector.shape_cast %parallel_loop3A_440 : vector<16x1xi32> to vector<16xi32>
      %parallel_loop3A_442 = tpu.dynamic_gather %parallel_loop3A_439[%parallel_loop3A_441] in [0] : vector<16xi32>, vector<16xi32> -> vector<16xi32>
      %parallel_loop3A_443 = arith.minsi %parallel_loop3A_439, %parallel_loop3A_442 : vector<16xi32>
      %parallel_loop3A_444 = vector.shape_cast %xor3A_10 : vector<16xi32> to vector<16x1xi32>
      %parallel_loop3A_445 = vector.shape_cast %parallel_loop3A_444 : vector<16x1xi32> to vector<16xi32>
      %parallel_loop3A_446 = tpu.dynamic_gather %parallel_loop3A_443[%parallel_loop3A_445] in [0] : vector<16xi32>, vector<16xi32> -> vector<16xi32>
      %parallel_loop3A_447 = arith.minsi %parallel_loop3A_443, %parallel_loop3A_446 : vector<16xi32>
      %parallel_loop3A_448 = vector.shape_cast %xor3A_13 : vector<16xi32> to vector<16x1xi32>
      %parallel_loop3A_449 = vector.shape_cast %parallel_loop3A_448 : vector<16x1xi32> to vector<16xi32>
      %parallel_loop3A_450 = tpu.dynamic_gather %parallel_loop3A_447[%parallel_loop3A_449] in [0] : vector<16xi32>, vector<16xi32> -> vector<16xi32>
      %parallel_loop3A_451 = arith.minsi %parallel_loop3A_447, %parallel_loop3A_450 : vector<16xi32>
      %parallel_loop3A_452 = arith.cmpi eq, %add3A_16, %parallel_loop3A_451 : vector<16xi32>
      %parallel_loop3A_453 = arith.select %parallel_loop3A_452, %broadcast_in_dim3A_26, %parallel_loop3A_395 : vector<16xi1>, vector<16xf32>
      %parallel_loop3A_454 = arith.select %parallel_loop3A_452, %broadcast_in_dim3A_30, %parallel_loop3A_396 : vector<16xi1>, vector<16xf32>
      %parallel_loop3A_455 = arith.cmpi eq, %add3A_19, %parallel_loop3A_451 : vector<16xi32>
      %parallel_loop3A_456 = arith.select %parallel_loop3A_455, %broadcast_in_dim3A_26, %parallel_loop3A_398 : vector<16xi1>, vector<16xf32>
      %parallel_loop3A_457 = arith.select %parallel_loop3A_455, %broadcast_in_dim3A_30, %parallel_loop3A_399 : vector<16xi1>, vector<16xf32>
      %parallel_loop3A_458 = arith.cmpi eq, %add3A_22, %parallel_loop3A_451 : vector<16xi32>
      %parallel_loop3A_459 = arith.select %parallel_loop3A_458, %broadcast_in_dim3A_26, %parallel_loop3A_401 : vector<16xi1>, vector<16xf32>
      %parallel_loop3A_460 = arith.select %parallel_loop3A_458, %broadcast_in_dim3A_30, %parallel_loop3A_402 : vector<16xi1>, vector<16xf32>
      %parallel_loop3A_461 = arith.cmpi eq, %add3A_25, %parallel_loop3A_451 : vector<16xi32>
      %parallel_loop3A_462 = arith.select %parallel_loop3A_461, %broadcast_in_dim3A_26, %parallel_loop3A_404 : vector<16xi1>, vector<16xf32>
      %parallel_loop3A_463 = arith.select %parallel_loop3A_461, %broadcast_in_dim3A_30, %parallel_loop3A_405 : vector<16xi1>, vector<16xf32>
      %parallel_loop3A_464 = arith.maximumf %parallel_loop3A_453, %parallel_loop3A_456 : vector<16xf32>
      %parallel_loop3A_465 = arith.maximumf %parallel_loop3A_459, %parallel_loop3A_462 : vector<16xf32>
      %parallel_loop3A_466 = arith.maximumf %parallel_loop3A_464, %parallel_loop3A_465 : vector<16xf32>
      %parallel_loop3A_467 = vector.shape_cast %xor3A_4 : vector<16xi32> to vector<16x1xi32>
      %parallel_loop3A_468 = vector.shape_cast %parallel_loop3A_467 : vector<16x1xi32> to vector<16xi32>
      %parallel_loop3A_469 = tpu.dynamic_gather %parallel_loop3A_466[%parallel_loop3A_468] in [0] : vector<16xf32>, vector<16xi32> -> vector<16xf32>
      %parallel_loop3A_470 = arith.maximumf %parallel_loop3A_466, %parallel_loop3A_469 : vector<16xf32>
      %parallel_loop3A_471 = vector.shape_cast %xor3A_7 : vector<16xi32> to vector<16x1xi32>
      %parallel_loop3A_472 = vector.shape_cast %parallel_loop3A_471 : vector<16x1xi32> to vector<16xi32>
      %parallel_loop3A_473 = tpu.dynamic_gather %parallel_loop3A_470[%parallel_loop3A_472] in [0] : vector<16xf32>, vector<16xi32> -> vector<16xf32>
      %parallel_loop3A_474 = arith.maximumf %parallel_loop3A_470, %parallel_loop3A_473 : vector<16xf32>
      %parallel_loop3A_475 = vector.shape_cast %xor3A_10 : vector<16xi32> to vector<16x1xi32>
      %parallel_loop3A_476 = vector.shape_cast %parallel_loop3A_475 : vector<16x1xi32> to vector<16xi32>
      %parallel_loop3A_477 = tpu.dynamic_gather %parallel_loop3A_474[%parallel_loop3A_476] in [0] : vector<16xf32>, vector<16xi32> -> vector<16xf32>
      %parallel_loop3A_478 = arith.maximumf %parallel_loop3A_474, %parallel_loop3A_477 : vector<16xf32>
      %parallel_loop3A_479 = vector.shape_cast %xor3A_13 : vector<16xi32> to vector<16x1xi32>
      %parallel_loop3A_480 = vector.shape_cast %parallel_loop3A_479 : vector<16x1xi32> to vector<16xi32>
      %parallel_loop3A_481 = tpu.dynamic_gather %parallel_loop3A_478[%parallel_loop3A_480] in [0] : vector<16xf32>, vector<16xi32> -> vector<16xf32>
      %parallel_loop3A_482 = arith.maximumf %parallel_loop3A_478, %parallel_loop3A_481 : vector<16xf32>
      %parallel_loop3A_483 = arith.cmpf oeq, %parallel_loop3A_453, %parallel_loop3A_482 : vector<16xf32>
      %parallel_loop3A_484 = arith.select %parallel_loop3A_483, %add3A_16, %broadcast_in_dim3A_28 : vector<16xi1>, vector<16xi32>
      %parallel_loop3A_485 = arith.cmpf oeq, %parallel_loop3A_456, %parallel_loop3A_482 : vector<16xf32>
      %parallel_loop3A_486 = arith.select %parallel_loop3A_485, %add3A_19, %broadcast_in_dim3A_28 : vector<16xi1>, vector<16xi32>
      %parallel_loop3A_487 = arith.cmpf oeq, %parallel_loop3A_459, %parallel_loop3A_482 : vector<16xf32>
      %parallel_loop3A_488 = arith.select %parallel_loop3A_487, %add3A_22, %broadcast_in_dim3A_28 : vector<16xi1>, vector<16xi32>
      %parallel_loop3A_489 = arith.cmpf oeq, %parallel_loop3A_462, %parallel_loop3A_482 : vector<16xf32>
      %parallel_loop3A_490 = arith.select %parallel_loop3A_489, %add3A_25, %broadcast_in_dim3A_28 : vector<16xi1>, vector<16xi32>
      %parallel_loop3A_491 = arith.minsi %parallel_loop3A_484, %parallel_loop3A_486 : vector<16xi32>
      %parallel_loop3A_492 = arith.minsi %parallel_loop3A_488, %parallel_loop3A_490 : vector<16xi32>
      %parallel_loop3A_493 = arith.minsi %parallel_loop3A_491, %parallel_loop3A_492 : vector<16xi32>
      %parallel_loop3A_494 = vector.shape_cast %xor3A_4 : vector<16xi32> to vector<16x1xi32>
      %parallel_loop3A_495 = vector.shape_cast %parallel_loop3A_494 : vector<16x1xi32> to vector<16xi32>
      %parallel_loop3A_496 = tpu.dynamic_gather %parallel_loop3A_493[%parallel_loop3A_495] in [0] : vector<16xi32>, vector<16xi32> -> vector<16xi32>
      %parallel_loop3A_497 = arith.minsi %parallel_loop3A_493, %parallel_loop3A_496 : vector<16xi32>
      %parallel_loop3A_498 = vector.shape_cast %xor3A_7 : vector<16xi32> to vector<16x1xi32>
      %parallel_loop3A_499 = vector.shape_cast %parallel_loop3A_498 : vector<16x1xi32> to vector<16xi32>
      %parallel_loop3A_500 = tpu.dynamic_gather %parallel_loop3A_497[%parallel_loop3A_499] in [0] : vector<16xi32>, vector<16xi32> -> vector<16xi32>
      %parallel_loop3A_501 = arith.minsi %parallel_loop3A_497, %parallel_loop3A_500 : vector<16xi32>
      %parallel_loop3A_502 = vector.shape_cast %xor3A_10 : vector<16xi32> to vector<16x1xi32>
      %parallel_loop3A_503 = vector.shape_cast %parallel_loop3A_502 : vector<16x1xi32> to vector<16xi32>
      %parallel_loop3A_504 = tpu.dynamic_gather %parallel_loop3A_501[%parallel_loop3A_503] in [0] : vector<16xi32>, vector<16xi32> -> vector<16xi32>
      %parallel_loop3A_505 = arith.minsi %parallel_loop3A_501, %parallel_loop3A_504 : vector<16xi32>
      %parallel_loop3A_506 = vector.shape_cast %xor3A_13 : vector<16xi32> to vector<16x1xi32>
      %parallel_loop3A_507 = vector.shape_cast %parallel_loop3A_506 : vector<16x1xi32> to vector<16xi32>
      %parallel_loop3A_508 = tpu.dynamic_gather %parallel_loop3A_505[%parallel_loop3A_507] in [0] : vector<16xi32>, vector<16xi32> -> vector<16xi32>
      %parallel_loop3A_509 = arith.minsi %parallel_loop3A_505, %parallel_loop3A_508 : vector<16xi32>
      %parallel_loop3A_510 = arith.cmpi eq, %add3A_16, %parallel_loop3A_509 : vector<16xi32>
      %parallel_loop3A_511 = arith.select %parallel_loop3A_510, %broadcast_in_dim3A_26, %parallel_loop3A_453 : vector<16xi1>, vector<16xf32>
      %parallel_loop3A_512 = arith.select %parallel_loop3A_510, %broadcast_in_dim3A_30, %parallel_loop3A_454 : vector<16xi1>, vector<16xf32>
      %parallel_loop3A_513 = arith.cmpi eq, %add3A_19, %parallel_loop3A_509 : vector<16xi32>
      %parallel_loop3A_514 = arith.select %parallel_loop3A_513, %broadcast_in_dim3A_26, %parallel_loop3A_456 : vector<16xi1>, vector<16xf32>
      %parallel_loop3A_515 = arith.select %parallel_loop3A_513, %broadcast_in_dim3A_30, %parallel_loop3A_457 : vector<16xi1>, vector<16xf32>
      %parallel_loop3A_516 = arith.cmpi eq, %add3A_22, %parallel_loop3A_509 : vector<16xi32>
      %parallel_loop3A_517 = arith.select %parallel_loop3A_516, %broadcast_in_dim3A_26, %parallel_loop3A_459 : vector<16xi1>, vector<16xf32>
      %parallel_loop3A_518 = arith.select %parallel_loop3A_516, %broadcast_in_dim3A_30, %parallel_loop3A_460 : vector<16xi1>, vector<16xf32>
      %parallel_loop3A_519 = arith.cmpi eq, %add3A_25, %parallel_loop3A_509 : vector<16xi32>
      %parallel_loop3A_520 = arith.select %parallel_loop3A_519, %broadcast_in_dim3A_26, %parallel_loop3A_462 : vector<16xi1>, vector<16xf32>
      %parallel_loop3A_521 = arith.select %parallel_loop3A_519, %broadcast_in_dim3A_30, %parallel_loop3A_463 : vector<16xi1>, vector<16xf32>
      %parallel_loop3A_522 = arith.constant 0 : i32
      %parallel_loop3A_523 = arith.addi %parallel_loop3A_37, %parallel_loop3A_522 : i32
      %parallel_loop3A_524 = arith.index_cast %parallel_loop3A_523 : i32 to index
      %parallel_loop3A_525 = tpu.vector_load %arg5[%parallel_loop3A_524] {strides = array<i32>} : memref<32768xf32, #tpu.memory_space<vmem>>, vector<16xf32>,
      %parallel_loop3A_526 = vector.shape_cast %parallel_loop3A_525 : vector<16xf32> to vector<16xf32>
      %parallel_loop3A_527 = vector.shape_cast %parallel_loop3A_512 : vector<16xf32> to vector<16xf32>
      tpu.vector_store %arg5[%parallel_loop3A_524], %parallel_loop3A_527 {strides = array<i32>} : memref<32768xf32, #tpu.memory_space<vmem>>, vector<16xf32>,
      %parallel_loop3A_528 = arith.constant 16 : i32
      %parallel_loop3A_529 = arith.addi %parallel_loop3A_37, %parallel_loop3A_528 : i32
      %parallel_loop3A_530 = arith.index_cast %parallel_loop3A_529 : i32 to index
      %parallel_loop3A_531 = tpu.vector_load %arg5[%parallel_loop3A_530] {strides = array<i32>} : memref<32768xf32, #tpu.memory_space<vmem>>, vector<16xf32>,
      %parallel_loop3A_532 = vector.shape_cast %parallel_loop3A_531 : vector<16xf32> to vector<16xf32>
      %parallel_loop3A_533 = vector.shape_cast %parallel_loop3A_515 : vector<16xf32> to vector<16xf32>
      tpu.vector_store %arg5[%parallel_loop3A_530], %parallel_loop3A_533 {strides = array<i32>} : memref<32768xf32, #tpu.memory_space<vmem>>, vector<16xf32>,
      %parallel_loop3A_534 = arith.constant 32 : i32
      %parallel_loop3A_535 = arith.addi %parallel_loop3A_37, %parallel_loop3A_534 : i32
      %parallel_loop3A_536 = arith.index_cast %parallel_loop3A_535 : i32 to index
      %parallel_loop3A_537 = tpu.vector_load %arg5[%parallel_loop3A_536] {strides = array<i32>} : memref<32768xf32, #tpu.memory_space<vmem>>, vector<16xf32>,
      %parallel_loop3A_538 = vector.shape_cast %parallel_loop3A_537 : vector<16xf32> to vector<16xf32>
      %parallel_loop3A_539 = vector.shape_cast %parallel_loop3A_518 : vector<16xf32> to vector<16xf32>
      tpu.vector_store %arg5[%parallel_loop3A_536], %parallel_loop3A_539 {strides = array<i32>} : memref<32768xf32, #tpu.memory_space<vmem>>, vector<16xf32>,
      %parallel_loop3A_540 = arith.constant 48 : i32
      %parallel_loop3A_541 = arith.addi %parallel_loop3A_37, %parallel_loop3A_540 : i32
      %parallel_loop3A_542 = arith.index_cast %parallel_loop3A_541 : i32 to index
      %parallel_loop3A_543 = tpu.vector_load %arg5[%parallel_loop3A_542] {strides = array<i32>} : memref<32768xf32, #tpu.memory_space<vmem>>, vector<16xf32>,
      %parallel_loop3A_544 = vector.shape_cast %parallel_loop3A_543 : vector<16xf32> to vector<16xf32>
      %parallel_loop3A_545 = vector.shape_cast %parallel_loop3A_521 : vector<16xf32> to vector<16xf32>
      tpu.vector_store %arg5[%parallel_loop3A_542], %parallel_loop3A_545 {strides = array<i32>} : memref<32768xf32, #tpu.memory_space<vmem>>, vector<16xf32>,
    } {sc.loop_unroll_factor = 8 : i64, sc.parallel_access}
    "tpu.region"() ({
      %run_scoped3A = tpu.sem_alloc : memref<!tpu.dma_semaphore, #tpu.memory_space<semaphore_mem>>
      %dma_start3A = tpu.memref_slice %arg3[%mul3A_2] : memref<1048576xf32, #tpu.memory_space<hbm>> -> memref<32768xf32, #tpu.memory_space<hbm>>
      %dma_start3A_35 = tpu.memref_slice %arg3[%mul3A_2] : memref<1048576xf32, #tpu.memory_space<hbm>> -> memref<32768xf32, #tpu.memory_space<hbm>>
      tpu.enqueue_dma source(%arg5 : memref<32768xf32, #tpu.memory_space<vmem>>) target(%dma_start3A_35 : memref<32768xf32, #tpu.memory_space<hbm>>) target_semaphore(%run_scoped3A : memref<!tpu.dma_semaphore, #tpu.memory_space<semaphore_mem>>)
      %dma_wait3A = tpu.memref_slice %arg3[%mul3A_2] : memref<1048576xf32, #tpu.memory_space<hbm>> -> memref<32768xf32, #tpu.memory_space<hbm>>
      %dma_wait3A_36 = tpu.memref_slice %arg3[%mul3A_2] : memref<1048576xf32, #tpu.memory_space<hbm>> -> memref<32768xf32, #tpu.memory_space<hbm>>
      tpu.wait_dma2 semaphore(%run_scoped3A : memref<!tpu.dma_semaphore, #tpu.memory_space<semaphore_mem>>) src(%arg5 : memref<32768xf32, #tpu.memory_space<vmem>>) dst(%dma_wait3A_36 : memref<32768xf32, #tpu.memory_space<hbm>>)
      tpu.yield
    }) : () -> ()
    return
  }
}

module attributes {stable_mosaic.version = 14 : i64} {
  func.func @_tc1_kernel(%arg0: i32, %arg1: memref<4096x128xf32, #tpu.memory_space<vmem>>, %arg2: memref<64x128xf32, #tpu.memory_space<vmem>>, %arg3: memref<10x128xf32, #tpu.memory_space<vmem>>, %arg4: memref<1x10xf32, #tpu.memory_space<vmem>>, %arg5: memref<10x128xf32, #tpu.memory_space<vmem>>, %arg6: memref<1x10xf32, #tpu.memory_space<vmem>>, %arg7: memref<4096x64xf32, #tpu.memory_space<vmem>>, %arg8: memref<4096x64xf32, #tpu.memory_space<vmem>>, %arg9: memref<4096x10xf32, #tpu.memory_space<vmem>>, %arg10: memref<4096x10xf32, #tpu.memory_space<vmem>>) attributes {dimension_semantics = [#tpu.dimension_semantics<arbitrary>], iteration_bounds = array<i64: 4>, scalar_prefetch = 0 : i64, scratch_operands = 0 : i64, tpu.core_type = #tpu.core_type<tc>, window_params = [{transform_indices = @transform_0, window_bounds = array<i64: 4096, 128>}, {pipeline_mode = #tpu.pipeline_mode<synchronous>, transform_indices = @transform_1, window_bounds = array<i64: 64, 128>}, {pipeline_mode = #tpu.pipeline_mode<synchronous>, transform_indices = @transform_2, window_bounds = array<i64: 10, 128>}, {pipeline_mode = #tpu.pipeline_mode<synchronous>, transform_indices = @transform_3, window_bounds = array<i64: 1, 10>}, {pipeline_mode = #tpu.pipeline_mode<synchronous>, transform_indices = @transform_4, window_bounds = array<i64: 10, 128>}, {pipeline_mode = #tpu.pipeline_mode<synchronous>, transform_indices = @transform_5, window_bounds = array<i64: 1, 10>}, {transform_indices = @transform_6, window_bounds = array<i64: 4096, 64>}, {transform_indices = @transform_7, window_bounds = array<i64: 4096, 64>}, {transform_indices = @transform_8, window_bounds = array<i64: 4096, 10>}, {transform_indices = @transform_9, window_bounds = array<i64: 4096, 10>}]} {
    %get3A = arith.constant 0 : index
    %get3A_0 = arith.constant 0 : index
    %get3A_1 = vector.load %arg1[%get3A, %get3A_0] : memref<4096x128xf32, #tpu.memory_space<vmem>>, vector<4096x128xf32>
    %mul3A = arith.mulf %get3A_1, %get3A_1 : vector<4096x128xf32>
    %reduce_sum3A = arith.constant dense<0.000000e+00> : vector<4096xf32>
    %reduce_sum3A_2 = vector.multi_reduction <add>, %mul3A, %reduce_sum3A [1] : vector<4096x128xf32> to vector<4096xf32>
    %broadcast_in_dim3A = vector.shape_cast %reduce_sum3A_2 : vector<4096xf32> to vector<4096x1xf32>
    %sqrt3A = math.sqrt %broadcast_in_dim3A : vector<4096x1xf32>
    %max3A = arith.constant 9.99999996E-13 : f32
    %max3A_3 = vector.broadcast %max3A : f32 to vector<4096x1xf32>
    %max3A_4 = arith.maximumf %sqrt3A, %max3A_3 : vector<4096x1xf32>
    %div3A = vector.broadcast %max3A_4 : vector<4096x1xf32> to vector<4096x128xf32>
    %div3A_5 = arith.divf %get3A_1, %div3A : vector<4096x128xf32>
    %get3A_6 = arith.constant 0 : index
    %get3A_7 = arith.constant 0 : index
    %get3A_8 = vector.load %arg2[%get3A_6, %get3A_7] : memref<64x128xf32, #tpu.memory_space<vmem>>, vector<64x128xf32>
    %dot_general3A = arith.constant dense<0.000000e+00> : vector<4096x64xf32>
    %dot_general3A_9 = tpu.matmul %div3A_5, %get3A_8, %dot_general3A {dimension_numbers = #tpu.dot_dimension_numbers<[1], [1], [0], [0], [0, 0, 1, 0], [], []>, transpose_lhs_hint = false} : vector<4096x128xf32>, vector<64x128xf32>, vector<4096x64xf32> -> vector<4096x64xf32>
    %swap3A = arith.constant 0 : index
    %swap3A_10 = arith.constant 0 : index
    %swap3A_11 = vector.load %arg7[%swap3A, %swap3A_10] : memref<4096x64xf32, #tpu.memory_space<vmem>>, vector<4096x64xf32>
    tpu.vector_store %arg7[%swap3A, %swap3A_10], %dot_general3A_9 {strides = array<i32>} : memref<4096x64xf32, #tpu.memory_space<vmem>>, vector<4096x64xf32>,
    %sub3A = arith.constant 1.000000e+00 : f32
    %sub3A_12 = vector.broadcast %sub3A : f32 to vector<4096x64xf32>
    %sub3A_13 = arith.subf %sub3A_12, %dot_general3A_9 : vector<4096x64xf32>
    %swap3A_14 = arith.constant 0 : index
    %swap3A_15 = arith.constant 0 : index
    %swap3A_16 = vector.load %arg8[%swap3A_14, %swap3A_15] : memref<4096x64xf32, #tpu.memory_space<vmem>>, vector<4096x64xf32>
    tpu.vector_store %arg8[%swap3A_14, %swap3A_15], %sub3A_13 {strides = array<i32>} : memref<4096x64xf32, #tpu.memory_space<vmem>>, vector<4096x64xf32>,
    %get3A_17 = arith.constant 0 : index
    %get3A_18 = arith.constant 0 : index
    %get3A_19 = vector.load %arg3[%get3A_17, %get3A_18] : memref<10x128xf32, #tpu.memory_space<vmem>>, vector<10x128xf32>
    %dot_general3A_20 = arith.constant dense<0.000000e+00> : vector<4096x10xf32>
    %dot_general3A_21 = tpu.matmul %get3A_1, %get3A_19, %dot_general3A_20 {dimension_numbers = #tpu.dot_dimension_numbers<[1], [1], [0], [0], [0, 0, 1, 0], [], []>, transpose_lhs_hint = false} : vector<4096x128xf32>, vector<10x128xf32>, vector<4096x10xf32> -> vector<4096x10xf32>
    %get3A_22 = arith.constant 0 : index
    %get3A_23 = arith.constant 0 : index
    %get3A_24 = vector.load %arg4[%get3A_22, %get3A_23] : memref<1x10xf32, #tpu.memory_space<vmem>>, vector<1x10xf32>
    %add3A = vector.broadcast %get3A_24 : vector<1x10xf32> to vector<4096x10xf32>
    %add3A_25 = arith.addf %dot_general3A_21, %add3A : vector<4096x10xf32>
    %reduce_max3A = arith.constant dense<0xFF800000> : vector<4096xf32>
    %reduce_max3A_26 = vector.multi_reduction <maximumf>, %add3A_25, %reduce_max3A [1] : vector<4096x10xf32> to vector<4096xf32>
    %broadcast_in_dim3A_27 = vector.shape_cast %reduce_max3A_26 : vector<4096xf32> to vector<4096x1xf32>
    %sub3A_28 = vector.broadcast %broadcast_in_dim3A_27 : vector<4096x1xf32> to vector<4096x10xf32>
    %sub3A_29 = arith.subf %add3A_25, %sub3A_28 : vector<4096x10xf32>
    %exp3A = math.exp %sub3A_29 : vector<4096x10xf32>
    %reduce_sum3A_30 = arith.constant dense<0.000000e+00> : vector<4096xf32>
    %reduce_sum3A_31 = vector.multi_reduction <add>, %exp3A, %reduce_sum3A_30 [1] : vector<4096x10xf32> to vector<4096xf32>
    %broadcast_in_dim3A_32 = vector.shape_cast %reduce_sum3A_31 : vector<4096xf32> to vector<4096x1xf32>
    %log3A = math.log %broadcast_in_dim3A_32 : vector<4096x1xf32>
    %sub3A_33 = vector.broadcast %log3A : vector<4096x1xf32> to vector<4096x10xf32>
    %sub3A_34 = arith.subf %sub3A_29, %sub3A_33 : vector<4096x10xf32>
    %swap3A_35 = arith.constant 0 : index
    %swap3A_36 = arith.constant 0 : index
    %swap3A_37 = vector.load %arg9[%swap3A_35, %swap3A_36] : memref<4096x10xf32, #tpu.memory_space<vmem>>, vector<4096x10xf32>
    tpu.vector_store %arg9[%swap3A_35, %swap3A_36], %sub3A_34 {strides = array<i32>} : memref<4096x10xf32, #tpu.memory_space<vmem>>, vector<4096x10xf32>,
    %get3A_38 = arith.constant 0 : index
    %get3A_39 = arith.constant 0 : index
    %get3A_40 = vector.load %arg5[%get3A_38, %get3A_39] : memref<10x128xf32, #tpu.memory_space<vmem>>, vector<10x128xf32>
    %dot_general3A_41 = arith.constant dense<0.000000e+00> : vector<4096x10xf32>
    %dot_general3A_42 = tpu.matmul %get3A_1, %get3A_40, %dot_general3A_41 {dimension_numbers = #tpu.dot_dimension_numbers<[1], [1], [0], [0], [0, 0, 1, 0], [], []>, transpose_lhs_hint = false} : vector<4096x128xf32>, vector<10x128xf32>, vector<4096x10xf32> -> vector<4096x10xf32>
    %get3A_43 = arith.constant 0 : index
    %get3A_44 = arith.constant 0 : index
    %get3A_45 = vector.load %arg6[%get3A_43, %get3A_44] : memref<1x10xf32, #tpu.memory_space<vmem>>, vector<1x10xf32>
    %add3A_46 = vector.broadcast %get3A_45 : vector<1x10xf32> to vector<4096x10xf32>
    %add3A_47 = arith.addf %dot_general3A_42, %add3A_46 : vector<4096x10xf32>
    %tanh3A = math.tanh %add3A_47 : vector<4096x10xf32>
    %swap3A_48 = arith.constant 0 : index
    %swap3A_49 = arith.constant 0 : index
    %swap3A_50 = vector.load %arg10[%swap3A_48, %swap3A_49] : memref<4096x10xf32, #tpu.memory_space<vmem>>, vector<4096x10xf32>
    tpu.vector_store %arg10[%swap3A_48, %swap3A_49], %tanh3A {strides = array<i32>} : memref<4096x10xf32, #tpu.memory_space<vmem>>, vector<4096x10xf32>,
    return
  }
  func.func @transform_0(%arg0: i32) -> (i32, i32) {
    %c0_i32 = arith.constant 0 : i32
    %c0_i32_0 = arith.constant 0 : i32
    return %arg0, %c0_i32 : i32, i32
  }
  func.func @transform_1(%arg0: i32) -> (i32, i32) {
    %c0_i32 = arith.constant 0 : i32
    %c0_i32_0 = arith.constant 0 : i32
    %c0_i32_1 = arith.constant 0 : i32
    return %c0_i32, %c0_i32_0 : i32, i32
  }
  func.func @transform_2(%arg0: i32) -> (i32, i32) {
    %c0_i32 = arith.constant 0 : i32
    %c0_i32_0 = arith.constant 0 : i32
    %c0_i32_1 = arith.constant 0 : i32
    return %c0_i32, %c0_i32_0 : i32, i32
  }
  func.func @transform_3(%arg0: i32) -> (i32, i32) {
    %c0_i32 = arith.constant 0 : i32
    %c0_i32_0 = arith.constant 0 : i32
    %c0_i32_1 = arith.constant 0 : i32
    return %c0_i32, %c0_i32_0 : i32, i32
  }
  func.func @transform_4(%arg0: i32) -> (i32, i32) {
    %c0_i32 = arith.constant 0 : i32
    %c0_i32_0 = arith.constant 0 : i32
    %c0_i32_1 = arith.constant 0 : i32
    return %c0_i32, %c0_i32_0 : i32, i32
  }
  func.func @transform_5(%arg0: i32) -> (i32, i32) {
    %c0_i32 = arith.constant 0 : i32
    %c0_i32_0 = arith.constant 0 : i32
    %c0_i32_1 = arith.constant 0 : i32
    return %c0_i32, %c0_i32_0 : i32, i32
  }
  func.func @transform_6(%arg0: i32) -> (i32, i32) {
    %c0_i32 = arith.constant 0 : i32
    %c0_i32_0 = arith.constant 0 : i32
    return %arg0, %c0_i32 : i32, i32
  }
  func.func @transform_7(%arg0: i32) -> (i32, i32) {
    %c0_i32 = arith.constant 0 : i32
    %c0_i32_0 = arith.constant 0 : i32
    return %arg0, %c0_i32 : i32, i32
  }
  func.func @transform_8(%arg0: i32) -> (i32, i32) {
    %c0_i32 = arith.constant 0 : i32
    %c0_i32_0 = arith.constant 0 : i32
    return %arg0, %c0_i32 : i32, i32
  }
  func.func @transform_9(%arg0: i32) -> (i32, i32) {
    %c0_i32 = arith.constant 0 : i32
    %c0_i32_0 = arith.constant 0 : i32
    return %arg0, %c0_i32 : i32, i32
  }
}

module attributes {stable_mosaic.version = 14 : i64} {
  func.func @_tc2_kernel(%arg0: i32, %arg1: memref<4096x128xf32, #tpu.memory_space<vmem>>, %arg2: memref<4096x64xf32, #tpu.memory_space<vmem>>, %arg3: memref<4096x64xf32, #tpu.memory_space<vmem>>, %arg4: memref<640x128xf32, #tpu.memory_space<vmem>>, %arg5: memref<1x640xf32, #tpu.memory_space<vmem>>, %arg6: memref<640x10xf32, #tpu.memory_space<vmem>>, %arg7: memref<4096x10xf32, #tpu.memory_space<vmem>>) attributes {dimension_semantics = [#tpu.dimension_semantics<arbitrary>], iteration_bounds = array<i64: 4>, scalar_prefetch = 0 : i64, scratch_operands = 0 : i64, tpu.core_type = #tpu.core_type<tc>, window_params = [{transform_indices = @transform_0, window_bounds = array<i64: 4096, 128>}, {transform_indices = @transform_1, window_bounds = array<i64: 4096, 64>}, {transform_indices = @transform_2, window_bounds = array<i64: 4096, 64>}, {pipeline_mode = #tpu.pipeline_mode<synchronous>, transform_indices = @transform_3, window_bounds = array<i64: 640, 128>}, {pipeline_mode = #tpu.pipeline_mode<synchronous>, transform_indices = @transform_4, window_bounds = array<i64: 1, 640>}, {pipeline_mode = #tpu.pipeline_mode<synchronous>, transform_indices = @transform_5, window_bounds = array<i64: 640, 10>}, {transform_indices = @transform_6, window_bounds = array<i64: 4096, 10>}]} {
    %get3A = arith.constant 0 : index
    %get3A_0 = arith.constant 0 : index
    %get3A_1 = vector.load %arg1[%get3A, %get3A_0] : memref<4096x128xf32, #tpu.memory_space<vmem>>, vector<4096x128xf32>
    %get3A_2 = arith.constant 0 : index
    %get3A_3 = arith.constant 0 : index
    %get3A_4 = vector.load %arg2[%get3A_2, %get3A_3] : memref<4096x64xf32, #tpu.memory_space<vmem>>, vector<4096x64xf32>
    %get3A_5 = arith.constant 0 : index
    %get3A_6 = arith.constant 0 : index
    %get3A_7 = vector.load %arg3[%get3A_5, %get3A_6] : memref<4096x64xf32, #tpu.memory_space<vmem>>, vector<4096x64xf32>
    %mul3A = arith.mulf %get3A_4, %get3A_7 : vector<4096x64xf32>
    %reduce_sum3A = arith.constant dense<0.000000e+00> : vector<4096xf32>
    %reduce_sum3A_8 = vector.multi_reduction <add>, %mul3A, %reduce_sum3A [1] : vector<4096x64xf32> to vector<4096xf32>
    %broadcast_in_dim3A = vector.shape_cast %reduce_sum3A_8 : vector<4096xf32> to vector<4096x1xf32>
    %get3A_9 = arith.constant 0 : index
    %get3A_10 = arith.constant 0 : index
    %get3A_11 = vector.load %arg4[%get3A_9, %get3A_10] : memref<640x128xf32, #tpu.memory_space<vmem>>, vector<640x128xf32>
    %dot_general3A = arith.constant dense<0.000000e+00> : vector<4096x640xf32>
    %dot_general3A_12 = tpu.matmul %get3A_1, %get3A_11, %dot_general3A {dimension_numbers = #tpu.dot_dimension_numbers<[1], [1], [0], [0], [0, 0, 1, 0], [], []>, transpose_lhs_hint = false} : vector<4096x128xf32>, vector<640x128xf32>, vector<4096x640xf32> -> vector<4096x640xf32>
    %get3A_13 = arith.constant 0 : index
    %get3A_14 = arith.constant 0 : index
    %get3A_15 = vector.load %arg5[%get3A_13, %get3A_14] : memref<1x640xf32, #tpu.memory_space<vmem>>, vector<1x640xf32>
    %add3A = vector.broadcast %get3A_15 : vector<1x640xf32> to vector<4096x640xf32>
    %add3A_16 = arith.addf %dot_general3A_12, %add3A : vector<4096x640xf32>
    %tanh3A = math.tanh %add3A_16 : vector<4096x640xf32>
    %concatenate3A = tpu.concatenate %mul3A, %mul3A, %mul3A, %mul3A, %mul3A, %mul3A, %mul3A, %mul3A, %mul3A, %mul3A in 1 : vector<4096x64xf32>, vector<4096x64xf32>, vector<4096x64xf32>, vector<4096x64xf32>, vector<4096x64xf32>, vector<4096x64xf32>, vector<4096x64xf32>, vector<4096x64xf32>, vector<4096x64xf32>, vector<4096x64xf32> -> vector<4096x640xf32>
    %mul3A_17 = arith.mulf %tanh3A, %concatenate3A : vector<4096x640xf32>
    %get3A_18 = arith.constant 0 : index
    %get3A_19 = arith.constant 0 : index
    %get3A_20 = vector.load %arg6[%get3A_18, %get3A_19] : memref<640x10xf32, #tpu.memory_space<vmem>>, vector<640x10xf32>
    %dot_general3A_21 = arith.constant dense<0.000000e+00> : vector<4096x10xf32>
    %dot_general3A_22 = tpu.matmul %mul3A_17, %get3A_20, %dot_general3A_21 {dimension_numbers = #tpu.dot_dimension_numbers<[1], [0], [0], [1], [0, 0, 1, 1], [], []>, transpose_lhs_hint = false} : vector<4096x640xf32>, vector<640x10xf32>, vector<4096x10xf32> -> vector<4096x10xf32>
    %div3A = vector.broadcast %broadcast_in_dim3A : vector<4096x1xf32> to vector<4096x10xf32>
    %div3A_23 = arith.divf %dot_general3A_22, %div3A : vector<4096x10xf32>
    %swap3A = arith.constant 0 : index
    %swap3A_24 = arith.constant 0 : index
    %swap3A_25 = vector.load %arg7[%swap3A, %swap3A_24] : memref<4096x10xf32, #tpu.memory_space<vmem>>, vector<4096x10xf32>
    tpu.vector_store %arg7[%swap3A, %swap3A_24], %div3A_23 {strides = array<i32>} : memref<4096x10xf32, #tpu.memory_space<vmem>>, vector<4096x10xf32>,
    return
  }
  func.func @transform_0(%arg0: i32) -> (i32, i32) {
    %c0_i32 = arith.constant 0 : i32
    %c0_i32_0 = arith.constant 0 : i32
    return %arg0, %c0_i32 : i32, i32
  }
  func.func @transform_1(%arg0: i32) -> (i32, i32) {
    %c0_i32 = arith.constant 0 : i32
    %c0_i32_0 = arith.constant 0 : i32
    return %arg0, %c0_i32 : i32, i32
  }
  func.func @transform_2(%arg0: i32) -> (i32, i32) {
    %c0_i32 = arith.constant 0 : i32
    %c0_i32_0 = arith.constant 0 : i32
    return %arg0, %c0_i32 : i32, i32
  }
  func.func @transform_3(%arg0: i32) -> (i32, i32) {
    %c0_i32 = arith.constant 0 : i32
    %c0_i32_0 = arith.constant 0 : i32
    %c0_i32_1 = arith.constant 0 : i32
    return %c0_i32, %c0_i32_0 : i32, i32
  }
  func.func @transform_4(%arg0: i32) -> (i32, i32) {
    %c0_i32 = arith.constant 0 : i32
    %c0_i32_0 = arith.constant 0 : i32
    %c0_i32_1 = arith.constant 0 : i32
    return %c0_i32, %c0_i32_0 : i32, i32
  }
  func.func @transform_5(%arg0: i32) -> (i32, i32) {
    %c0_i32 = arith.constant 0 : i32
    %c0_i32_0 = arith.constant 0 : i32
    %c0_i32_1 = arith.constant 0 : i32
    return %c0_i32, %c0_i32_0 : i32, i32
  }
  func.func @transform_6(%arg0: i32) -> (i32, i32) {
    %c0_i32 = arith.constant 0 : i32
    %c0_i32_0 = arith.constant 0 : i32
    return %arg0, %c0_i32 : i32, i32
  }
}

</mosaic_0001>

<sc_bundles>
// kernel: kernel.5.cloned.1.call-start
scs
__scs_entry_jumppad:
0x0: {  	(pc) =	sbr.rel $0x88, $3  }
0x1: {  	(tag) =	ssettag $0x0;
	lr =	simm.s32 $0x1  }
0x2: {  	[smem:$0x3F99] =	sst lr;
	_ =	strace $0xD0000000  }
0x3: {  	_ = 	snop  }
0x4: {  	_ = 	snop  }
0x5: {  	_ = 	snop  }
0x6: {  	_ = 	snop  }
0x7: {  	_ = 	snop  }
__scs_overlays_trampoline_lowered:
0x8: {  	[smem:$0x3FA8] =	sst s0  }
0x9: {  	[smem:$0x3FA9] =	sst s1  }
0xa: {  	[smem:$0x3FAA] =	sst s2  }
0xb: {  	[smem:$0x3FAB] =	sst s3  }
0xc: {  	[smem:$0x3FAC] =	sst s4  }
0xd: {  	[smem:$0x3FAD] =	sst s5  }
0xe: {  	[smem:$0x3FAE] =	sst s6  }
0xf: {  	[smem:$0x3FAF] =	sst s7  }
0x10: {  	[smem:$0x3FB0] =	sst s8  }
0x11: {  	[smem:$0x3FB1] =	sst s9;
	s0 =	simm.s32 @!p0 $0x0  }
0x12: {  	s1 =	sld [smem:$0x3F97];
	s0 =	simm.s32 @p0 $0x1  }
0x13: {  	[smem:$0x3FB2] =	sst s0;
	s0 =	simm.s32 @!p1 $0x0  }
0x14: {  	s2 =	sld [smem:$0x3F96];
	s0 =	simm.s32 @p1 $0x1  }
0x15: {  	[smem:$0x3FB3] =	sst s0;
	s0 =	simm.s32 @!p2 $0x0  }
0x16: {  	s3 =	sld [smem:$0x3FDB];
	s0 =	simm.s32 @p2 $0x1  }
0x17: {  	s4 =	simm.s32 $0x1BF5;
	[smem:$0x3FB5] =	sst s0  }
0x18: {  	s0 =	sld [smem:$0x3F98];
	_ =	swait.ge [sflag:s4], $0x0  }
0x19: {  	s7 =	sld [smem:$0x3F99]  }
0x1a: {  	s8 =	sadd.s32 $0xFFFFE003, lr  }
0x1b: {  	s9 =	sadd.s32 $0xFFFFFEF7, lr;
	s5 =	simm.s32 $0xFFFFFFFF;
	p2 =	slt.u32 s8, $0xFFFFF086  }
0x1c: {  	p1 =	slt.u32 s9, $0xF7A;
	s5 =	simm.s32 @!p2 $0x0  }
0x1d: {  	s5 =	simm.s32 @p1 $0x1;
	p0 =	seq.s32 s7, s2  }
0x1e: {  	s7 =	smul.u32 @!p0 $0xF7A, s2;
	p2 =	seq.s32 @!p0 s5, $0x0  }
0x1f: {  	s9 =	smul.u32 $0xF7A, s1;
	s8 =	simm.s32 @!p0 $0x1BF5;
	p2 =	por !p2, p0  }
0x20: {  	[sflag:s8] =	ssyncset.s32 @!p0 $0xFFFFF086;
	s6 =	sadd.s32 @!p0 s3, s7;
	s7 =	simm.s32 @!p0 $0x108  }
0x21: {  	s3 =	sadd.s32 s3, s9;
	s6 =	sadd.s32 @!p0 $0x88, s6;
	s7 =	simm.s32 @p2 $0x1082  }
0x22: {  	[simem:s7], [sflag:s8] =	dma.local @!p0 [hbm:s6], $0xF7A  }
0x23: {  	s9 =	sor.u32 $0xD0000000, s2;
	s6 =	simm.s32 $0x108;
	_ =	swait.ge @!p0 [sflag:s8], $0x0  }
0x24: {  	s3 =	sadd.s32 $0x88, s3;
	s6 =	simm.s32 @!p1 $0x1082;
	[sflag:s4] =	ssyncset.s32 $0xFFFFF086  }
0x25: {  	[simem:s6], [sflag:s4] =	dma.local [hbm:s3], $0xF7A  }
0x26: {  	[smem:$0x3F99] =	sst s1;
	(tag) =	ssettag s2;
	_ =	strace s9  }
0x27: {  	s1 =	sld [smem:$0x3FA9]  }
0x28: {  	s2 =	sld [smem:$0x3FAA]  }
0x29: {  	s4 =	sld [smem:$0x3FAC]  }
0x2a: {  	p0 =	seq.s32 s5, $0x0;
	s5 =	sld [smem:$0x3FAD]  }
0x2b: {  	s6 =	sld [smem:$0x3FAE]  }
0x2c: {  	s7 =	sld [smem:$0x3FAF]  }
0x2d: {  	s3 =	simm.s32 $0x108;
	s8 =	sld [smem:$0x3FB0]  }
0x2e: {  	s3 =	simm.s32 @!p0 $0x1082;
	s9 =	sld [smem:$0x3FB1]  }
0x2f: {  	lr =	sadd.s32 s0, s3;
	s0 =	sld [smem:$0x3FA8]  }
0x30: {  	s3 =	sld [smem:$0x3FAB]  }
0x31: {  	[smem:$0x3FB4] =	sst s10  }
0x32: {  	s10 =	sld [smem:$0x3FB2];
	_ =	sdelay $0x3  }
0x33: {  	p0 =	seq.s32 s10, $0x1;
	s10 =	sld [smem:$0x3FB4];
	_ =	sdelay $0x3  }
0x34: {  	[smem:$0x3FB4] =	sst s10  }
0x35: {  	s10 =	sld [smem:$0x3FB3];
	_ =	sdelay $0x3  }
0x36: {  	p1 =	seq.s32 s10, $0x1;
	s10 =	sld [smem:$0x3FB4];
	_ =	sdelay $0x3  }
0x37: {  	[smem:$0x3FB4] =	sst s10  }
0x38: {  	s10 =	sld [smem:$0x3FB5]  }
0x39: {  	_ = 	snop;
	(pc) =	sbr.ind lr, $3  }
0x3a: {  	_ = 	snop  }
0x3b: {  	_ = 	snop  }
0x3c: {  	p2 =	seq.s32 s10, $0x1;
	s10 =	sld [smem:$0x3FB4]  }
0x3d: {  	_ =	shalt  }
0x3e: {  	_ =	shalt  }
0x3f: {  	_ =	shalt  }
0x40: {  	_ =	shalt  }
0x41: {  	_ =	shalt  }
0x42: {  	_ =	shalt  }
0x43: {  	_ =	shalt  }
0x44: {  	_ =	shalt  }
0x45: {  	_ =	shalt  }
0x46: {  	_ =	shalt  }
0x47: {  	_ =	shalt  }
0x48: {  	_ =	shalt  }
0x49: {  	_ =	shalt  }
0x4a: {  	_ =	shalt  }
0x4b: {  	_ =	shalt  }
0x4c: {  	_ =	shalt  }
0x4d: {  	_ =	shalt  }
0x4e: {  	_ =	shalt  }
0x4f: {  	_ =	shalt  }
0x50: {  	_ =	shalt  }
0x51: {  	_ =	shalt  }
0x52: {  	_ =	shalt  }
0x53: {  	_ =	shalt  }
0x54: {  	_ =	shalt  }
0x55: {  	_ =	shalt  }
0x56: {  	_ =	shalt  }
0x57: {  	_ =	shalt  }
0x58: {  	_ =	shalt  }
0x59: {  	_ =	shalt  }
0x5a: {  	_ =	shalt  }
0x5b: {  	_ =	shalt  }
0x5c: {  	_ =	shalt  }
0x5d: {  	_ =	shalt  }
0x5e: {  	_ =	shalt  }
0x5f: {  	_ =	shalt  }
0x60: {  	_ =	shalt  }
0x61: {  	_ =	shalt  }
0x62: {  	_ =	shalt  }
0x63: {  	_ =	shalt  }
0x64: {  	_ =	shalt  }
0x65: {  	_ =	shalt  }
0x66: {  	_ =	shalt  }
0x67: {  	_ =	shalt  }
0x68: {  	_ =	shalt  }
0x69: {  	_ =	shalt  }
0x6a: {  	_ =	shalt  }
0x6b: {  	_ =	shalt  }
0x6c: {  	_ =	shalt  }
0x6d: {  	_ =	shalt  }
0x6e: {  	_ =	shalt  }
0x6f: {  	_ =	shalt  }
0x70: {  	_ =	shalt  }
0x71: {  	_ =	shalt  }
0x72: {  	_ =	shalt  }
0x73: {  	_ =	shalt  }
0x74: {  	_ =	shalt  }
0x75: {  	_ =	shalt  }
0x76: {  	_ =	shalt  }
0x77: {  	_ =	shalt  }
0x78: {  	_ =	shalt  }
0x79: {  	_ =	shalt  }
0x7a: {  	_ =	shalt  }
0x7b: {  	_ =	shalt  }
0x7c: {  	_ =	shalt  }
0x7d: {  	_ =	shalt  }
0x7e: {  	_ =	shalt  }
0x7f: {  	_ =	shalt  }
0x80: {  	_ =	shalt  }
0x81: {  	_ =	shalt  }
0x82: {  	_ =	shalt  }
0x83: {  	_ =	shalt  }
0x84: {  	_ =	shalt  }
0x85: {  	_ =	shalt  }
0x86: {  	_ =	shalt  }
0x87: {  	_ =	shalt  }
.Lfunc_end0:
.L_simem_size_0:
called_computation_lowered:
.L_overlay_start_0:
0x88: {  	s2 =	sld [smem:$0x3FD9]  }
0x89: {  	s3 =	sld [smem:$0x3FFE];
	_ =	sdelay $0x1  }
0x8a: {  	s1 =	srdreg.scid  }
0x8b: {  	s0 =	sand.u32 $0x1, s1  }
0x8c: {  	s14 =	sshll.u32 s0, $0xA;
	s2 =	sadd.s32 s3, s2  }
0x8d: {  	s2 =	sadd.s32 s2, s14  }
0x8e: {  	[smem:$0x3FC0] =	sst s2  }
0x8f: {  	_ = 	snop  }
0x90: {  	s2 =	sld [smem:$0x3FD0];
	_ =	sdelay $0x2  }
0x91: {  	s15 =	simm.s32 $0xA;
	s4 =	simm.s32 $0x10  }
0x92: {  	[smem:s4], [sflag:s15] =	dma.local [hbm:s2], $0x1  }
0x93: {  	_ =	swait.eq [sflag:s15], $0x1  }
0x94: {  	[sflag:s15] =	ssyncset.done $0x0  }
0x95: {  	[sflag:s15] =	ssyncadd.s32 $0xFFFFFFFF  }
0x96: {  	s16 =	sld [smem:$0x14];
	(tm) =	ssettm $0x1  }
0x97: {  	s17 =	sld [smem:$0x3FFB];
	_ =	sdelay $0x3  }
0x98: {  	_ =	strace s17  }
0x99: {  	s3 =	sld [smem:$0x3FFC];
	_ =	sdelay $0x3  }
0x9a: {  	_ =	strace s3  }
0x9b: {  	s3 =	sld [smem:$0x3FFD];
	_ =	sdelay $0x3  }
0x9c: {  	_ =	strace s3  }
0x9d: {  	_ =	strace $0x8FFFFFFF  }
0x9e: {  	s18 =	sld [smem:$0x3FDB];
	_ =	sdelay $0x1  }
0x9f: {  	s19 =	simm.s32 $_scs_section_size  }
0xa0: {  	s5 =	simm.s32 $_size__tile_overlayer_lowered;
	s6 =	simm.s32 $_tile_overlayer_lowered  }
0xa1: {  	s22 =	simm.s32 $0x1BFF;
	s21 =	sshll.u32 s6, $0x1;
	s3 =	sadd.s32 s19, s18  }
0xa2: {  	s7 =	simm.s32 $0x0;
	s20 =	sshll.u32 s5, $0x1;
	s5 =	sadd.s32 s21, s3  }
0xa3: {  	[timem:s7], [sflag:s22] =	dma.local [hbm:s5], s20  }
0xa4: {  	_ =	swait.ge [sflag:s22], s20  }
0xa5: {  	s4 =	ssub.s32 $0x0, s20;
	[sflag:s22] =	ssyncset.done $0x0  }
0xa6: {  	[sflag:s22] =	ssyncadd.s32 s4;
	_ =	sdelay $0x1  }
0xa7: {  	s23 =	simm.s32 $0x1B8B  }
0xa8: {  	_ =	swait.ge [sflag:s23], $0x1  }
0xa9: {  	[sflag:s23] =	ssyncset.done $0x0  }
0xaa: {  	s25 =	simm.s32 $0x1B8E;
	s24 =	sld [smem:$0x3FFE];
	[sflag:s23] =	ssyncadd.s32 $0xFFFFFFFF  }
0xab: {  	s26 =	simm.s32 $execute0_lowered;
	[smem:$0x3FD2] =	sst s25  }
0xac: {  	s5 =	sshll.u32 s26, $0x1;
	_ =	strace $0x80000046;
	[dreg:$0x1] =	wrdreg $0xFFFFFFFF  }
0xad: {  	s28 =	simm.s32 $_size_execute0_lowered;
	s3 =	sadd.s32 s3, s5;
	[dreg:$0x0] =	wrdreg $0x0  }
0xae: {  	s5 =	sshll.u32 s28, $0x1;
	[dreg:$0x2] =	wrdreg s3  }
0xaf: {  	[dreg:$0x3] =	wrdreg s5  }
0xb0: {  	[dreg:$0x4] =	wrdreg $0xC0  }
0xb1: {  	_ =	task [dreg:s7], $0x5FFFF  }
0xb2: {  	[dreg:$0x1] =	wrdreg $0xFFFFFFFF  }
0xb3: {  	[dreg:$0x0] =	wrdreg $0x60  }
0xb4: {  	[dreg:$0x2] =	wrdreg s16  }
0xb5: {  	[dreg:$0x3] =	wrdreg s24  }
0xb6: {  	[dreg:$0x4] =	wrdreg $0x9  }
0xb7: {  	_ =	task.clear_ibuf [dreg:s7], $0x5FFFF;
	_ =	strace $0x90000046  }
0xb8: {  	s29 =	simm.s32 $0x9;
	_ =	strace $0x80000048  }
0xb9: {  	_ =	swait.ge [sflag:s29], $0x1  }
0xba: {  	[sflag:s29] =	ssyncadd.s32 $0xFFFFFFFF  }
0xbb: {  	_ =	strace $0x90000048  }
0xbc: {  	_ =	sfence  }
0xbd: {  	s30 =	sld [smem:$0x0];
	_ =	sdelay $0x2  }
0xbe: {  	s31 =	sshll.u32 s1, $0xD;
	s1 =	sshrl.u32 s1, $0x2  }
0xbf: {  	s3 =	sand.u32 $0x4000, s31;
	s1 =	sadd.s32 s1, s30  }
0xc0: {  	s0 =	sor.u32 s3, s0;
	s1 =	sshll.u32 s1, $0x11  }
0xc1: {  	s0 =	sor.u32 s1, s0  }
0xc2: {  	s0 =	sadd.s32 $0x8F2B, s0  }
0xc3: {  	[sflag:s0] =	ssyncadd.remote.s32 $0x1  }
0xc4: {  	_ =	sfence.sel $0xFFFF  }
0xc5: {  	[dreg:$0x0] =	wrdreg $0xFFFFFFFF;
	(pc) =	sbr.abs _section_cstart, $3  }
0xc6: {  	[dreg:$0x1] =	wrdreg $0xFFFFFFFF  }
0xc7: {  	_ =	task.clear_ibuf [dreg:s7], $0x2FFFF;
	_ =	strace $0x9FFFFFFF  }
0xc8: {  	(tm) =	ssettm $0x7FFFFFFF  }
0xc9: {  	_ =	shalt  }
tec
execute0_lowered:
.L_overlay_start_1:
0x0: {  	(tag) =	ssettag $0x1  }
0x1: {  	v0 =	vimm.s32 $0xFEDCBA98;
	v1 =	vimm.s32 $0x76543210  }
0x2: {  	v2 =	vimm.s32 $0xBA98FEDC;
	v3 =	vimm.s32 $0x32107654;
	v4 =	vimm.s32 $0xDCFE98BA  }
0x3: {  	v5 =	vimm.s32 $0x54761032;
	v6 =	vimm.s32 $0xEFCDAB89;
	v7 =	vimm.s32 $0x67452301  }
0x4: {  	v0 =	vunpack.c.l.s4.s8 v0;
	v1 =	vunpack.c.l.s4.s8 v1;
	v2 =	vunpack.c.l.s4.s8 v2  }
0x5: {  	s3 =	rddreg [dreg:$0x0];
	v3 =	vunpack.c.l.s4.s8 v3;
	v4 =	vunpack.c.l.s4.s8 v4;
	v5 =	vunpack.c.l.s4.s8 v5  }
0x6: {  	s4 =	rddreg [dreg:$0x1];
	v6 =	vunpack.c.l.s4.s8 v6;
	v7 =	vunpack.c.l.s4.s8 v7;
	v0 =	vunpack.c.0.s8.s32 v0  }
0x7: {  	s0 =	rddreg [dreg:$0x2];
	s5 =	srdreg.scid;
	v2 =	vunpack.c.0.s8.s32 v2;
	v3 =	vunpack.c.0.s8.s32 v3;
	v4 =	vunpack.c.0.s8.s32 v4  }
0x8: {  	s2 =	simm.s32 $0x0;
	s1 =	stileid.u32;
	s8 =	simm.s32 $0x0;
	v5 =	vunpack.c.0.s8.s32 v5;
	v6 =	vunpack.c.0.s8.s32 v6;
	v7 =	vunpack.c.0.s8.s32 v7  }
0x9: {  	s5 =	sand.u32 $0x1, s5;
	s6 =	sshll.u32 s1, $0xD;
	[smem:$0x7FF] =	sst s2;
	v1 =	vunpack.c.0.s8.s32 v1;
	v2 =	vcombine.low v3, v2  }
0xa: {  	s7 =	sshll.u32 s5, $0xC;
	s5 =	ssub.s32 $0x2, s5;
	_ =	strace $0x80000047;
	v0 =	vand.u32 $0xF, v0;
	v3 =	vcombine.low v5, v4;
	v4 =	vcombine.low v7, v6  }
0xb: {  	v8 =	vimm.f32 $0.0e+00;
	s6 =	sor.u32 s7, s6;
	s31 =	sshrl.u32 s5, $0x1;
	s7 =	simm.s32 $0x8000;
	v0 =	vcombine.low v0, v1;
	v1 =	vand.u32 $0xF, v2  }
0xc: {  	s4 =	sadd.s32 s6, s4;
	s5 =	ssub.s32 s5, s31;
	s3 =	sadd.s32 s3, s6;
	v2 =	vlaneseq.u32;
	v3 =	vand.u32 $0xF, v3;
	v4 =	vand.u32 $0xF, v4  }
0xd: {  	s6 =	simm.s32 $0x1;
	s4 =	sadd.s32 $0xC2800, s4;
	s5 =	smax.u32 s5, $0x1;
	v5 =	vor.u32 $0x30, v2;
	v6 =	vor.u32 $0x20, v2;
	v7 =	vor.u32 $0x10, v2  }
.LBB2_1:
0xe: {  	[tilespmem:s2], [sflag:$0x1] =	stream.linear.gather [hbm4b:s3+s2], $0x8000, $0x38;
	[tilespmem:$0x10000] =	vst v63  }
0xf: {  	_ =	swait.ge [sflag:s6], $0x8000  }
0x10: {  	s9 =	simm.s32 $0xFFFFFFF8;
	[sflag:s6] =	ssyncset.done $0x0  }
0x11: {  	s10 =	simm.s32 $0x100;
	s11 =	simm.s32 $0x8100;
	[sflag:s6] =	ssyncadd.s32 $0xFFFF8000  }
.LBB2_2:
0x12: {  	v9 =	vld [tilespmem:s10+$0xFFFFFF00]  }
0x13: {  	v10 =	vld [tilespmem:s10+$0xFFFFFF10]  }
0x14: {  	v11 =	vld [tilespmem:s10+$0xFFFFFF20]  }
0x15: {  	v12 =	vld [tilespmem:s10+$0xFFFFFF30];
	_ =	sdelay $0x4  }
0x16: {  	v13 =	vmax.f32 v9, v10;
	v14 =	vmax.f32 v11, v12  }
0x17: {  	v13 =	vmax.f32 v13, v14  }
0x18: {  	v14 =	vperm.xlane v13, v0;
	_ =	sdelay $0x1  }
0x19: {  	v13 =	vmax.f32 v13, v14  }
0x1a: {  	v14 =	vperm.xlane v13, v1;
	_ =	sdelay $0x1  }
0x1b: {  	v13 =	vmax.f32 v13, v14  }
0x1c: {  	v14 =	vperm.xlane v13, v3;
	_ =	sdelay $0x1  }
0x1d: {  	v13 =	vmax.f32 v13, v14  }
0x1e: {  	v14 =	vperm.xlane v13, v4;
	_ =	sdelay $0x1  }
0x1f: {  	v13 =	vmax.f32 v13, v14  }
0x20: {  	vm0 =	veq.f32 v12, v13  }
0x21: {  	vm1 =	veq.f32 v11, v13;
	v41 =	vnsel vm0, $0x3E8, v5  }
0x22: {  	vm8 =	veq.f32 v10, v13;
	v14 =	vsel vm1, v6, v41  }
0x23: {  	vm9 =	veq.f32 v9, v13;
	v42 =	vsel vm8, v7, v14  }
0x24: {  	v13 =	vsel vm9, v2, v42  }
0x25: {  	v43 =	vperm.xlane v13, v0;
	_ =	sdelay $0x1  }
0x26: {  	vm10 =	vlt.s32 v13, v43  }
0x27: {  	v13 =	vsel vm10, v13, v43  }
0x28: {  	v14 =	vperm.xlane v13, v1;
	_ =	sdelay $0x1  }
0x29: {  	vm0 =	vlt.s32 v13, v14  }
0x2a: {  	v13 =	vsel vm0, v13, v14  }
0x2b: {  	v14 =	vperm.xlane v13, v3;
	_ =	sdelay $0x1  }
0x2c: {  	vm0 =	vlt.s32 v13, v14  }
0x2d: {  	v13 =	vsel vm0, v13, v14  }
0x2e: {  	v14 =	vperm.xlane v13, v4;
	_ =	sdelay $0x1  }
0x2f: {  	vm0 =	vlt.s32 v13, v14  }
0x30: {  	v44 =	vimm.s32 $0x0;
	v45 =	vimm.s32 $0x0;
	v13 =	vsel vm0, v13, v14  }
0x31: {  	v46 =	vimm.s32 $0x0;
	v47 =	vimm.s32 $0x0;
	vm0 =	veq.s32 v13, v2  }
0x32: {  	vm2 =	veq.s32 v13, v7;
	vm11 =	veq.s32 v13, v6;
	vm12 =	veq.s32 v13, v5  }
0x33: {  	v14 =	vsel vm0, $0xFFFFFFFF, v44;
	v9 =	vsel vm0, $0xFF800000, v9;
	v13 =	vsel vm12, $0xFFFFFFFF, v47  }
0x34: {  	v10 =	vsel vm2, $0xFF800000, v10;
	v11 =	vsel vm11, $0xFF800000, v11;
	v12 =	vsel vm12, $0xFF800000, v12;
	[tilespmem:$0x1F460] =	vst v14  }
0x35: {  	v14 =	vsel vm2, $0xFFFFFFFF, v45;
	[tilespmem:$0x1F540] =	vst v13;
	v48 =	vmax.f32 v9, v10;
	v49 =	vmax.f32 v11, v12  }
0x36: {  	[tilespmem:$0x1F4B0] =	vst v14;
	v14 =	vsel vm11, $0xFFFFFFFF, v46;
	v13 =	vmax.f32 v48, v49  }
0x37: {  	[tilespmem:$0x1F530] =	vst v14;
	v14 =	vperm.xlane v13, v0;
	_ =	sdelay $0x1  }
0x38: {  	v13 =	vmax.f32 v13, v14  }
0x39: {  	v14 =	vperm.xlane v13, v1;
	_ =	sdelay $0x1  }
0x3a: {  	v13 =	vmax.f32 v13, v14  }
0x3b: {  	v14 =	vperm.xlane v13, v3;
	_ =	sdelay $0x1  }
0x3c: {  	v13 =	vmax.f32 v13, v14  }
0x3d: {  	v14 =	vperm.xlane v13, v4;
	_ =	sdelay $0x1  }
0x3e: {  	v13 =	vmax.f32 v13, v14  }
0x3f: {  	vm13 =	veq.f32 v12, v13  }
0x40: {  	vm14 =	veq.f32 v11, v13;
	v50 =	vnsel vm13, $0x3E8, v5  }
0x41: {  	vm15 =	veq.f32 v10, v13;
	v14 =	vsel vm14, v6, v50  }
0x42: {  	vm4 =	veq.f32 v9, v13;
	v51 =	vsel vm15, v7, v14  }
0x43: {  	v13 =	vsel vm4, v2, v51  }
0x44: {  	v15 =	vld [tilespmem:s10+$0xFFFFFF40];
	v52 =	vperm.xlane v13, v0  }
0x45: {  	v16 =	vld [tilespmem:s10+$0xFFFFFF50]  }
0x46: {  	v53 =	vld [tilespmem:s10+$0xFFFFFF60];
	vm5 =	vlt.s32 v13, v52  }
0x47: {  	v18 =	vld [tilespmem:s10+$0xFFFFFF70];
	v13 =	vsel vm5, v13, v52  }
0x48: {  	v17 =	vperm.xlane v13, v1;
	_ =	sdelay $0x1  }
0x49: {  	vm0 =	vlt.s32 v13, v17  }
0x4a: {  	v13 =	vsel vm0, v13, v17  }
0x4b: {  	v19 =	vmax.f32 v15, v16;
	v20 =	vmax.f32 v53, v18;
	v17 =	vperm.xlane v13, v3  }
0x4c: {  	v19 =	vmax.f32 v19, v20  }
0x4d: {  	v54 =	vperm.xlane v19, v0;
	vm0 =	vlt.s32 v13, v17  }
0x4e: {  	v13 =	vsel vm0, v13, v17  }
0x4f: {  	v17 =	vmax.f32 v19, v54;
	v55 =	vperm.xlane v13, v4  }
0x50: {  	v19 =	vperm.xlane v17, v1  }
0x51: {  	vm0 =	vlt.s32 v13, v55  }
0x52: {  	v57 =	vimm.s32 $0x0;
	v17 =	vmax.f32 v17, v19;
	v13 =	vsel vm0, v13, v55  }
0x53: {  	v60 =	vimm.s32 $0x0;
	v58 =	vperm.xlane v17, v3;
	vm0 =	veq.s32 v13, v2  }
0x54: {  	vm6 =	veq.s32 v13, v7;
	vm7 =	veq.s32 v13, v6;
	vm8 =	veq.s32 v13, v5  }
0x55: {  	v9 =	vsel vm0, $0xFF800000, v9;
	v10 =	vsel vm6, $0xFF800000, v10;
	v61 =	vmax.f32 v17, v58  }
0x56: {  	v11 =	vsel vm7, $0xFF800000, v11;
	v12 =	vsel vm8, $0xFF800000, v12;
	v24 =	vperm.xlane v61, v4  }
0x57: {  	v13 =	vsel vm8, $0xFFFFFFFF, v60;
	v62 =	vmax.f32 v9, v10;
	v63 =	vmax.f32 v11, v12  }
0x58: {  	v19 =	vsel vm6, $0xFFFFFFFF, v57;
	[tilespmem:$0x1F520] =	vst v13;
	v17 =	vmax.f32 v62, v63;
	v13 =	vmax.f32 v61, v24  }
0x59: {  	[tilespmem:$0x1F490] =	vst v19;
	v19 =	vperm.xlane v17, v0;
	vm9 =	veq.f32 v18, v13  }
0x5a: {  	vm10 =	veq.f32 v53, v13;
	v25 =	vnsel vm9, $0x3E8, v5  }
0x5b: {  	vm11 =	veq.f32 v16, v13;
	v17 =	vmax.f32 v17, v19;
	v19 =	vsel vm10, v6, v25  }
0x5c: {  	vm12 =	veq.f32 v15, v13;
	v26 =	vperm.xlane v17, v1;
	v27 =	vsel vm11, v7, v19  }
0x5d: {  	v13 =	vsel vm12, v2, v27  }
0x5e: {  	v17 =	vmax.f32 v17, v26;
	v29 =	vperm.xlane v13, v0  }
0x5f: {  	v56 =	vimm.s32 $0x0;
	v28 =	vperm.xlane v17, v3  }
0x60: {  	v59 =	vimm.s32 $0x0;
	v20 =	vsel vm0, $0xFFFFFFFF, v56;
	vm13 =	vlt.s32 v13, v29  }
0x61: {  	[tilespmem:$0x1F440] =	vst v20;
	v20 =	vsel vm7, $0xFFFFFFFF, v59;
	v17 =	vmax.f32 v17, v28;
	v13 =	vsel vm13, v13, v29  }
0x62: {  	[tilespmem:$0x1F4E0] =	vst v20;
	v19 =	vperm.xlane v17, v4;
	v20 =	vperm.xlane v13, v1;
	_ =	sdelay $0x1  }
0x63: {  	v17 =	vmax.f32 v17, v19;
	vm15 =	vlt.s32 v13, v20  }
0x64: {  	vm14 =	veq.f32 v12, v17;
	v13 =	vsel vm15, v13, v20  }
0x65: {  	vm4 =	veq.f32 v11, v17;
	v30 =	vnsel vm14, $0x3E8, v5;
	v20 =	vperm.xlane v13, v3  }
0x66: {  	vm5 =	veq.f32 v10, v17;
	v19 =	vsel vm4, v6, v30  }
0x67: {  	vm6 =	veq.f32 v9, v17;
	v31 =	vsel vm5, v7, v19;
	vm7 =	vlt.s32 v13, v20  }
0x68: {  	v17 =	vsel vm6, v2, v31;
	v13 =	vsel vm7, v13, v20  }
0x69: {  	v32 =	vperm.xlane v17, v0;
	v20 =	vperm.xlane v13, v4;
	_ =	sdelay $0x1  }
0x6a: {  	vm8 =	vlt.s32 v17, v32;
	vm9 =	vlt.s32 v13, v20  }
0x6b: {  	v17 =	vsel vm8, v17, v32;
	v13 =	vsel vm9, v13, v20  }
0x6c: {  	v19 =	vperm.xlane v17, v1;
	vm10 =	veq.s32 v13, v2  }
0x6d: {  	vm3 =	veq.s32 v13, v7;
	vm12 =	veq.s32 v13, v6;
	vm13 =	veq.s32 v13, v5  }
0x6e: {  	vm11 =	vlt.s32 v17, v19;
	v15 =	vsel vm10, $0xFF800000, v15;
	v37 =	vsel vm3, $0xFF800000, v16  }
0x6f: {  	v14 =	vsel vm12, $0xFF800000, v53;
	v38 =	vsel vm13, $0xFF800000, v18;
	v17 =	vsel vm11, v17, v19  }
0x70: {  	v39 =	vmax.f32 v15, v37;
	v40 =	vmax.f32 v14, v38;
	v41 =	vperm.xlane v17, v3  }
0x71: {  	v18 =	vmax.f32 v39, v40  }
0x72: {  	v33 =	vimm.s32 $0x0;
	v19 =	vperm.xlane v18, v0;
	vm0 =	vlt.s32 v17, v41  }
0x73: {  	v34 =	vimm.s32 $0x0;
	v35 =	vimm.s32 $0x0;
	v17 =	vsel vm0, v17, v41  }
0x74: {  	v45 =	vimm.s32 $0x0;
	v18 =	vmax.f32 v18, v19;
	v42 =	vperm.xlane v17, v4  }
0x75: {  	v46 =	vimm.s32 $0x0;
	v20 =	vsel vm10, $0xFFFFFFFF, v33;
	v43 =	vperm.xlane v18, v1  }
0x76: {  	v48 =	vimm.s32 $0x0;
	[tilespmem:$0x1F590] =	vst v20;
	v20 =	vsel vm3, $0xFFFFFFFF, v34;
	vm0 =	vlt.s32 v17, v42  }
0x77: {  	[tilespmem:$0x1F600] =	vst v20;
	v20 =	vsel vm12, $0xFFFFFFFF, v35;
	v18 =	vmax.f32 v18, v43;
	v17 =	vsel vm0, v17, v42  }
0x78: {  	v44 =	vperm.xlane v18, v3;
	vm0 =	veq.s32 v17, v2;
	vm14 =	veq.s32 v17, v7  }
0x79: {  	[tilespmem:$0x1F690] =	vst v20;
	vm15 =	veq.s32 v17, v6;
	vm4 =	veq.s32 v17, v5;
	v20 =	vsel vm0, $0xFFFFFFFF, v45  }
0x7a: {  	v9 =	vsel vm0, $0xFF800000, v9;
	v18 =	vmax.f32 v18, v44;
	v17 =	vsel vm4, $0xFFFFFFFF, v48  }
0x7b: {  	v10 =	vsel vm14, $0xFF800000, v10;
	v11 =	vsel vm15, $0xFF800000, v11;
	v12 =	vsel vm4, $0xFF800000, v12  }
0x7c: {  	[tilespmem:$0x1F430] =	vst v20;
	v49 =	vperm.xlane v18, v4;
	v50 =	vmax.f32 v9, v10;
	v51 =	vmax.f32 v11, v12  }
0x7d: {  	v20 =	vsel vm14, $0xFFFFFFFF, v46;
	[tilespmem:$0x1F510] =	vst v17;
	v52 =	vmax.f32 v50, v51  }
0x7e: {  	v47 =	vimm.s32 $0x0;
	[tilespmem:$0x1F480] =	vst v20;
	v17 =	vmax.f32 v18, v49;
	v20 =	vperm.xlane v52, v0  }
0x7f: {  	v19 =	vsel vm15, $0xFFFFFFFF, v47;
	vm5 =	veq.f32 v38, v17  }
0x80: {  	vm6 =	veq.f32 v14, v17;
	v53 =	vnsel vm5, $0x3E8, v5;
	v18 =	vmax.f32 v52, v20  }
0x81: {  	[tilespmem:$0x1F4D0] =	vst v19;
	vm7 =	veq.f32 v37, v17;
	v19 =	vsel vm6, v6, v53;
	v54 =	vperm.xlane v18, v1  }
0x82: {  	vm8 =	veq.f32 v15, v17;
	v19 =	vsel vm7, v7, v19  }
0x83: {  	v17 =	vsel vm8, v2, v19;
	v18 =	vmax.f32 v18, v54  }
0x84: {  	v55 =	vperm.xlane v17, v0;
	v19 =	vperm.xlane v18, v3;
	_ =	sdelay $0x1  }
0x85: {  	vm0 =	vlt.s32 v17, v55;
	v18 =	vmax.f32 v18, v19  }
0x86: {  	v17 =	vsel vm0, v17, v55;
	v57 =	vperm.xlane v18, v4  }
0x87: {  	v56 =	vperm.xlane v17, v1  }
0x88: {  	v18 =	vmax.f32 v18, v57  }
0x89: {  	v36 =	vimm.s32 $0x0;
	vm0 =	vlt.s32 v17, v56;
	vm9 =	veq.f32 v12, v18  }
0x8a: {  	vm10 =	veq.f32 v11, v18;
	v17 =	vsel vm0, v17, v56;
	v58 =	vnsel vm9, $0x3E8, v5  }
0x8b: {  	vm11 =	veq.f32 v10, v18;
	v19 =	vperm.xlane v17, v3;
	v20 =	vsel vm10, v6, v58  }
0x8c: {  	v13 =	vsel vm13, $0xFFFFFFFF, v36;
	vm13 =	veq.f32 v9, v18;
	v20 =	vsel vm11, v7, v20  }
0x8d: {  	vm12 =	vlt.s32 v17, v19;
	v18 =	vsel vm13, v2, v20  }
0x8e: {  	v17 =	vsel vm12, v17, v19;
	v20 =	vperm.xlane v18, v0  }
0x8f: {  	v19 =	vperm.xlane v17, v4  }
0x90: {  	v21 =	vimm.s32 $0x0;
	v60 =	vimm.s32 $0x0;
	vm15 =	vlt.s32 v18, v20  }
0x91: {  	v22 =	vld [tilespmem:s10+$0xFFFFFFA0];
	v24 =	vimm.s32 $0x0;
	vm14 =	vlt.s32 v17, v19;
	v18 =	vsel vm15, v18, v20  }
0x92: {  	v23 =	vld [tilespmem:s10+$0xFFFFFFB0];
	v61 =	vimm.s32 $0x0;
	v17 =	vsel vm14, v17, v19;
	v59 =	vperm.xlane v18, v1  }
0x93: {  	v20 =	vld [tilespmem:s10+$0xFFFFFF90];
	vm4 =	veq.s32 v17, v2;
	vm5 =	veq.s32 v17, v7;
	vm6 =	veq.s32 v17, v6  }
0x94: {  	v19 =	vld [tilespmem:s10+$0xFFFFFF80];
	vm7 =	veq.s32 v17, v5;
	v21 =	vsel vm4, $0xFFFFFFFF, v21;
	v15 =	vsel vm4, $0xFF800000, v15  }
0x95: {  	[tilespmem:$0x1F6A0] =	vst v13;
	v24 =	vsel vm5, $0xFFFFFFFF, v24;
	v17 =	vsel vm7, $0xFFFFFFFF, v61;
	v13 =	vsel vm5, $0xFF800000, v37  }
0x96: {  	v14 =	vsel vm6, $0xFF800000, v14;
	v16 =	vsel vm7, $0xFF800000, v38;
	vm8 =	vlt.s32 v18, v59;
	[tilespmem:$0x1F580] =	vst v21  }
0x97: {  	[tilespmem:$0x1F5D0] =	vst v24;
	v62 =	vmax.f32 v15, v13;
	v63 =	vmax.f32 v14, v16;
	v18 =	vsel vm8, v18, v59  }
0x98: {  	v24 =	vsel vm6, $0xFFFFFFFF, v60;
	[tilespmem:$0x1F670] =	vst v17;
	v17 =	vmax.f32 v62, v63;
	v21 =	vperm.xlane v18, v3  }
0x99: {  	v26 =	vmax.f32 v22, v23;
	[tilespmem:$0x1F620] =	vst v24;
	v24 =	vperm.xlane v17, v0;
	v25 =	vmax.f32 v19, v20  }
0x9a: {  	v33 =	vimm.s32 $0x0;
	v28 =	vmax.f32 v25, v26;
	vm0 =	vlt.s32 v18, v21  }
0x9b: {  	v17 =	vmax.f32 v17, v24;
	v18 =	vsel vm0, v18, v21;
	v25 =	vperm.xlane v28, v0  }
0x9c: {  	v36 =	vimm.s32 $0x0;
	v29 =	vperm.xlane v17, v1;
	v30 =	vperm.xlane v18, v4  }
0x9d: {  	v35 =	vimm.s32 $0x0;
	v53 =	vimm.s32 $0x0;
	v31 =	vmax.f32 v28, v25  }
0x9e: {  	v17 =	vmax.f32 v17, v29;
	v25 =	vperm.xlane v31, v1;
	vm0 =	vlt.s32 v18, v30  }
0x9f: {  	v37 =	vimm.s32 $0x0;
	v32 =	vperm.xlane v17, v3;
	v18 =	vsel vm0, v18, v30  }
0xa0: {  	v21 =	vmax.f32 v31, v25;
	vm0 =	veq.s32 v18, v2;
	vm9 =	veq.s32 v18, v7  }
0xa1: {  	vm10 =	veq.s32 v18, v6;
	vm11 =	veq.s32 v18, v5;
	v17 =	vmax.f32 v17, v32  }
0xa2: {  	v24 =	vsel vm0, $0xFFFFFFFF, v33;
	v9 =	vsel vm0, $0xFF800000, v9;
	v18 =	vsel vm11, $0xFFFFFFFF, v37  }
0xa3: {  	v25 =	vperm.xlane v21, v3;
	v34 =	vperm.xlane v17, v4;
	[tilespmem:$0x1F500] =	vst v18;
	v18 =	vsel vm9, $0xFF800000, v10  }
0xa4: {  	v10 =	vsel vm10, $0xFF800000, v11;
	v11 =	vsel vm11, $0xFF800000, v12;
	v38 =	vmax.f32 v9, v18  }
0xa5: {  	v21 =	vmax.f32 v21, v25;
	v39 =	vmax.f32 v10, v11;
	v17 =	vmax.f32 v17, v34  }
0xa6: {  	v25 =	vperm.xlane v21, v4;
	v12 =	vmax.f32 v38, v39;
	vm12 =	veq.f32 v16, v17  }
0xa7: {  	[tilespmem:$0x1F420] =	vst v24;
	v24 =	vperm.xlane v12, v0;
	vm13 =	veq.f32 v14, v17;
	vm14 =	veq.f32 v13, v17  }
0xa8: {  	vm4 =	veq.f32 v15, v17;
	v40 =	vnsel vm12, $0x3E8, v5;
	v21 =	vmax.f32 v21, v25  }
0xa9: {  	v41 =	vsel vm13, v6, v40;
	vm15 =	veq.f32 v23, v21;
	v12 =	vmax.f32 v12, v24  }
0xaa: {  	vm5 =	veq.f32 v22, v21;
	vm6 =	veq.f32 v20, v21;
	v24 =	vperm.xlane v12, v1  }
0xab: {  	vm7 =	veq.f32 v19, v21;
	v25 =	vsel vm14, v7, v41;
	v42 =	vnsel vm15, $0x3E8, v5  }
0xac: {  	v17 =	vsel vm4, v2, v25;
	v43 =	vsel vm5, v6, v42;
	v12 =	vmax.f32 v12, v24  }
0xad: {  	v25 =	vsel vm6, v7, v43;
	v44 =	vperm.xlane v17, v0;
	v24 =	vperm.xlane v12, v3  }
0xae: {  	v54 =	vimm.s32 $0x0;
	v55 =	vimm.s32 $0x0;
	v21 =	vsel vm7, v2, v25  }
0xaf: {  	v45 =	vperm.xlane v21, v0;
	vm8 =	vlt.s32 v17, v44;
	v12 =	vmax.f32 v12, v24  }
0xb0: {  	v57 =	vimm.s32 $0x0;
	v17 =	vsel vm8, v17, v44;
	v24 =	vperm.xlane v12, v4  }
0xb1: {  	v26 =	vsel vm9, $0xFFFFFFFF, v35;
	vm9 =	vlt.s32 v21, v45;
	v25 =	vperm.xlane v17, v1  }
0xb2: {  	[tilespmem:$0x1F470] =	vst v26;
	v26 =	vsel vm10, $0xFFFFFFFF, v36;
	v21 =	vsel vm9, v21, v45;
	v12 =	vmax.f32 v12, v24  }
0xb3: {  	v46 =	vperm.xlane v21, v1;
	vm11 =	vlt.s32 v17, v25;
	vm10 =	veq.f32 v11, v12  }
0xb4: {  	v17 =	vsel vm11, v17, v25;
	vm13 =	veq.f32 v10, v12;
	vm14 =	veq.f32 v18, v12  }
0xb5: {  	v47 =	vnsel vm10, $0x3E8, v5;
	vm12 =	vlt.s32 v21, v46;
	v48 =	vperm.xlane v17, v3  }
0xb6: {  	vm15 =	veq.f32 v9, v12;
	v21 =	vsel vm12, v21, v46;
	v49 =	vsel vm13, v6, v47  }
0xb7: {  	v50 =	vperm.xlane v21, v3;
	v25 =	vsel vm14, v7, v49;
	vm1 =	vlt.s32 v17, v48  }
0xb8: {  	v56 =	vimm.s32 $0x0;
	v12 =	vsel vm15, v2, v25;
	v17 =	vsel vm1, v17, v48  }
0xb9: {  	vm4 =	vlt.s32 v21, v50;
	v51 =	vperm.xlane v12, v0;
	v52 =	vperm.xlane v17, v4  }
0xba: {  	v61 =	vimm.s32 $0x0;
	v59 =	vimm.s32 $0x0;
	v21 =	vsel vm4, v21, v50  }
0xbb: {  	[tilespmem:$0x1F4C0] =	vst v26;
	v26 =	vperm.xlane v21, v4;
	vm5 =	vlt.s32 v12, v51;
	vm1 =	vlt.s32 v17, v52  }
0xbc: {  	v60 =	vimm.s32 $0x0;
	v12 =	vsel vm5, v12, v51;
	v17 =	vsel vm1, v17, v52  }
0xbd: {  	vm6 =	vlt.s32 v21, v26;
	vm1 =	veq.s32 v17, v2;
	vm7 =	veq.s32 v17, v7  }
0xbe: {  	vm8 =	veq.s32 v17, v6;
	vm9 =	veq.s32 v17, v5;
	v32 =	vperm.xlane v12, v1  }
0xbf: {  	v21 =	vsel vm6, v21, v26;
	v24 =	vsel vm1, $0xFFFFFFFF, v53;
	v27 =	vsel vm8, $0xFF800000, v14  }
0xc0: {  	[tilespmem:$0x1F570] =	vst v24;
	v24 =	vsel vm7, $0xFFFFFFFF, v54;
	vm10 =	veq.s32 v21, v2;
	vm11 =	veq.s32 v21, v7  }
0xc1: {  	vm12 =	veq.s32 v21, v6;
	vm13 =	veq.s32 v21, v5;
	[tilespmem:$0x1F5C0] =	vst v24;
	v24 =	vsel vm7, $0xFF800000, v13  }
0xc2: {  	v13 =	vsel vm8, $0xFFFFFFFF, v55;
	v19 =	vsel vm10, $0xFF800000, v19;
	v14 =	vsel vm11, $0xFFFFFFFF, v59  }
0xc3: {  	v20 =	vsel vm11, $0xFF800000, v20;
	v62 =	vsel vm12, $0xFF800000, v22;
	v63 =	vsel vm13, $0xFF800000, v23;
	[tilespmem:$0x1F610] =	vst v13  }
0xc4: {  	v13 =	vsel vm9, $0xFFFFFFFF, v56;
	[tilespmem:$0x1F730] =	vst v14;
	v30 =	vmax.f32 v19, v20;
	v31 =	vmax.f32 v62, v63  }
0xc5: {  	v15 =	vsel vm1, $0xFF800000, v15;
	v14 =	vsel vm12, $0xFFFFFFFF, v60;
	[tilespmem:$0x1F660] =	vst v13;
	v33 =	vmax.f32 v30, v31  }
0xc6: {  	v16 =	vsel vm9, $0xFF800000, v16;
	v13 =	vsel vm10, $0xFFFFFFFF, v57;
	[tilespmem:$0x1F780] =	vst v14;
	v21 =	vperm.xlane v33, v0  }
0xc7: {  	v29 =	vmax.f32 v27, v16;
	v58 =	vmax.f32 v15, v24;
	v14 =	vsel vm13, $0xFFFFFFFF, v61;
	[tilespmem:$0x1F720] =	vst v13  }
0xc8: {  	vm14 =	vlt.s32 v12, v32;
	[tilespmem:$0x1F7D0] =	vst v14;
	v13 =	vmax.f32 v58, v29;
	v14 =	vmax.f32 v33, v21  }
0xc9: {  	v12 =	vsel vm14, v12, v32;
	v34 =	vperm.xlane v13, v0;
	v21 =	vperm.xlane v14, v1  }
0xca: {  	v22 =	vperm.xlane v12, v3  }
0xcb: {  	v13 =	vmax.f32 v13, v34;
	v14 =	vmax.f32 v14, v21  }
0xcc: {  	vm0 =	vlt.s32 v12, v22;
	v17 =	vperm.xlane v13, v1;
	v21 =	vperm.xlane v14, v3  }
0xcd: {  	v12 =	vsel vm0, v12, v22  }
0xce: {  	v22 =	vperm.xlane v12, v4;
	v13 =	vmax.f32 v13, v17;
	v14 =	vmax.f32 v14, v21  }
0xcf: {  	v17 =	vperm.xlane v13, v3;
	v21 =	vperm.xlane v14, v4  }
0xd0: {  	vm0 =	vlt.s32 v12, v22  }
0xd1: {  	v12 =	vsel vm0, v12, v22;
	v13 =	vmax.f32 v13, v17;
	v28 =	vmax.f32 v14, v21  }
0xd2: {  	vm6 =	veq.s32 v12, v2;
	v17 =	vperm.xlane v13, v4;
	vm4 =	veq.f32 v63, v28  }
0xd3: {  	vm8 =	veq.s32 v12, v7;
	vm5 =	veq.f32 v62, v28;
	v37 =	vnsel vm4, $0x3E8, v5  }
0xd4: {  	v35 =	vmax.f32 v13, v17;
	vm7 =	veq.f32 v20, v28;
	v13 =	vsel vm5, v6, v37  }
0xd5: {  	v29 =	vsel vm7, v7, v13;
	v13 =	vsel vm6, $0xFF800000, v9;
	v9 =	vimm.s32 $0x0  }
0xd6: {  	v38 =	vimm.s32 $0x0;
	v9 =	vsel vm8, $0xFFFFFFFF, v9  }
0xd7: {  	vm9 =	veq.s32 v12, v6;
	v14 =	vsel vm6, $0xFFFFFFFF, v38;
	[tilespmem:$0x1F450] =	vst v9;
	v9 =	vimm.s32 $0x0  }
0xd8: {  	vm10 =	veq.s32 v12, v5;
	v21 =	vsel vm9, $0xFF800000, v10;
	[tilespmem:$0x1F410] =	vst v14;
	v9 =	vsel vm9, $0xFFFFFFFF, v9  }
0xd9: {  	v14 =	vsel vm8, $0xFF800000, v18;
	v17 =	vsel vm10, $0xFF800000, v11;
	[tilespmem:$0x1F4A0] =	vst v9;
	v9 =	vimm.s32 $0x0  }
0xda: {  	vm11 =	veq.f32 v19, v28;
	vm15 =	veq.f32 v16, v35;
	v9 =	vsel vm10, $0xFFFFFFFF, v9  }
0xdb: {  	v11 =	vmax.f32 v21, v17;
	v10 =	vmax.f32 v13, v14;
	[tilespmem:$0x1F4F0] =	vst v9;
	v9 =	vsel vm11, v2, v29  }
0xdc: {  	vm12 =	veq.f32 v27, v35;
	v10 =	vmax.f32 v10, v11;
	v11 =	vperm.xlane v9, v0  }
0xdd: {  	vm13 =	veq.f32 v24, v35;
	v36 =	vnsel vm15, $0x3E8, v5;
	v40 =	vperm.xlane v10, v0  }
0xde: {  	vm15 =	veq.f32 v15, v35;
	v39 =	vsel vm12, v6, v36;
	vm14 =	vlt.s32 v9, v11  }
0xdf: {  	v12 =	vsel vm13, v7, v39;
	v10 =	vmax.f32 v10, v40;
	v9 =	vsel vm14, v9, v11  }
0xe0: {  	v41 =	vperm.xlane v10, v1;
	v11 =	vsel vm15, v2, v12;
	v42 =	vperm.xlane v9, v1  }
0xe1: {  	v43 =	vperm.xlane v11, v0  }
0xe2: {  	v10 =	vmax.f32 v10, v41;
	vm4 =	vlt.s32 v9, v42  }
0xe3: {  	v12 =	vperm.xlane v10, v3;
	vm5 =	vlt.s32 v11, v43;
	v9 =	vsel vm4, v9, v42  }
0xe4: {  	v48 =	vimm.s32 $0x0;
	v11 =	vsel vm5, v11, v43;
	v18 =	vperm.xlane v9, v3  }
0xe5: {  	v50 =	vimm.s32 $0x0;
	v10 =	vmax.f32 v10, v12;
	v44 =	vperm.xlane v11, v1  }
0xe6: {  	v51 =	vimm.s32 $0x0;
	v45 =	vperm.xlane v10, v4;
	vm6 =	vlt.s32 v9, v18  }
0xe7: {  	v56 =	vimm.s32 $0x0;
	vm7 =	vlt.s32 v11, v44;
	v9 =	vsel vm6, v9, v18  }
0xe8: {  	v46 =	vmax.f32 v10, v45;
	v11 =	vsel vm7, v11, v44;
	v10 =	vperm.xlane v9, v4  }
0xe9: {  	vm8 =	veq.f32 v17, v46;
	vm10 =	veq.f32 v21, v46;
	v12 =	vperm.xlane v11, v3  }
0xea: {  	vm4 =	veq.f32 v14, v46;
	v47 =	vnsel vm8, $0x3E8, v5;
	vm9 =	vlt.s32 v9, v10  }
0xeb: {  	vm11 =	vlt.s32 v11, v12;
	v9 =	vsel vm9, v9, v10;
	v10 =	vsel vm10, v6, v47  }
0xec: {  	v11 =	vsel vm11, v11, v12;
	vm9 =	veq.f32 v13, v46;
	vm12 =	veq.s32 v9, v2  }
0xed: {  	v49 =	vperm.xlane v11, v4;
	vm13 =	veq.s32 v9, v7;
	vm14 =	veq.s32 v9, v6  }
0xee: {  	vm15 =	veq.s32 v9, v5;
	v9 =	vimm.s32 $0x0;
	v53 =	vsel vm4, v7, v10  }
0xef: {  	v12 =	vsel vm12, $0xFFFFFFFF, v48;
	v23 =	vsel vm12, $0xFF800000, v19;
	v19 =	vsel vm13, $0xFFFFFFFF, v50  }
0xf0: {  	v22 =	vsel vm13, $0xFF800000, v20;
	v9 =	vsel vm15, $0xFFFFFFFF, v9;
	v25 =	vsel vm14, $0xFF800000, v62;
	[tilespmem:$0x1F700] =	vst v12  }
0xf1: {  	v26 =	vsel vm15, $0xFF800000, v63;
	v18 =	vsel vm9, v2, v53;
	[tilespmem:$0x1F710] =	vst v19;
	v19 =	vsel vm14, $0xFFFFFFFF, v51  }
0xf2: {  	[tilespmem:$0x1F7C0] =	vst v9;
	v9 =	vmax.f32 v23, v22;
	v52 =	vmax.f32 v25, v26;
	vm5 =	vlt.s32 v11, v49  }
0xf3: {  	v60 =	vperm.xlane v18, v0;
	[tilespmem:$0x1F770] =	vst v19;
	v12 =	vsel vm5, v11, v49;
	v19 =	vmax.f32 v9, v52  }
0xf4: {  	v9 =	vimm.s32 $0x0;
	v11 =	vimm.s32 $0x0;
	v54 =	vperm.xlane v19, v0  }
0xf5: {  	vm1 =	veq.s32 v12, v2;
	vm6 =	veq.s32 v12, v7;
	vm7 =	veq.s32 v12, v6  }
0xf6: {  	vm8 =	veq.s32 v12, v5;
	vm0 =	vlt.s32 v18, v60;
	v9 =	vsel vm1, $0xFFFFFFFF, v9  }
0xf7: {  	v10 =	vsel vm6, $0xFF800000, v24;
	v11 =	vsel vm7, $0xFFFFFFFF, v11;
	v12 =	vsel vm8, $0xFFFFFFFF, v56;
	[tilespmem:$0x1F560] =	vst v9  }
0xf8: {  	v63 =	vsel vm0, v18, v60;
	v9 =	vimm.s32 $0x0;
	[tilespmem:$0x1F5F0] =	vst v11;
	v11 =	vsel vm7, $0xFF800000, v27  }
0xf9: {  	v55 =	vmax.f32 v19, v54;
	[tilespmem:$0x1F650] =	vst v12;
	v12 =	vsel vm8, $0xFF800000, v16;
	v9 =	vsel vm6, $0xFFFFFFFF, v9  }
0xfa: {  	v33 =	vperm.xlane v63, v1;
	v57 =	vperm.xlane v55, v1;
	[tilespmem:$0x1F5B0] =	vst v9;
	v9 =	vsel vm1, $0xFF800000, v15  }
0xfb: {  	v59 =	vmax.f32 v11, v12;
	v58 =	vmax.f32 v9, v10  }
0xfc: {  	vm0 =	vlt.s32 v63, v33;
	v15 =	vmax.f32 v55, v57;
	v19 =	vmax.f32 v58, v59  }
0xfd: {  	v27 =	vsel vm0, v63, v33;
	v62 =	vperm.xlane v15, v3;
	v61 =	vperm.xlane v19, v0  }
0xfe: {  	v56 =	vimm.s32 $0x0;
	v38 =	vperm.xlane v27, v3  }
0xff: {  	v60 =	vimm.s32 $0x0;
	v15 =	vmax.f32 v15, v62;
	v16 =	vmax.f32 v19, v61  }
0x100: {  	v20 =	vld [tilespmem:s10+$0xFFFFFFF0];
	vm14 =	vlt.s32 v27, v38;
	v32 =	vperm.xlane v15, v4;
	v19 =	vperm.xlane v16, v1  }
0x101: {  	v18 =	vld [tilespmem:s10+$0xFFFFFFC0];
	v59 =	vimm.s32 $0x0;
	v27 =	vsel vm14, v27, v38;
	v61 =	vimm.s32 $0x0  }
0x102: {  	v42 =	vperm.xlane v27, v4;
	v24 =	vmax.f32 v15, v32;
	v15 =	vld [tilespmem:s10+$0xFFFFFFD0];
	v16 =	vmax.f32 v16, v19  }
0x103: {  	v19 =	vld [tilespmem:s10+$0xFFFFFFE0];
	vm10 =	veq.f32 v26, v24;
	vm11 =	veq.f32 v25, v24;
	vm12 =	veq.f32 v22, v24  }
0x104: {  	vm6 =	vlt.s32 v27, v42;
	v34 =	vperm.xlane v16, v3;
	v35 =	vnsel vm10, $0x3E8, v5  }
0x105: {  	vm13 =	veq.f32 v23, v24;
	v27 =	vsel vm6, v27, v42;
	v29 =	vsel vm11, v6, v35  }
0x106: {  	vm11 =	veq.s32 v27, v6;
	v16 =	vmax.f32 v16, v34;
	v36 =	vsel vm12, v7, v29  }
0x107: {  	v37 =	vperm.xlane v16, v4;
	v24 =	vsel vm13, v2, v36;
	v30 =	vmax.f32 v18, v15  }
0x108: {  	vm13 =	veq.s32 v27, v5;
	v39 =	vperm.xlane v24, v0;
	v31 =	vmax.f32 v19, v20  }
0x109: {  	v17 =	vsel vm13, $0xFF800000, v17;
	v16 =	vmax.f32 v16, v37;
	v40 =	vmax.f32 v30, v31  }
0x10a: {  	vm15 =	veq.f32 v12, v16;
	v31 =	vperm.xlane v40, v0;
	vm4 =	vlt.s32 v24, v39  }
0x10b: {  	vm5 =	veq.f32 v11, v16;
	vm7 =	veq.f32 v10, v16;
	v24 =	vsel vm4, v24, v39  }
0x10c: {  	v41 =	vnsel vm15, $0x3E8, v5;
	v32 =	vperm.xlane v24, v1;
	v28 =	vmax.f32 v40, v31  }
0x10d: {  	vm8 =	veq.f32 v9, v16;
	v30 =	vsel vm5, v6, v41;
	v31 =	vperm.xlane v28, v1  }
0x10e: {  	vm5 =	veq.s32 v27, v7;
	v43 =	vsel vm7, v7, v30;
	vm9 =	vlt.s32 v24, v32  }
0x10f: {  	v29 =	vsel vm8, v2, v43;
	vm8 =	veq.s32 v27, v2;
	v28 =	vmax.f32 v28, v31  }
0x110: {  	v24 =	vsel vm9, v24, v32;
	v16 =	vsel vm8, $0xFF800000, v13;
	v13 =	vsel vm5, $0xFF800000, v14  }
0x111: {  	v14 =	vsel vm11, $0xFF800000, v21;
	v45 =	vperm.xlane v29, v0;
	v44 =	vperm.xlane v28, v3  }
0x112: {  	v46 =	vmax.f32 v16, v13;
	v47 =	vmax.f32 v14, v17;
	v32 =	vperm.xlane v24, v3  }
0x113: {  	vm0 =	vlt.s32 v29, v45;
	v27 =	vmax.f32 v46, v47;
	v46 =	vimm.s32 $0x0  }
0x114: {  	v47 =	vimm.s32 $0x0;
	v28 =	vmax.f32 v28, v44;
	v21 =	vsel vm0, v29, v45  }
0x115: {  	v48 =	vperm.xlane v27, v0;
	vm10 =	vlt.s32 v24, v32;
	v44 =	vimm.s32 $0x0  }
0x116: {  	v30 =	vperm.xlane v28, v4;
	v24 =	vsel vm10, v24, v32;
	v52 =	vperm.xlane v21, v1  }
0x117: {  	v27 =	vmax.f32 v27, v48;
	v53 =	vperm.xlane v24, v4;
	v48 =	vimm.s32 $0x0  }
0x118: {  	v28 =	vmax.f32 v28, v30;
	v51 =	vperm.xlane v27, v1;
	vm6 =	vlt.s32 v21, v52  }
0x119: {  	vm12 =	veq.f32 v20, v28;
	vm14 =	veq.f32 v19, v28;
	vm15 =	veq.f32 v15, v28  }
0x11a: {  	vm4 =	veq.f32 v18, v28;
	vm7 =	vlt.s32 v24, v53;
	v29 =	vsel vm6, v21, v52  }
0x11b: {  	v49 =	vnsel vm12, $0x3E8, v5;
	v27 =	vmax.f32 v27, v51;
	v24 =	vsel vm7, v24, v53  }
0x11c: {  	v58 =	vperm.xlane v29, v3;
	v30 =	vsel vm14, v6, v49;
	v55 =	vperm.xlane v27, v3  }
0x11d: {  	vm10 =	veq.s32 v24, v2;
	vm12 =	veq.s32 v24, v7;
	vm1 =	veq.s32 v24, v6  }
0x11e: {  	vm14 =	veq.s32 v24, v5;
	v50 =	vsel vm15, v7, v30;
	v21 =	vsel vm10, $0xFFFFFFFF, v56  }
0x11f: {  	v24 =	vsel vm12, $0xFF800000, v22;
	v22 =	vsel vm1, $0xFF800000, v25;
	v56 =	vimm.s32 $0x0  }
0x120: {  	v28 =	vsel vm4, v2, v50;
	v27 =	vmax.f32 v27, v55;
	[tilespmem:$0x1F6C0] =	vst v21;
	v21 =	vsel vm10, $0xFF800000, v23  }
0x121: {  	v23 =	vsel vm12, $0xFFFFFFFF, v59;
	vm4 =	vlt.s32 v29, v58;
	v55 =	vimm.s32 $0x0  }
0x122: {  	v54 =	vperm.xlane v28, v0;
	v57 =	vperm.xlane v27, v4;
	[tilespmem:$0x1F6F0] =	vst v23;
	v23 =	vsel vm1, $0xFFFFFFFF, v60  }
0x123: {  	v63 =	vmax.f32 v21, v24;
	v29 =	vsel vm4, v29, v58;
	v58 =	vimm.s32 $0x0  }
0x124: {  	[tilespmem:$0x1F760] =	vst v23;
	v23 =	vsel vm14, $0xFFFFFFFF, v61;
	v40 =	vperm.xlane v29, v4;
	vm9 =	vlt.s32 v28, v54  }
0x125: {  	[tilespmem:$0x1F7B0] =	vst v23;
	v23 =	vsel vm14, $0xFF800000, v26;
	v62 =	vmax.f32 v27, v57;
	v57 =	vimm.s32 $0x0  }
0x126: {  	v28 =	vsel vm9, v28, v54;
	v36 =	vmax.f32 v22, v23;
	vm15 =	veq.f32 v17, v62  }
0x127: {  	vm6 =	veq.f32 v14, v62;
	vm9 =	veq.f32 v13, v62;
	vm10 =	veq.f32 v16, v62  }
0x128: {  	vm12 =	vlt.s32 v29, v40;
	v37 =	vperm.xlane v28, v1;
	v26 =	vmax.f32 v63, v36  }
0x129: {  	v38 =	vnsel vm15, $0x3E8, v5;
	v29 =	vsel vm12, v29, v40;
	v27 =	vperm.xlane v26, v0  }
0x12a: {  	v39 =	vsel vm6, v6, v38;
	vm15 =	veq.s32 v29, v2;
	vm4 =	veq.s32 v29, v7  }
0x12b: {  	vm1 =	veq.s32 v29, v6;
	vm6 =	veq.s32 v29, v5;
	vm7 =	vlt.s32 v28, v37  }
0x12c: {  	v31 =	vsel vm9, v7, v39;
	v30 =	vsel vm15, $0xFFFFFFFF, v44;
	v9 =	vsel vm15, $0xFF800000, v9  }
0x12d: {  	v10 =	vsel vm4, $0xFF800000, v10;
	v29 =	vsel vm6, $0xFFFFFFFF, v48;
	v11 =	vsel vm1, $0xFF800000, v11  }
0x12e: {  	v12 =	vsel vm6, $0xFF800000, v12;
	v28 =	vsel vm7, v28, v37;
	v26 =	vmax.f32 v26, v27  }
0x12f: {  	v25 =	vsel vm10, v2, v31;
	v41 =	vperm.xlane v28, v3;
	v42 =	vperm.xlane v26, v1  }
0x130: {  	v31 =	vsel vm4, $0xFFFFFFFF, v46;
	v51 =	vmax.f32 v9, v10;
	v52 =	vmax.f32 v11, v12  }
0x131: {  	v43 =	vperm.xlane v25, v0;
	vm14 =	vlt.s32 v28, v41;
	v26 =	vmax.f32 v26, v42  }
0x132: {  	v27 =	vsel vm14, v28, v41;
	v45 =	vperm.xlane v26, v3;
	v28 =	vmax.f32 v51, v52  }
0x133: {  	vm7 =	vlt.s32 v25, v43;
	v50 =	vperm.xlane v27, v4;
	v53 =	vperm.xlane v28, v0  }
0x134: {  	[tilespmem:$0x1F5A0] =	vst v31;
	v31 =	vsel vm1, $0xFFFFFFFF, v47;
	v25 =	vsel vm7, v25, v43;
	v26 =	vmax.f32 v26, v45  }
0x135: {  	v49 =	vperm.xlane v26, v4;
	vm9 =	vlt.s32 v27, v50;
	v28 =	vmax.f32 v28, v53  }
0x136: {  	v61 =	vperm.xlane v25, v1;
	v27 =	vsel vm9, v27, v50;
	v60 =	vperm.xlane v28, v1  }
0x137: {  	v26 =	vmax.f32 v26, v49;
	vm14 =	veq.s32 v27, v2;
	vm15 =	veq.s32 v27, v7  }
0x138: {  	vm4 =	veq.s32 v27, v6;
	vm6 =	veq.s32 v27, v5;
	vm10 =	veq.f32 v23, v26  }
0x139: {  	[tilespmem:$0x1F5E0] =	vst v31;
	vm12 =	veq.f32 v22, v26;
	v31 =	vsel vm14, $0xFFFFFFFF, v55;
	v18 =	vsel vm14, $0xFF800000, v18  }
0x13a: {  	[tilespmem:$0x1F640] =	vst v29;
	v29 =	vsel vm15, $0xFFFFFFFF, v56;
	v27 =	vsel vm6, $0xFFFFFFFF, v58;
	v19 =	vsel vm4, $0xFF800000, v19  }
0x13b: {  	v20 =	vsel vm6, $0xFF800000, v20;
	vm7 =	veq.f32 v24, v26;
	vm9 =	veq.f32 v21, v26  }
0x13c: {  	v28 =	vmax.f32 v28, v60;
	v56 =	vimm.s32 $0x0;
	v58 =	vimm.s32 $0x0;
	[tilespmem:$0x1F880] =	vst v29  }
0x13d: {  	v54 =	vnsel vm10, $0x3E8, v5;
	v29 =	vsel vm4, $0xFFFFFFFF, v57;
	[tilespmem:$0x1F930] =	vst v27;
	v27 =	vsel vm15, $0xFF800000, v15  }
0x13e: {  	v59 =	vmax.f32 v19, v20;
	vm10 =	vlt.s32 v25, v61;
	v63 =	vperm.xlane v28, v3  }
0x13f: {  	[tilespmem:$0x1F550] =	vst v30;
	v57 =	vimm.s32 $0x0;
	v30 =	vsel vm12, v6, v54;
	v15 =	vmax.f32 v18, v27  }
0x140: {  	v25 =	vsel vm10, v25, v61;
	v30 =	vsel vm7, v7, v30;
	v15 =	vmax.f32 v15, v59  }
0x141: {  	v37 =	vperm.xlane v25, v3;
	v28 =	vmax.f32 v28, v63;
	v62 =	vperm.xlane v15, v0  }
0x142: {  	v59 =	vimm.s32 $0x0;
	v26 =	vsel vm9, v2, v30;
	v40 =	vperm.xlane v28, v4  }
0x143: {  	v30 =	vperm.xlane v26, v0;
	vm14 =	vlt.s32 v25, v37;
	v15 =	vmax.f32 v15, v62  }
0x144: {  	v25 =	vsel vm14, v25, v37;
	v28 =	vmax.f32 v28, v40;
	v40 =	vimm.s32 $0x0  }
0x145: {  	v36 =	vperm.xlane v15, v1;
	vm12 =	vlt.s32 v26, v30;
	v32 =	vperm.xlane v25, v4  }
0x146: {  	vm6 =	veq.f32 v12, v28;
	vm14 =	veq.f32 v11, v28;
	v26 =	vsel vm12, v26, v30  }
0x147: {  	v43 =	vnsel vm6, $0x3E8, v5;
	v15 =	vmax.f32 v15, v36;
	v38 =	vperm.xlane v26, v1  }
0x148: {  	vm4 =	vlt.s32 v25, v32;
	v52 =	vsel vm14, v6, v43;
	v43 =	vimm.s32 $0x0  }
0x149: {  	v39 =	vperm.xlane v15, v3;
	v25 =	vsel vm4, v25, v32;
	vm15 =	vlt.s32 v26, v38  }
0x14a: {  	vm3 =	veq.s32 v25, v2;
	vm1 =	veq.s32 v25, v7;
	vm2 =	veq.s32 v25, v6  }
0x14b: {  	v15 =	vmax.f32 v15, v39;
	v26 =	vsel vm15, v26, v38;
	v45 =	vsel vm3, $0xFF800000, v16  }
0x14c: {  	v46 =	vsel vm1, $0xFF800000, v13;
	v47 =	vsel vm2, $0xFF800000, v14;
	v41 =	vperm.xlane v15, v4  }
0x14d: {  	vm15 =	veq.f32 v10, v28;
	v42 =	vperm.xlane v26, v3;
	v13 =	vmax.f32 v45, v46  }
0x14e: {  	[tilespmem:$0x1F900] =	vst v29;
	v29 =	vsel vm15, v7, v52;
	vm15 =	veq.f32 v9, v28;
	v15 =	vmax.f32 v15, v41  }
0x14f: {  	v52 =	vimm.s32 $0x0;
	vm7 =	vlt.s32 v26, v42;
	vm9 =	veq.f32 v20, v15  }
0x150: {  	v26 =	vsel vm7, v26, v42;
	vm7 =	veq.s32 v25, v5;
	vm4 =	veq.f32 v19, v15  }
0x151: {  	vm10 =	veq.f32 v27, v15;
	v44 =	vnsel vm9, $0x3E8, v5;
	v17 =	vsel vm7, $0xFF800000, v17  }
0x152: {  	v51 =	vperm.xlane v26, v4;
	v14 =	vmax.f32 v47, v17;
	v48 =	vsel vm4, v6, v44  }
0x153: {  	vm12 =	veq.f32 v18, v15;
	v13 =	vmax.f32 v13, v14;
	v49 =	vsel vm10, v7, v48  }
0x154: {  	vm6 =	vlt.s32 v26, v51;
	v50 =	vperm.xlane v13, v0;
	v14 =	vsel vm12, v2, v49  }
0x155: {  	v61 =	vsel vm15, v2, v29;
	v15 =	vsel vm6, v26, v51;
	v53 =	vperm.xlane v14, v0  }
0x156: {  	v34 =	vperm.xlane v61, v0;
	vm9 =	veq.s32 v15, v2;
	v13 =	vmax.f32 v13, v50  }
0x157: {  	vm12 =	veq.s32 v15, v6;
	v54 =	vperm.xlane v13, v1;
	vm0 =	vlt.s32 v14, v53  }
0x158: {  	[tilespmem:$0x1F820] =	vst v31;
	vm10 =	veq.s32 v15, v7;
	v55 =	vsel vm0, v14, v53;
	v14 =	vsel vm12, $0xFFFFFFFF, v58  }
0x159: {  	vm14 =	veq.s32 v15, v5;
	v31 =	vmax.f32 v13, v54;
	v13 =	vsel vm9, $0xFFFFFFFF, v56;
	[tilespmem:$0x1F750] =	vst v14  }
0x15a: {  	v16 =	vsel vm9, $0xFF800000, v21;
	v15 =	vsel vm14, $0xFF800000, v23;
	v14 =	vsel vm14, $0xFFFFFFFF, v59;
	[tilespmem:$0x1F6B0] =	vst v13  }
0x15b: {  	v60 =	vperm.xlane v55, v1;
	v13 =	vsel vm10, $0xFFFFFFFF, v57;
	[tilespmem:$0x1F7A0] =	vst v14;
	v14 =	vsel vm12, $0xFF800000, v22  }
0x15c: {  	v33 =	vperm.xlane v31, v3;
	[tilespmem:$0x1F6E0] =	vst v13;
	v13 =	vsel vm10, $0xFF800000, v24;
	v22 =	vmax.f32 v14, v15  }
0x15d: {  	vm0 =	vlt.s32 v55, v60;
	vm10 =	vlt.s32 v61, v34;
	v21 =	vmax.f32 v16, v13  }
0x15e: {  	v62 =	vmax.f32 v31, v33;
	v23 =	vsel vm0, v55, v60;
	v24 =	vsel vm10, v61, v34  }
0x15f: {  	v21 =	vmax.f32 v21, v22;
	v63 =	vperm.xlane v62, v4;
	v35 =	vperm.xlane v23, v3  }
0x160: {  	v41 =	vimm.s32 $0x0;
	v26 =	vperm.xlane v24, v1;
	v33 =	vperm.xlane v21, v0  }
0x161: {  	v42 =	vimm.s32 $0x0;
	v22 =	vmax.f32 v62, v63;
	vm12 =	vlt.s32 v23, v35  }
0x162: {  	vm15 =	vlt.s32 v24, v26;
	v21 =	vmax.f32 v21, v33;
	vm9 =	veq.f32 v17, v22  }
0x163: {  	v23 =	vsel vm12, v23, v35;
	vm14 =	veq.f32 v47, v22;
	v24 =	vsel vm15, v24, v26  }
0x164: {  	v29 =	vperm.xlane v21, v1;
	v17 =	vnsel vm9, $0x3E8, v5;
	v37 =	vperm.xlane v23, v4  }
0x165: {  	vm9 =	veq.f32 v46, v22;
	v39 =	vperm.xlane v24, v3;
	v17 =	vsel vm14, v6, v17  }
0x166: {  	v21 =	vmax.f32 v21, v29;
	vm0 =	vlt.s32 v23, v37;
	v17 =	vsel vm9, v7, v17  }
0x167: {  	v36 =	vperm.xlane v21, v3;
	v23 =	vsel vm0, v23, v37;
	vm0 =	veq.f32 v45, v22  }
0x168: {  	v37 =	vimm.s32 $0x0;
	vm10 =	veq.s32 v23, v2;
	vm12 =	veq.s32 v23, v7  }
0x169: {  	vm14 =	veq.s32 v23, v6;
	vm15 =	veq.s32 v23, v5;
	v17 =	vsel vm0, v2, v17  }
0x16a: {  	v21 =	vmax.f32 v21, v36;
	v28 =	vsel vm10, $0xFFFFFFFF, v40;
	v26 =	vsel vm10, $0xFF800000, v18  }
0x16b: {  	v18 =	vsel vm12, $0xFFFFFFFF, v41;
	v27 =	vsel vm12, $0xFF800000, v27;
	v23 =	vsel vm14, $0xFF800000, v19  }
0x16c: {  	vm10 =	vlt.s32 v24, v39;
	v47 =	vperm.xlane v17, v0;
	v40 =	vimm.s32 $0x0  }
0x16d: {  	v41 =	vimm.s32 $0x0;
	v38 =	vperm.xlane v21, v4;
	[tilespmem:$0x1F860] =	vst v18;
	v18 =	vsel vm14, $0xFFFFFFFF, v42  }
0x16e: {  	[tilespmem:$0x1F810] =	vst v28;
	v28 =	vsel vm15, $0xFF800000, v20;
	v44 =	vmax.f32 v26, v27;
	v46 =	vsel vm10, v24, v39  }
0x16f: {  	v39 =	vimm.s32 $0x0;
	[tilespmem:$0x1F8D0] =	vst v18;
	v18 =	vsel vm15, $0xFFFFFFFF, v43;
	v19 =	vmax.f32 v23, v28  }
0x170: {  	v25 =	vperm.xlane v46, v4;
	vm15 =	vlt.s32 v17, v47;
	v21 =	vmax.f32 v21, v38  }
0x171: {  	[tilespmem:$0x1F920] =	vst v18;
	v18 =	vmax.f32 v44, v19;
	v17 =	vsel vm15, v17, v47;
	vm9 =	veq.f32 v15, v21  }
0x172: {  	v19 =	vperm.xlane v18, v0;
	vm12 =	veq.f32 v14, v21;
	vm14 =	veq.f32 v13, v21  }
0x173: {  	vm0 =	vlt.s32 v46, v25;
	vm10 =	veq.f32 v16, v21;
	v45 =	vnsel vm9, $0x3E8, v5  }
0x174: {  	v51 =	vperm.xlane v17, v1;
	v50 =	vsel vm0, v46, v25;
	v20 =	vsel vm12, v6, v45  }
0x175: {  	v18 =	vmax.f32 v18, v19;
	vm9 =	veq.s32 v50, v2;
	vm15 =	veq.s32 v50, v6  }
0x176: {  	vm6 =	veq.s32 v50, v5;
	vm12 =	vlt.s32 v17, v51;
	v48 =	vsel vm14, v7, v20  }
0x177: {  	v49 =	vperm.xlane v18, v1;
	v9 =	vsel vm9, $0xFF800000, v9;
	vm14 =	veq.s32 v50, v7  }
0x178: {  	v21 =	vsel vm6, $0xFFFFFFFF, v52;
	v11 =	vsel vm15, $0xFF800000, v11;
	v12 =	vsel vm6, $0xFF800000, v12  }
0x179: {  	v17 =	vsel vm12, v17, v51;
	v51 =	vimm.s32 $0x0;
	v52 =	vimm.s32 $0x0  }
0x17a: {  	v19 =	vsel vm10, v2, v48;
	v58 =	vperm.xlane v17, v3;
	v18 =	vmax.f32 v18, v49  }
0x17b: {  	v10 =	vsel vm14, $0xFF800000, v10;
	v56 =	vperm.xlane v19, v0;
	v20 =	vperm.xlane v18, v3  }
0x17c: {  	v54 =	vmax.f32 v11, v12;
	v53 =	vmax.f32 v9, v10;
	vm6 =	vlt.s32 v17, v58  }
0x17d: {  	vm10 =	vlt.s32 v19, v56;
	v17 =	vsel vm6, v17, v58;
	v18 =	vmax.f32 v18, v20  }
0x17e: {  	v20 =	vmax.f32 v53, v54;
	v19 =	vsel vm10, v19, v56;
	v55 =	vperm.xlane v18, v4  }
0x17f: {  	v62 =	vperm.xlane v17, v4;
	v53 =	vimm.s32 $0x0;
	v57 =	vperm.xlane v20, v0  }
0x180: {  	v54 =	vimm.s32 $0x0;
	v60 =	vperm.xlane v19, v1;
	v18 =	vmax.f32 v18, v55  }
0x181: {  	v33 =	vld [tilespmem:$0x1F410];
	v20 =	vmax.f32 v20, v57;
	vm4 =	veq.f32 v28, v18;
	vm10 =	veq.f32 v23, v18  }
0x182: {  	v61 =	vperm.xlane v20, v1;
	v59 =	vnsel vm4, $0x3E8, v5;
	vm4 =	vlt.s32 v19, v60  }
0x183: {  	[tilespmem:$0x1F630] =	vst v21;
	vm6 =	veq.f32 v27, v18;
	v21 =	vsel vm10, v6, v59;
	v19 =	vsel vm4, v19, v60  }
0x184: {  	v63 =	vmax.f32 v20, v61;
	vm10 =	vlt.s32 v17, v62;
	vm4 =	veq.f32 v26, v18  }
0x185: {  	v21 =	vsel vm6, v7, v21;
	v24 =	vperm.xlane v63, v3;
	v20 =	vsel vm10, v17, v62  }
0x186: {  	v30 =	vperm.xlane v19, v3;
	vm10 =	vnez.u8 v33;
	v29 =	vsel vm4, v2, v21  }
0x187: {  	v35 =	vld [tilespmem:$0x1F420];
	vm0 =	veq.s32 v20, v2;
	v31 =	vmax.f32 v63, v24;
	v32 =	vperm.xlane v29, v0  }
0x188: {  	vm0 =	vmor vm0, vm3;
	vm6 =	vlt.s32 v19, v30;
	vm3 =	veq.s32 v20, v7  }
0x189: {  	v24 =	vperm.xlane v31, v4;
	vm0 =	vmor vm0, vm8;
	v18 =	vsel vm6, v19, v30  }
0x18a: {  	vm1 =	vmor vm3, vm1;
	vm8 =	vlt.s32 v29, v32;
	v19 =	vperm.xlane v18, v4  }
0x18b: {  	vm0 =	vmor vm0, vm10;
	vm1 =	vmor vm1, vm5;
	v17 =	vsel vm8, v29, v32  }
0x18c: {  	v21 =	vmax.f32 v31, v24;
	vm8 =	vnez.u8 v35;
	v35 =	vimm.s32 $0x0  }
0x18d: {  	v29 =	vimm.s32 $0x0;
	v34 =	vperm.xlane v17, v1;
	vm12 =	veq.f32 v12, v21  }
0x18e: {  	vm0 =	vmor vm0, vm8;
	vm10 =	vlt.s32 v18, v19;
	v36 =	vnsel vm12, $0x3E8, v5  }
0x18f: {  	v19 =	vsel vm10, v18, v19;
	vm12 =	veq.f32 v11, v21;
	vm4 =	vlt.s32 v17, v34  }
0x190: {  	v24 =	vsel vm12, v6, v36;
	vm8 =	veq.s32 v19, v2;
	vm10 =	veq.s32 v19, v7  }
0x191: {  	vm12 =	veq.s32 v19, v6;
	v22 =	vsel vm4, v17, v34;
	v17 =	vsel vm8, $0xFFFFFFFF, v37  }
0x192: {  	v46 =	vld [tilespmem:$0x1F430];
	vm6 =	veq.s32 v19, v5;
	[tilespmem:$0x1F680] =	vst v17;
	v38 =	vperm.xlane v22, v3;
	v17 =	vsel vm10, $0xFFFFFFFF, v39  }
0x193: {  	v18 =	vsel vm8, $0xFF800000, v16;
	v13 =	vsel vm10, $0xFF800000, v13;
	[tilespmem:$0x1F6D0] =	vst v17;
	v17 =	vsel vm12, $0xFFFFFFFF, v40  }
0x194: {  	v19 =	vsel vm12, $0xFF800000, v14;
	[tilespmem:$0x1F740] =	vst v17;
	v17 =	vsel vm6, $0xFFFFFFFF, v41;
	vm8 =	vlt.s32 v22, v38  }
0x195: {  	v43 =	vmax.f32 v18, v13;
	[tilespmem:$0x1F790] =	vst v17;
	v17 =	vsel vm6, $0xFF800000, v15;
	v42 =	vsel vm8, v22, v38  }
0x196: {  	vm10 =	veq.f32 v10, v21;
	v44 =	vmax.f32 v19, v17;
	v45 =	vperm.xlane v42, v4  }
0x197: {  	vm12 =	vnez.u8 v46;
	v47 =	vsel vm10, v7, v24;
	v15 =	vmax.f32 v43, v44  }
0x198: {  	vm8 =	veq.f32 v9, v21;
	v48 =	vperm.xlane v15, v0;
	vm4 =	vlt.s32 v42, v45  }
0x199: {  	vm0 =	vmor vm0, vm12;
	v49 =	vsel vm8, v2, v47;
	v14 =	vsel vm4, v42, v45  }
0x19a: {  	v34 =	vld [tilespmem:$0x1F460];
	v50 =	vperm.xlane v49, v0;
	v15 =	vmax.f32 v15, v48;
	vm6 =	veq.s32 v14, v2  }
0x19b: {  	v63 =	vld [tilespmem:$0x1F450];
	vm8 =	veq.s32 v14, v7;
	vm10 =	veq.s32 v14, v6;
	vm12 =	veq.s32 v14, v5  }
0x19c: {  	v62 =	vld [tilespmem:$0x1F440];
	v21 =	vsel vm6, $0xFFFFFFFF, v51;
	v24 =	vsel vm6, $0xFF800000, v26;
	v22 =	vsel vm10, $0xFF800000, v23  }
0x19d: {  	v38 =	vld [tilespmem:$0x1F480];
	v14 =	vsel vm12, $0xFFFFFFFF, v54;
	v23 =	vsel vm12, $0xFF800000, v28;
	vm6 =	vlt.s32 v49, v50  }
0x19e: {  	v36 =	vld [tilespmem:$0x1F470];
	v55 =	vperm.xlane v15, v1;
	[tilespmem:$0x1F800] =	vst v21;
	v21 =	vsel vm8, $0xFFFFFFFF, v52;
	v16 =	vsel vm6, v49, v50  }
0x19f: {  	v57 =	vmax.f32 v22, v23;
	vm6 =	vnez.u8 v34;
	[tilespmem:$0x1F850] =	vst v21;
	v21 =	vsel vm10, $0xFFFFFFFF, v53  }
0x1a0: {  	[tilespmem:$0x1F910] =	vst v14;
	v14 =	vmax.f32 v15, v55;
	v59 =	vperm.xlane v16, v1;
	vm10 =	vnez.u8 v63  }
0x1a1: {  	[tilespmem:$0x1F8B0] =	vst v21;
	v21 =	vsel vm8, $0xFF800000, v27;
	v60 =	vperm.xlane v14, v3;
	vm8 =	vnez.u8 v62  }
0x1a2: {  	vm1 =	vmor vm1, vm10;
	vm10 =	vnez.u8 v38;
	v56 =	vmax.f32 v24, v21  }
0x1a3: {  	vm0 =	vmor vm0, vm8;
	vm12 =	vlt.s32 v16, v59;
	vm8 =	vnez.u8 v36  }
0x1a4: {  	v58 =	vmax.f32 v56, v57;
	v14 =	vmax.f32 v14, v60;
	v16 =	vsel vm12, v16, v59  }
0x1a5: {  	vm0 =	vmor vm0, vm6;
	v61 =	vperm.xlane v58, v0;
	v32 =	vperm.xlane v14, v4  }
0x1a6: {  	v46 =	vld [tilespmem:$0x1F4A0];
	v27 =	vsel vm0, $0xFFFFFFFF, v35;
	vm0 =	vmor vm1, vm8;
	v37 =	vperm.xlane v16, v3  }
0x1a7: {  	v51 =	vimm.s32 $0x0;
	v52 =	vld [tilespmem:$0x1F4C0];
	vm0 =	vmor vm0, vm10;
	vm10 =	veq.s32 v20, v6  }
0x1a8: {  	v41 =	vld [tilespmem:$0x1F490];
	v15 =	vmax.f32 v58, v61;
	v14 =	vmax.f32 v14, v32;
	vm12 =	vlt.s32 v16, v37  }
0x1a9: {  	vm2 =	vmor vm10, vm2;
	v33 =	vperm.xlane v15, v1;
	vm6 =	veq.f32 v17, v14  }
0x1aa: {  	v16 =	vsel vm12, v16, v37;
	vm8 =	veq.f32 v19, v14;
	vm12 =	veq.f32 v13, v14  }
0x1ab: {  	vm2 =	vmor vm2, vm11;
	vm11 =	vnez.u8 v46;
	v40 =	vnsel vm6, $0x3E8, v5  }
0x1ac: {  	[tilespmem:$0x1F9E0] =	vst v27;
	v27 =	vperm.xlane v16, v4;
	vm2 =	vmor vm2, vm11;
	vm11 =	vnez.u8 v52  }
0x1ad: {  	v15 =	vmax.f32 v15, v33;
	v26 =	vsel vm8, v6, v40;
	vm8 =	vnez.u8 v41  }
0x1ae: {  	v39 =	vperm.xlane v15, v3;
	v26 =	vsel vm12, v7, v26;
	vm12 =	veq.f32 v18, v14  }
0x1af: {  	vm2 =	vmor vm2, vm11;
	vm11 =	veq.s32 v20, v5;
	v43 =	vsel vm12, v2, v26  }
0x1b0: {  	v20 =	vld [tilespmem:s10+$0x30];
	vm10 =	vlt.s32 v16, v27;
	v15 =	vmax.f32 v15, v39;
	v45 =	vperm.xlane v43, v0  }
0x1b1: {  	vm5 =	vmor vm0, vm8;
	v42 =	vsel vm10, v16, v27;
	v16 =	vld [tilespmem:s10+$0x20];
	v25 =	vperm.xlane v15, v4  }
0x1b2: {  	vm12 =	veq.s32 v42, v6;
	vm10 =	veq.s32 v42, v5;
	vm3 =	vlt.s32 v43, v45  }
0x1b3: {  	v27 =	vsel vm12, $0xFF800000, v11;
	v15 =	vmax.f32 v15, v25;
	v14 =	vsel vm3, v43, v45  }
0x1b4: {  	v45 =	vimm.s32 $0x0;
	vm4 =	veq.f32 v23, v15;
	vm6 =	veq.f32 v22, v15  }
0x1b5: {  	v50 =	vld [tilespmem:$0x1F4B0];
	vm8 =	veq.f32 v21, v15;
	v48 =	vperm.xlane v14, v1;
	v44 =	vnsel vm4, $0x3E8, v5  }
0x1b6: {  	v39 =	vmax.f32 v16, v20;
	vm4 =	veq.s32 v42, v2;
	v25 =	vsel vm6, v6, v44  }
0x1b7: {  	v54 =	vld [tilespmem:$0x1F4D0];
	v9 =	vsel vm4, $0xFF800000, v9;
	vm6 =	veq.s32 v42, v7;
	vm3 =	vlt.s32 v14, v48  }
0x1b8: {  	v58 =	vld [tilespmem:$0x1F4E0];
	v26 =	vsel vm6, $0xFF800000, v10;
	v10 =	vsel vm10, $0xFF800000, v12;
	v25 =	vsel vm8, v7, v25  }
0x1b9: {  	v32 =	vld [tilespmem:$0x1F500];
	vm8 =	veq.f32 v24, v15;
	v11 =	vmax.f32 v9, v26;
	v12 =	vmax.f32 v27, v10  }
0x1ba: {  	v47 =	vsel vm8, v2, v25;
	vm8 =	vnez.u8 v50;
	v50 =	vimm.s32 $0x0  }
0x1bb: {  	v34 =	vld [tilespmem:$0x1F510];
	v11 =	vmax.f32 v11, v12;
	v49 =	vperm.xlane v47, v0;
	vm0 =	vmor vm5, vm8  }
0x1bc: {  	vm5 =	vnez.u8 v54;
	v12 =	vperm.xlane v11, v0;
	v25 =	vsel vm0, $0xFFFFFFFF, v51  }
0x1bd: {  	v62 =	vld [tilespmem:$0x1F4F0];
	vm2 =	vmor vm2, vm5;
	vm5 =	vnez.u8 v58;
	vm8 =	vlt.s32 v47, v49  }
0x1be: {  	vm2 =	vmor vm2, vm5;
	vm5 =	vnez.u8 v32;
	v11 =	vmax.f32 v11, v12  }
0x1bf: {  	v12 =	vsel vm3, v14, v48;
	v55 =	vsel vm8, v47, v49;
	v53 =	vperm.xlane v11, v1  }
0x1c0: {  	vm3 =	vmor vm11, vm7;
	vm7 =	vnez.u8 v34;
	v57 =	vperm.xlane v12, v3  }
0x1c1: {  	v59 =	vperm.xlane v55, v1;
	vm3 =	vmor vm3, vm13;
	v11 =	vmax.f32 v11, v53  }
0x1c2: {  	vm13 =	vnez.u8 v62;
	vm8 =	vlt.s32 v12, v57;
	v56 =	vperm.xlane v11, v3  }
0x1c3: {  	vm3 =	vmor vm3, vm13;
	vm11 =	vlt.s32 v55, v59;
	v60 =	vsel vm8, v12, v57  }
0x1c4: {  	v12 =	vld [tilespmem:s10+$0x10];
	v14 =	vsel vm11, v55, v59;
	v63 =	vperm.xlane v60, v4;
	v15 =	vmax.f32 v11, v56  }
0x1c5: {  	vm3 =	vmor vm3, vm5;
	v33 =	vperm.xlane v14, v3;
	v11 =	vld [tilespmem:s10+$0x0];
	v61 =	vperm.xlane v15, v4  }
0x1c6: {  	v48 =	vimm.s32 $0x0;
	v49 =	vimm.s32 $0x0;
	vm7 =	vmor vm3, vm7  }
0x1c7: {  	vm11 =	vlt.s32 v60, v63;
	vm13 =	vlt.s32 v14, v33;
	v28 =	vmax.f32 v15, v61  }
0x1c8: {  	v36 =	vsel vm13, v14, v33;
	vm8 =	veq.f32 v10, v28;
	v10 =	vsel vm11, v60, v63  }
0x1c9: {  	v37 =	vperm.xlane v36, v4;
	v35 =	vnsel vm8, $0x3E8, v5;
	vm3 =	veq.s32 v10, v2  }
0x1ca: {  	vm11 =	veq.s32 v10, v7;
	v38 =	vmax.f32 v11, v12;
	vm5 =	veq.s32 v10, v6  }
0x1cb: {  	vm8 =	veq.s32 v10, v5;
	vm1 =	vlt.s32 v36, v37;
	v14 =	vsel vm3, $0xFF800000, v18  }
0x1cc: {  	v13 =	vsel vm11, $0xFF800000, v13;
	v15 =	vsel vm5, $0xFF800000, v19;
	v40 =	vmax.f32 v38, v39  }
0x1cd: {  	v10 =	vsel vm8, $0xFF800000, v17;
	v18 =	vsel vm1, v36, v37;
	v41 =	vperm.xlane v40, v0  }
0x1ce: {  	v42 =	vmax.f32 v14, v13;
	v43 =	vmax.f32 v15, v10;
	vm13 =	veq.s32 v18, v2  }
0x1cf: {  	[tilespmem:$0x1F9F0] =	vst v25;
	vm1 =	veq.s32 v18, v6;
	vm0 =	veq.s32 v18, v5;
	v25 =	vmax.f32 v42, v43  }
0x1d0: {  	v17 =	vsel vm13, $0xFFFFFFFF, v45;
	v44 =	vmax.f32 v40, v41;
	v46 =	vperm.xlane v25, v0  }
0x1d1: {  	[tilespmem:$0x1F7F0] =	vst v17;
	v17 =	vsel vm13, $0xFF800000, v24;
	vm13 =	veq.s32 v18, v7;
	v18 =	vsel vm0, $0xFFFFFFFF, v50  }
0x1d2: {  	v50 =	vimm.s32 $0x0;
	v47 =	vperm.xlane v44, v1;
	v19 =	vsel vm13, $0xFFFFFFFF, v48;
	[tilespmem:$0x1F8F0] =	vst v18  }
0x1d3: {  	v21 =	vsel vm13, $0xFF800000, v21;
	v18 =	vsel vm1, $0xFF800000, v22;
	[tilespmem:$0x1F840] =	vst v19;
	v19 =	vsel vm1, $0xFFFFFFFF, v49  }
0x1d4: {  	v52 =	vmax.f32 v17, v21;
	v25 =	vmax.f32 v25, v46;
	vm1 =	veq.f32 v26, v28  }
0x1d5: {  	[tilespmem:$0x1F8A0] =	vst v19;
	v19 =	vsel vm0, $0xFF800000, v23;
	v51 =	vmax.f32 v44, v47;
	vm0 =	veq.f32 v27, v28  }
0x1d6: {  	v56 =	vperm.xlane v25, v1;
	v53 =	vmax.f32 v18, v19;
	v54 =	vperm.xlane v51, v3  }
0x1d7: {  	v27 =	vsel vm0, v6, v35;
	vm0 =	veq.f32 v9, v28;
	v23 =	vmax.f32 v52, v53  }
0x1d8: {  	v26 =	vsel vm1, v7, v27;
	v24 =	vmax.f32 v25, v56;
	v55 =	vperm.xlane v23, v0  }
0x1d9: {  	v22 =	vmax.f32 v51, v54;
	v9 =	vsel vm0, v2, v26;
	v59 =	vperm.xlane v24, v3  }
0x1da: {  	v48 =	vimm.s32 $0x0;
	v57 =	vperm.xlane v22, v4;
	v60 =	vperm.xlane v9, v0  }
0x1db: {  	v23 =	vmax.f32 v23, v55;
	v24 =	vmax.f32 v24, v59;
	v55 =	vimm.s32 $0x0  }
0x1dc: {  	v58 =	vperm.xlane v23, v1;
	v22 =	vmax.f32 v22, v57;
	v63 =	vperm.xlane v24, v4  }
0x1dd: {  	vm13 =	vlt.s32 v9, v60;
	vm1 =	veq.f32 v20, v22;
	vm0 =	veq.f32 v16, v22  }
0x1de: {  	v9 =	vsel vm13, v9, v60;
	vm13 =	veq.f32 v12, v22;
	v23 =	vmax.f32 v23, v58  }
0x1df: {  	v61 =	vnsel vm1, $0x3E8, v5;
	v24 =	vmax.f32 v24, v63;
	vm1 =	veq.f32 v11, v22  }
0x1e0: {  	v62 =	vperm.xlane v23, v3;
	v25 =	vsel vm0, v6, v61;
	vm0 =	veq.f32 v10, v24  }
0x1e1: {  	v33 =	vperm.xlane v9, v1;
	v25 =	vsel vm13, v7, v25;
	v32 =	vnsel vm0, $0x3E8, v5  }
0x1e2: {  	vm0 =	veq.f32 v15, v24;
	vm13 =	veq.f32 v13, v24;
	v23 =	vmax.f32 v23, v62  }
0x1e3: {  	v40 =	vld [tilespmem:$0x1F520];
	v25 =	vsel vm1, v2, v25;
	v22 =	vsel vm0, v6, v32;
	vm0 =	vlt.s32 v9, v33  }
0x1e4: {  	v26 =	vperm.xlane v23, v4;
	v35 =	vperm.xlane v25, v0;
	v9 =	vsel vm0, v9, v33  }
0x1e5: {  	v22 =	vsel vm13, v7, v22;
	vm0 =	veq.f32 v14, v24;
	v33 =	vimm.s32 $0x0  }
0x1e6: {  	v22 =	vsel vm0, v2, v22;
	v38 =	vperm.xlane v9, v3;
	v23 =	vmax.f32 v23, v26  }
0x1e7: {  	vm13 =	vlt.s32 v25, v35;
	v39 =	vperm.xlane v22, v0;
	vm1 =	veq.f32 v19, v23  }
0x1e8: {  	v47 =	vld [tilespmem:$0x1F530];
	v25 =	vsel vm13, v25, v35;
	vm0 =	veq.f32 v17, v23;
	vm13 =	vnez.u8 v40  }
0x1e9: {  	v34 =	vnsel vm1, $0x3E8, v5;
	vm1 =	veq.f32 v18, v23;
	v42 =	vperm.xlane v25, v1  }
0x1ea: {  	v36 =	vsel vm1, v6, v34;
	vm1 =	veq.f32 v21, v23;
	v34 =	vimm.s32 $0x0  }
0x1eb: {  	v37 =	vsel vm1, v7, v36;
	vm1 =	vmor vm7, vm13;
	vm13 =	vlt.s32 v22, v39  }
0x1ec: {  	v49 =	vld [tilespmem:$0x1F540];
	vm7 =	vlt.s32 v25, v42;
	v41 =	vsel vm0, v2, v37;
	vm0 =	vlt.s32 v9, v38  }
0x1ed: {  	v22 =	vsel vm13, v22, v39;
	v24 =	vsel vm7, v25, v42;
	vm7 =	vnez.u8 v47  }
0x1ee: {  	v43 =	vperm.xlane v41, v0;
	v9 =	vsel vm0, v9, v38;
	v45 =	vperm.xlane v22, v1  }
0x1ef: {  	v54 =	vld [tilespmem:$0x1F550];
	v46 =	vperm.xlane v24, v3;
	vm0 =	vmor vm2, vm7;
	v44 =	vperm.xlane v9, v4  }
0x1f0: {  	v28 =	vsel vm0, $0xFFFFFFFF, v48;
	v48 =	vimm.s32 $0x0;
	vm13 =	vlt.s32 v41, v43  }
0x1f1: {  	vm7 =	vlt.s32 v22, v45;
	v23 =	vsel vm13, v41, v43;
	vm13 =	vnez.u8 v49  }
0x1f2: {  	v22 =	vsel vm7, v22, v45;
	vm0 =	vmor vm1, vm13;
	v51 =	vperm.xlane v23, v1  }
0x1f3: {  	[tilespmem:$0x1FA00] =	vst v28;
	vm13 =	vlt.s32 v24, v46;
	v26 =	vperm.xlane v22, v3;
	v28 =	vsel vm0, $0xFFFFFFFF, v50  }
0x1f4: {  	vm0 =	vlt.s32 v9, v44;
	v24 =	vsel vm13, v24, v46;
	vm13 =	vnez.u8 v54  }
0x1f5: {  	v9 =	vsel vm0, v9, v44;
	v52 =	vperm.xlane v24, v4;
	vm7 =	vlt.s32 v23, v51  }
0x1f6: {  	[tilespmem:$0x1FA10] =	vst v28;
	v28 =	vimm.s32 $0x0;
	vm0 =	veq.s32 v9, v2;
	v23 =	vsel vm7, v23, v51  }
0x1f7: {  	vm0 =	vmor vm0, vm4;
	v53 =	vperm.xlane v23, v3;
	vm4 =	vlt.s32 v22, v26  }
0x1f8: {  	vm0 =	vmor vm0, vm9;
	vm9 =	vlt.s32 v24, v52;
	v22 =	vsel vm4, v22, v26  }
0x1f9: {  	vm0 =	vmor vm0, vm13;
	v24 =	vsel vm9, v24, v52;
	vm7 =	vlt.s32 v23, v53  }
0x1fa: {  	v58 =	vld [tilespmem:$0x1F560];
	v56 =	vperm.xlane v22, v4;
	vm9 =	veq.s32 v24, v2;
	v23 =	vsel vm7, v23, v53  }
0x1fb: {  	vm13 =	veq.s32 v24, v7;
	vm7 =	veq.s32 v24, v6;
	v25 =	vsel vm9, $0xFFFFFFFF, v55  }
0x1fc: {  	v26 =	vsel vm9, $0xFF800000, v11;
	v11 =	vimm.s32 $0x0;
	vm9 =	veq.s32 v24, v5  }
0x1fd: {  	v24 =	vsel vm13, $0xFF800000, v12;
	v16 =	vsel vm7, $0xFF800000, v16;
	vm4 =	vlt.s32 v22, v56  }
0x1fe: {  	v11 =	vsel vm13, $0xFFFFFFFF, v11;
	v20 =	vsel vm9, $0xFF800000, v20;
	v12 =	vmax.f32 v26, v24  }
0x1ff: {  	vm13 =	vnez.u8 v58;
	v22 =	vsel vm4, v22, v56;
	[tilespmem:$0x1F9C0] =	vst v11;
	v11 =	vimm.s32 $0x0  }
0x200: {  	v60 =	vld [tilespmem:$0x1F570];
	v57 =	vmax.f32 v16, v20;
	vm0 =	vmor vm0, vm13;
	v11 =	vsel vm7, $0xFFFFFFFF, v11  }
0x201: {  	vm4 =	veq.s32 v22, v2;
	v12 =	vmax.f32 v12, v57;
	[tilespmem:$0x1FA60] =	vst v11;
	v11 =	vimm.s32 $0x0  }
0x202: {  	vm2 =	veq.s32 v22, v7;
	v59 =	vperm.xlane v12, v0;
	v11 =	vsel vm9, $0xFFFFFFFF, v11  }
0x203: {  	vm1 =	veq.s32 v22, v6;
	v61 =	vsel vm4, $0xFF800000, v14;
	[tilespmem:$0x1FA90] =	vst v11;
	v11 =	vperm.xlane v23, v4  }
0x204: {  	v63 =	vsel vm2, $0xFF800000, v13;
	v15 =	vsel vm1, $0xFF800000, v15;
	v62 =	vmax.f32 v12, v59  }
0x205: {  	vm9 =	vnez.u8 v60;
	v30 =	vperm.xlane v62, v1;
	vm7 =	vlt.s32 v23, v11  }
0x206: {  	v37 =	vmax.f32 v61, v63;
	vm0 =	vmor vm0, vm9;
	v23 =	vsel vm7, v23, v11  }
0x207: {  	v11 =	vimm.s32 $0x0;
	v31 =	vmax.f32 v62, v30;
	vm7 =	veq.s32 v9, v7  }
0x208: {  	v62 =	vimm.s32 $0x0;
	v30 =	vimm.s32 $0x0;
	vm9 =	veq.s32 v23, v2  }
0x209: {  	vm13 =	veq.s32 v23, v7;
	v32 =	vperm.xlane v31, v3;
	v11 =	vsel vm9, $0xFFFFFFFF, v11  }
0x20a: {  	v40 =	vld [tilespmem:$0x1F580];
	v12 =	vsel vm9, $0xFF800000, v17;
	vm9 =	veq.s32 v23, v6;
	[tilespmem:$0x1F7E0] =	vst v11;
	v11 =	vimm.s32 $0x0  }
0x20b: {  	v13 =	vsel vm9, $0xFFFFFFFF, v33;
	v17 =	vmax.f32 v31, v32;
	v11 =	vsel vm13, $0xFFFFFFFF, v11  }
0x20c: {  	v36 =	vperm.xlane v17, v4;
	[tilespmem:$0x1F830] =	vst v11;
	v11 =	vsel vm13, $0xFF800000, v21;
	vm13 =	veq.s32 v23, v5  }
0x20d: {  	[tilespmem:$0x1F890] =	vst v13;
	v13 =	vsel vm13, $0xFFFFFFFF, v34;
	v14 =	vsel vm13, $0xFF800000, v19;
	v35 =	vmax.f32 v12, v11  }
0x20e: {  	vm13 =	veq.s32 v22, v5;
	v17 =	vmax.f32 v17, v36;
	[tilespmem:$0x1F8E0] =	vst v13;
	v13 =	vsel vm9, $0xFF800000, v18  }
0x20f: {  	v10 =	vsel vm13, $0xFF800000, v10;
	vm9 =	vnez.u8 v40;
	v19 =	vmax.f32 v13, v14  }
0x210: {  	v38 =	vmax.f32 v15, v10;
	vm0 =	vmor vm0, vm9;
	v18 =	vmax.f32 v35, v19  }
0x211: {  	vm9 =	veq.f32 v20, v17;
	v21 =	vmax.f32 v37, v38;
	v39 =	vperm.xlane v18, v0  }
0x212: {  	v47 =	vld [tilespmem:$0x1F590];
	v42 =	vnsel vm9, $0x3E8, v5;
	vm9 =	veq.f32 v16, v17;
	v41 =	vperm.xlane v21, v0  }
0x213: {  	vm6 =	vmor vm7, vm6;
	v22 =	vsel vm9, v6, v42;
	v18 =	vmax.f32 v18, v39  }
0x214: {  	v50 =	vld [tilespmem:$0x1F5A0];
	vm9 =	veq.f32 v24, v17;
	v19 =	vmax.f32 v21, v41;
	v23 =	vperm.xlane v18, v1  }
0x215: {  	v43 =	vsel vm9, v7, v22;
	vm9 =	veq.f32 v26, v17;
	v44 =	vperm.xlane v19, v1  }
0x216: {  	v51 =	vld [tilespmem:$0x1F5B0];
	vm14 =	vmor vm6, vm14;
	v17 =	vsel vm9, v2, v43;
	v18 =	vmax.f32 v18, v23  }
0x217: {  	v53 =	vld [tilespmem:$0x1F5C0];
	vm9 =	vnez.u8 v47;
	v19 =	vmax.f32 v19, v44;
	v23 =	vperm.xlane v18, v3  }
0x218: {  	v46 =	vperm.xlane v17, v0;
	vm0 =	vmor vm0, vm9;
	v45 =	vperm.xlane v19, v3  }
0x219: {  	vm9 =	vnez.u8 v50;
	v18 =	vmax.f32 v18, v23;
	v23 =	vsel vm0, $0xFFFFFFFF, v48  }
0x21a: {  	vm0 =	vmor vm14, vm9;
	v19 =	vmax.f32 v19, v45;
	vm14 =	vlt.s32 v17, v46  }
0x21b: {  	vm9 =	vnez.u8 v51;
	v49 =	vperm.xlane v18, v4;
	v17 =	vsel vm14, v17, v46  }
0x21c: {  	v21 =	vperm.xlane v19, v4;
	vm0 =	vmor vm0, vm9;
	vm9 =	vnez.u8 v53  }
0x21d: {  	v56 =	vld [tilespmem:$0x1F5D0];
	v52 =	vperm.xlane v17, v1;
	vm0 =	vmor vm0, vm9;
	v18 =	vmax.f32 v18, v49  }
0x21e: {  	vm9 =	veq.s32 v9, v6;
	v19 =	vmax.f32 v19, v21;
	vm14 =	veq.f32 v14, v18  }
0x21f: {  	vm6 =	veq.f32 v10, v19;
	vm7 =	veq.f32 v13, v18;
	v54 =	vnsel vm14, $0x3E8, v5  }
0x220: {  	vm14 =	vlt.s32 v17, v52;
	v10 =	vnsel vm6, $0x3E8, v5;
	vm6 =	veq.f32 v15, v19  }
0x221: {  	v55 =	vsel vm7, v6, v54;
	v17 =	vsel vm14, v17, v52;
	vm7 =	veq.f32 v11, v18  }
0x222: {  	vm14 =	vnez.u8 v56;
	v10 =	vsel vm6, v6, v10;
	v22 =	vperm.xlane v17, v3  }
0x223: {  	v39 =	vld [tilespmem:$0x1F610];
	vm6 =	veq.f32 v63, v19;
	v57 =	vsel vm7, v7, v55;
	vm7 =	veq.f32 v12, v18  }
0x224: {  	vm0 =	vmor vm0, vm14;
	v15 =	vsel vm7, v2, v57;
	vm14 =	vlt.s32 v17, v22  }
0x225: {  	v59 =	vperm.xlane v15, v0;
	v17 =	vsel vm14, v17, v22;
	vm14 =	veq.f32 v61, v19;
	v61 =	vld [tilespmem:$0x1F5E0]  }
0x226: {  	v38 =	vimm.s32 $0x0;
	v10 =	vsel vm6, v7, v10;
	vm6 =	vmor vm9, vm12  }
0x227: {  	v58 =	vperm.xlane v17, v4;
	v10 =	vsel vm14, v2, v10;
	vm14 =	vlt.s32 v15, v59  }
0x228: {  	vm9 =	vnez.u8 v39;
	v60 =	vperm.xlane v10, v0;
	v15 =	vsel vm14, v15, v59  }
0x229: {  	v37 =	vld [tilespmem:$0x1F600];
	vm6 =	vmor vm6, vm15;
	vm15 =	vlt.s32 v17, v58;
	v63 =	vperm.xlane v15, v1  }
0x22a: {  	v17 =	vsel vm15, v17, v58;
	vm15 =	vlt.s32 v10, v60;
	vm12 =	vnez.u8 v61  }
0x22b: {  	v10 =	vsel vm15, v10, v60;
	vm14 =	veq.s32 v17, v6;
	vm15 =	veq.s32 v17, v5  }
0x22c: {  	[tilespmem:$0x1F990] =	vst v25;
	vm6 =	vmor vm6, vm12;
	vm12 =	veq.s32 v17, v2;
	v25 =	vsel vm15, $0xFF800000, v20  }
0x22d: {  	v34 =	vld [tilespmem:$0x1F5F0];
	v33 =	vperm.xlane v10, v1;
	v18 =	vsel vm12, $0xFFFFFFFF, v62;
	v22 =	vsel vm12, $0xFF800000, v26  }
0x22e: {  	vm12 =	veq.s32 v17, v7;
	v17 =	vsel vm15, $0xFFFFFFFF, v30;
	vm15 =	vnez.u8 v37  }
0x22f: {  	[tilespmem:$0x1FAA0] =	vst v23;
	v62 =	vimm.s32 $0x0;
	v19 =	vsel vm12, $0xFFFFFFFF, v28;
	v23 =	vsel vm12, $0xFF800000, v24  }
0x230: {  	v42 =	vld [tilespmem:$0x1F620];
	v24 =	vsel vm14, $0xFF800000, v16;
	vm12 =	vlt.s32 v15, v63;
	vm0 =	vmor vm0, vm15  }
0x231: {  	v43 =	vld [tilespmem:$0x1F630];
	vm15 =	veq.s32 v9, v5;
	[tilespmem:$0x1F9A0] =	vst v19;
	v19 =	vsel vm14, $0xFFFFFFFF, v29;
	v31 =	vmax.f32 v22, v23  }
0x232: {  	v44 =	vld [tilespmem:$0x1F640];
	v32 =	vmax.f32 v24, v25;
	v15 =	vsel vm12, v15, v63;
	vm14 =	vnez.u8 v34  }
0x233: {  	v20 =	vsel vm0, $0xFFFFFFFF, v38;
	vm12 =	vlt.s32 v10, v33;
	v16 =	vmax.f32 v31, v32  }
0x234: {  	vm6 =	vmor vm6, vm14;
	v35 =	vperm.xlane v15, v3;
	v10 =	vsel vm12, v10, v33  }
0x235: {  	v32 =	vimm.s32 $0x0;
	v36 =	vperm.xlane v16, v0;
	vm0 =	vmor vm6, vm9  }
0x236: {  	vm6 =	vmor vm15, vm10;
	v9 =	vperm.xlane v10, v3;
	vm9 =	vnez.u8 v42  }
0x237: {  	v48 =	vld [tilespmem:$0x1F650];
	vm10 =	vnez.u8 v43;
	vm15 =	vnez.u8 v44;
	vm14 =	vlt.s32 v15, v35  }
0x238: {  	v44 =	vimm.s32 $0x0;
	v16 =	vmax.f32 v16, v36;
	v15 =	vsel vm14, v15, v35  }
0x239: {  	vm6 =	vmor vm6, vm10;
	v40 =	vperm.xlane v16, v1;
	v41 =	vperm.xlane v15, v4  }
0x23a: {  	vm0 =	vmor vm0, vm9;
	vm12 =	vlt.s32 v10, v9;
	vm10 =	vmor vm6, vm15  }
0x23b: {  	v9 =	vsel vm12, v10, v9;
	v16 =	vmax.f32 v16, v40;
	vm14 =	vlt.s32 v15, v41  }
0x23c: {  	[tilespmem:$0x1FA80] =	vst v17;
	vm12 =	vnez.u8 v48;
	v17 =	vperm.xlane v16, v3;
	v10 =	vsel vm14, v15, v41  }
0x23d: {  	v45 =	vperm.xlane v9, v4;
	vm7 =	veq.s32 v10, v2;
	vm6 =	veq.s32 v10, v7  }
0x23e: {  	[tilespmem:$0x1F950] =	vst v18;
	vm9 =	veq.s32 v10, v6;
	vm14 =	veq.s32 v10, v5;
	v17 =	vmax.f32 v16, v17  }
0x23f: {  	v21 =	vld [tilespmem:s10+$0x70];
	[tilespmem:$0x1FA20] =	vst v19;
	v16 =	vsel vm7, $0xFF800000, v12;
	v18 =	vsel vm6, $0xFF800000, v11;
	v11 =	vimm.s32 $0x0  }
0x240: {  	v52 =	vld [tilespmem:$0x1F660];
	[tilespmem:$0x1FAB0] =	vst v20;
	v19 =	vsel vm9, $0xFF800000, v13;
	v20 =	vsel vm14, $0xFF800000, v14;
	v46 =	vperm.xlane v17, v4  }
0x241: {  	v54 =	vld [tilespmem:$0x1F670];
	v11 =	vsel vm9, $0xFFFFFFFF, v11;
	v47 =	vmax.f32 v16, v18;
	v13 =	vmax.f32 v19, v20  }
0x242: {  	vm10 =	vmor vm10, vm12;
	v10 =	vld [tilespmem:s10+$0x40];
	[tilespmem:$0x1F870] =	vst v11;
	v12 =	vmax.f32 v47, v13;
	v11 =	vmax.f32 v17, v46  }
0x243: {  	v13 =	vld [tilespmem:s10+$0x50];
	v50 =	vperm.xlane v12, v0;
	vm9 =	veq.f32 v25, v11;
	vm12 =	veq.f32 v24, v11  }
0x244: {  	v58 =	vld [tilespmem:$0x1F680];
	vm15 =	veq.f32 v22, v11;
	v49 =	vnsel vm9, $0x3E8, v5;
	vm9 =	vlt.s32 v9, v45  }
0x245: {  	v17 =	vld [tilespmem:s10+$0x60];
	v12 =	vmax.f32 v12, v50;
	v9 =	vsel vm9, v9, v45;
	v14 =	vsel vm12, v6, v49  }
0x246: {  	v61 =	vld [tilespmem:$0x1F690];
	vm12 =	veq.f32 v23, v11;
	v51 =	vperm.xlane v12, v1;
	v45 =	vimm.s32 $0x0  }
0x247: {  	v33 =	vld [tilespmem:$0x1F6B0];
	v14 =	vsel vm12, v7, v14;
	vm9 =	veq.s32 v9, v2;
	vm12 =	vnez.u8 v52  }
0x248: {  	v55 =	vmax.f32 v10, v13;
	v11 =	vsel vm15, v2, v14;
	vm10 =	vmor vm10, vm12  }
0x249: {  	v35 =	vld [tilespmem:$0x1F6C0];
	vm4 =	vmor vm9, vm4;
	vm12 =	vnez.u8 v54;
	v12 =	vmax.f32 v12, v51  }
0x24a: {  	v56 =	vmax.f32 v17, v21;
	v53 =	vperm.xlane v11, v0;
	vm9 =	vmor vm10, vm12  }
0x24b: {  	v41 =	vld [tilespmem:$0x1F6D0];
	vm3 =	vmor vm4, vm3;
	v57 =	vperm.xlane v12, v3;
	v14 =	vmax.f32 v55, v56  }
0x24c: {  	v63 =	vld [tilespmem:$0x1F6A0];
	vm10 =	vnez.u8 v58;
	vm12 =	vnez.u8 v61;
	vm4 =	vnez.u8 v33  }
0x24d: {  	v61 =	vimm.s32 $0x0;
	vm3 =	vmor vm3, vm10;
	v60 =	vperm.xlane v14, v0  }
0x24e: {  	vm0 =	vmor vm0, vm12;
	vm10 =	vnez.u8 v35;
	vm12 =	veq.s32 v9, v7  }
0x24f: {  	vm15 =	vlt.s32 v11, v53;
	v28 =	vsel vm0, $0xFFFFFFFF, v62;
	v12 =	vmax.f32 v12, v57  }
0x250: {  	vm2 =	vmor vm12, vm2;
	vm12 =	vnez.u8 v41;
	v41 =	vimm.s32 $0x0  }
0x251: {  	v11 =	vsel vm15, v11, v53;
	vm15 =	vnez.u8 v63;
	v14 =	vmax.f32 v14, v60  }
0x252: {  	v15 =	vperm.xlane v12, v4;
	vm2 =	vmor vm2, vm11;
	v59 =	vperm.xlane v11, v1  }
0x253: {  	vm0 =	vmor vm9, vm15;
	v34 =	vperm.xlane v14, v1;
	vm2 =	vmor vm2, vm12  }
0x254: {  	[tilespmem:$0x1FAC0] =	vst v28;
	v28 =	vsel vm0, $0xFFFFFFFF, v32;
	vm0 =	vmor vm3, vm4;
	vm9 =	vlt.s32 v11, v59  }
0x255: {  	v12 =	vmax.f32 v12, v15;
	v14 =	vmax.f32 v14, v34;
	v11 =	vsel vm9, v11, v59  }
0x256: {  	vm0 =	vmor vm0, vm10;
	v37 =	vperm.xlane v14, v3;
	v36 =	vperm.xlane v11, v3  }
0x257: {  	vm15 =	veq.f32 v20, v12;
	vm10 =	veq.f32 v19, v12;
	vm11 =	veq.f32 v18, v12  }
0x258: {  	v38 =	vnsel vm15, $0x3E8, v5;
	v14 =	vmax.f32 v14, v37;
	vm9 =	vlt.s32 v11, v36  }
0x259: {  	v39 =	vsel vm10, v6, v38;
	v40 =	vperm.xlane v14, v4;
	v11 =	vsel vm9, v11, v36  }
0x25a: {  	v59 =	vimm.s32 $0x0;
	v15 =	vsel vm11, v7, v39;
	v27 =	vperm.xlane v11, v4  }
0x25b: {  	vm9 =	veq.f32 v16, v12;
	v36 =	vimm.s32 $0x0;
	v26 =	vmax.f32 v14, v40  }
0x25c: {  	v48 =	vld [tilespmem:$0x1F6E0];
	v42 =	vsel vm9, v2, v15;
	vm11 =	veq.f32 v21, v26;
	vm15 =	vlt.s32 v11, v27  }
0x25d: {  	v47 =	vperm.xlane v42, v0;
	v43 =	vnsel vm11, $0x3E8, v5;
	v27 =	vsel vm15, v11, v27  }
0x25e: {  	v50 =	vld [tilespmem:$0x1F6F0];
	vm11 =	veq.f32 v13, v26;
	v11 =	vimm.s32 $0x0;
	vm10 =	veq.s32 v27, v2  }
0x25f: {  	v58 =	vld [tilespmem:$0x1F720];
	vm12 =	veq.s32 v27, v7;
	vm15 =	veq.s32 v27, v6;
	vm9 =	veq.s32 v27, v5  }
0x260: {  	v53 =	vld [tilespmem:$0x1F700];
	v11 =	vsel vm10, $0xFFFFFFFF, v11;
	v15 =	vsel vm10, $0xFF800000, v22;
	v12 =	vsel vm15, $0xFFFFFFFF, v44  }
0x261: {  	v14 =	vsel vm15, $0xFF800000, v24;
	vm10 =	veq.f32 v17, v26;
	vm15 =	vnez.u8 v48;
	[tilespmem:$0x1F940] =	vst v11  }
0x262: {  	v60 =	vld [tilespmem:$0x1F730];
	v11 =	vimm.s32 $0x0;
	[tilespmem:$0x1F9D0] =	vst v12;
	v12 =	vsel vm9, $0xFFFFFFFF, v45;
	v46 =	vsel vm10, v6, v43  }
0x263: {  	vm2 =	vmor vm2, vm15;
	vm10 =	vnez.u8 v50;
	v11 =	vsel vm12, $0xFFFFFFFF, v11  }
0x264: {  	v54 =	vld [tilespmem:$0x1F710];
	[tilespmem:$0x1FA70] =	vst v12;
	v12 =	vsel vm9, $0xFF800000, v25;
	v22 =	vsel vm11, v7, v46;
	vm9 =	vlt.s32 v42, v47  }
0x265: {  	vm2 =	vmor vm2, vm10;
	vm11 =	vnez.u8 v53;
	vm10 =	vnez.u8 v58  }
0x266: {  	[tilespmem:$0x1F970] =	vst v11;
	v11 =	vsel vm12, $0xFF800000, v23;
	v24 =	vmax.f32 v14, v12;
	vm12 =	veq.f32 v10, v26  }
0x267: {  	v33 =	vld [tilespmem:$0x1F750];
	v25 =	vsel vm9, v42, v47;
	vm0 =	vmor vm0, vm11;
	vm11 =	vnez.u8 v60  }
0x268: {  	v23 =	vmax.f32 v15, v11;
	v22 =	vsel vm12, v2, v22;
	v51 =	vperm.xlane v25, v1  }
0x269: {  	vm12 =	vnez.u8 v54;
	vm0 =	vmor vm0, vm10;
	v23 =	vmax.f32 v23, v24  }
0x26a: {  	v49 =	vperm.xlane v22, v0;
	vm2 =	vmor vm2, vm12;
	v27 =	vsel vm0, $0xFFFFFFFF, v59  }
0x26b: {  	vm12 =	veq.s32 v9, v6;
	v24 =	vperm.xlane v23, v0;
	vm9 =	vlt.s32 v25, v51  }
0x26c: {  	vm0 =	vmor vm2, vm11;
	vm11 =	vnez.u8 v33;
	vm15 =	vlt.s32 v22, v49  }
0x26d: {  	v63 =	vld [tilespmem:$0x1F740];
	[tilespmem:$0x1FAF0] =	vst v27;
	v55 =	vsel vm9, v25, v51;
	v27 =	vsel vm0, $0xFFFFFFFF, v61;
	v23 =	vmax.f32 v23, v24  }
0x26e: {  	v22 =	vsel vm15, v22, v49;
	v62 =	vperm.xlane v55, v3;
	v52 =	vperm.xlane v23, v1  }
0x26f: {  	vm0 =	vmor vm12, vm1;
	v51 =	vimm.s32 $0x0;
	v57 =	vperm.xlane v22, v1  }
0x270: {  	vm0 =	vmor vm0, vm5;
	vm4 =	vlt.s32 v55, v62;
	v23 =	vmax.f32 v23, v52  }
0x271: {  	vm15 =	vlt.s32 v22, v57;
	v24 =	vsel vm4, v55, v62;
	v56 =	vperm.xlane v23, v3  }
0x272: {  	vm5 =	vnez.u8 v63;
	v22 =	vsel vm15, v22, v57;
	v32 =	vperm.xlane v24, v4  }
0x273: {  	vm0 =	vmor vm0, vm5;
	v26 =	vperm.xlane v22, v3;
	v23 =	vmax.f32 v23, v56  }
0x274: {  	vm1 =	vmor vm0, vm11;
	vm12 =	vlt.s32 v24, v32;
	v25 =	vperm.xlane v23, v4  }
0x275: {  	vm10 =	vlt.s32 v22, v26;
	v24 =	vsel vm12, v24, v32;
	v32 =	vimm.s32 $0x0  }
0x276: {  	v22 =	vsel vm10, v22, v26;
	vm3 =	veq.s32 v24, v2;
	vm2 =	veq.s32 v24, v7  }
0x277: {  	[tilespmem:$0x1FAD0] =	vst v28;
	vm0 =	veq.s32 v24, v6;
	v23 =	vmax.f32 v23, v25;
	v26 =	vperm.xlane v22, v4  }
0x278: {  	[tilespmem:$0x1FB00] =	vst v27;
	v27 =	vsel vm3, $0xFF800000, v16;
	v28 =	vsel vm2, $0xFF800000, v18;
	v37 =	vsel vm0, $0xFF800000, v19  }
0x279: {  	vm9 =	veq.f32 v12, v23;
	vm15 =	veq.f32 v14, v23;
	vm4 =	veq.f32 v11, v23  }
0x27a: {  	v39 =	vmax.f32 v27, v28;
	vm10 =	veq.f32 v15, v23;
	v34 =	vnsel vm9, $0x3E8, v5  }
0x27b: {  	vm5 =	vlt.s32 v22, v26;
	vm9 =	veq.s32 v24, v5;
	v35 =	vsel vm15, v6, v34  }
0x27c: {  	v45 =	vld [tilespmem:$0x1F770];
	v22 =	vsel vm5, v22, v26;
	v16 =	vsel vm9, $0xFFFFFFFF, v36;
	v38 =	vsel vm9, $0xFF800000, v20  }
0x27d: {  	v25 =	vsel vm4, v7, v35;
	v40 =	vmax.f32 v37, v38;
	vm11 =	veq.s32 v22, v2  }
0x27e: {  	v43 =	vld [tilespmem:$0x1F760];
	vm9 =	veq.s32 v22, v7;
	vm12 =	veq.s32 v22, v6;
	vm15 =	veq.s32 v22, v5  }
0x27f: {  	v50 =	vld [tilespmem:$0x1F780];
	v19 =	vsel vm11, $0xFFFFFFFF, v41;
	v42 =	vsel vm10, v2, v25;
	v18 =	vmax.f32 v39, v40  }
0x280: {  	[tilespmem:$0x1F8C0] =	vst v16;
	v16 =	vsel vm11, $0xFF800000, v10;
	v10 =	vimm.s32 $0x0;
	v26 =	vsel vm12, $0xFF800000, v17  }
0x281: {  	v17 =	vsel vm15, $0xFF800000, v21;
	vm10 =	vnez.u8 v45;
	vm11 =	veq.s32 v9, v5  }
0x282: {  	v55 =	vld [tilespmem:$0x1F7A0];
	[tilespmem:$0x1FB80] =	vst v19;
	v10 =	vsel vm9, $0xFFFFFFFF, v10;
	v19 =	vsel vm9, $0xFF800000, v13;
	v21 =	vmax.f32 v26, v17  }
0x283: {  	v20 =	vld [tilespmem:s10+$0xA0];
	vm9 =	vnez.u8 v43;
	v44 =	vperm.xlane v42, v0;
	vm4 =	vmor vm11, vm13  }
0x284: {  	v22 =	vld [tilespmem:s10+$0xB0];
	vm13 =	vnez.u8 v50;
	v50 =	vimm.s32 $0x0;
	[tilespmem:$0x1FBC0] =	vst v10;
	v10 =	vimm.s32 $0x0  }
0x285: {  	v13 =	vmax.f32 v16, v19;
	vm1 =	vmor vm1, vm9;
	v10 =	vsel vm12, $0xFFFFFFFF, v10  }
0x286: {  	v21 =	vmax.f32 v13, v21;
	vm1 =	vmor vm1, vm10;
	[tilespmem:$0x1FC50] =	vst v10;
	v10 =	vimm.s32 $0x0  }
0x287: {  	v53 =	vld [tilespmem:$0x1F790];
	vm12 =	vlt.s32 v42, v44;
	vm10 =	vnez.u8 v55;
	v10 =	vsel vm15, $0xFFFFFFFF, v10  }
0x288: {  	v46 =	vperm.xlane v21, v0;
	v9 =	vsel vm12, v42, v44;
	[tilespmem:$0x1FD30] =	vst v10;
	v10 =	vperm.xlane v18, v0  }
0x289: {  	vm1 =	vmor vm1, vm13;
	v59 =	vmax.f32 v20, v22;
	v48 =	vperm.xlane v9, v1  }
0x28a: {  	v13 =	vld [tilespmem:s10+$0x80];
	v30 =	vsel vm1, $0xFFFFFFFF, v51;
	vm15 =	vmor vm4, vm8;
	v10 =	vmax.f32 v18, v10  }
0x28b: {  	v21 =	vmax.f32 v21, v46;
	vm9 =	vlt.s32 v9, v48;
	v18 =	vld [tilespmem:s10+$0x90];
	v47 =	vperm.xlane v10, v1  }
0x28c: {  	vm8 =	vnez.u8 v53;
	v49 =	vperm.xlane v21, v1;
	v9 =	vsel vm9, v9, v48  }
0x28d: {  	v51 =	vimm.s32 $0x0;
	v57 =	vperm.xlane v9, v3;
	v10 =	vmax.f32 v10, v47  }
0x28e: {  	vm1 =	vmor vm15, vm8;
	v21 =	vmax.f32 v21, v49;
	v52 =	vperm.xlane v10, v3  }
0x28f: {  	vm1 =	vmor vm1, vm10;
	v54 =	vperm.xlane v21, v3;
	vm12 =	vlt.s32 v9, v57  }
0x290: {  	v9 =	vsel vm12, v9, v57;
	v58 =	vmax.f32 v13, v18;
	v10 =	vmax.f32 v10, v52  }
0x291: {  	v60 =	vperm.xlane v9, v4;
	v23 =	vmax.f32 v58, v59;
	v56 =	vperm.xlane v10, v4  }
0x292: {  	v49 =	vimm.s32 $0x0;
	v21 =	vmax.f32 v21, v54;
	v31 =	vperm.xlane v23, v0  }
0x293: {  	v52 =	vimm.s32 $0x0;
	vm8 =	vlt.s32 v9, v60;
	v25 =	vmax.f32 v10, v56  }
0x294: {  	v10 =	vperm.xlane v21, v4;
	v23 =	vmax.f32 v23, v31;
	vm11 =	veq.f32 v38, v25  }
0x295: {  	v31 =	vperm.xlane v23, v1;
	vm10 =	veq.f32 v37, v25;
	vm4 =	veq.f32 v27, v25  }
0x296: {  	v29 =	vnsel vm11, $0x3E8, v5;
	v10 =	vmax.f32 v21, v10;
	v21 =	vsel vm8, v9, v60  }
0x297: {  	vm13 =	veq.f32 v17, v10;
	vm15 =	veq.f32 v26, v10;
	vm9 =	veq.f32 v19, v10  }
0x298: {  	v23 =	vmax.f32 v23, v31;
	vm11 =	veq.f32 v16, v10;
	v24 =	vsel vm10, v6, v29  }
0x299: {  	v61 =	vnsel vm13, $0x3E8, v5;
	v62 =	vperm.xlane v23, v3;
	vm13 =	veq.s32 v21, v2  }
0x29a: {  	[tilespmem:$0x1FBA0] =	vst v30;
	vm12 =	veq.s32 v21, v6;
	v30 =	vsel vm15, v6, v61;
	v10 =	vsel vm13, $0xFF800000, v15  }
0x29b: {  	vm15 =	veq.s32 v21, v5;
	v9 =	vsel vm9, v7, v30;
	v30 =	vmax.f32 v23, v62  }
0x29c: {  	vm9 =	veq.s32 v21, v7;
	v21 =	vsel vm15, $0xFFFFFFFF, v32;
	v12 =	vsel vm15, $0xFF800000, v12  }
0x29d: {  	v63 =	vsel vm11, v2, v9;
	v9 =	vsel vm9, $0xFF800000, v11;
	v11 =	vimm.s32 $0x0  }
0x29e: {  	v43 =	vld [tilespmem:$0x1F7B0];
	v23 =	vperm.xlane v30, v4;
	vm11 =	veq.f32 v28, v25;
	v11 =	vsel vm12, $0xFFFFFFFF, v11  }
0x29f: {  	v31 =	vperm.xlane v63, v0;
	v33 =	vmax.f32 v10, v9;
	v24 =	vsel vm11, v7, v24  }
0x2a0: {  	[tilespmem:$0x1F9B0] =	vst v11;
	v11 =	vsel vm12, $0xFF800000, v14;
	v15 =	vmax.f32 v30, v23;
	v24 =	vsel vm4, v2, v24  }
0x2a1: {  	v34 =	vmax.f32 v11, v12;
	vm8 =	vlt.s32 v63, v31;
	vm10 =	veq.f32 v22, v15  }
0x2a2: {  	vm12 =	veq.f32 v20, v15;
	v40 =	vperm.xlane v24, v0;
	v14 =	vsel vm8, v63, v31  }
0x2a3: {  	[tilespmem:$0x1FA50] =	vst v21;
	v35 =	vnsel vm10, $0x3E8, v5;
	v21 =	vmax.f32 v33, v34;
	vm8 =	vnez.u8 v43  }
0x2a4: {  	v43 =	vimm.s32 $0x0;
	v36 =	vperm.xlane v14, v1;
	v37 =	vsel vm12, v6, v35  }
0x2a5: {  	v45 =	vld [tilespmem:$0x1F7C0];
	v38 =	vperm.xlane v21, v0;
	vm12 =	veq.f32 v18, v15;
	vm1 =	vmor vm1, vm8  }
0x2a6: {  	vm10 =	vlt.s32 v24, v40;
	v35 =	vimm.s32 $0x0;
	v39 =	vsel vm12, v7, v37  }
0x2a7: {  	v24 =	vsel vm10, v24, v40;
	v40 =	vimm.s32 $0x0;
	vm15 =	vlt.s32 v14, v36  }
0x2a8: {  	v21 =	vmax.f32 v21, v38;
	v14 =	vsel vm15, v14, v36;
	vm15 =	veq.f32 v13, v15  }
0x2a9: {  	v25 =	vperm.xlane v24, v1;
	v41 =	vperm.xlane v21, v1;
	v15 =	vsel vm15, v2, v39  }
0x2aa: {  	v42 =	vperm.xlane v14, v3;
	vm15 =	vnez.u8 v45;
	v44 =	vperm.xlane v15, v0  }
0x2ab: {  	vm8 =	vlt.s32 v24, v25;
	v39 =	vimm.s32 $0x0;
	v21 =	vmax.f32 v21, v41  }
0x2ac: {  	vm11 =	vlt.s32 v14, v42;
	v23 =	vperm.xlane v21, v3;
	vm12 =	vlt.s32 v15, v44  }
0x2ad: {  	v48 =	vsel vm8, v24, v25;
	v14 =	vsel vm11, v14, v42;
	v15 =	vsel vm12, v15, v44  }
0x2ae: {  	v27 =	vperm.xlane v14, v4;
	v21 =	vmax.f32 v21, v23;
	v46 =	vperm.xlane v15, v1  }
0x2af: {  	vm1 =	vmor vm1, vm15;
	v36 =	vperm.xlane v48, v3;
	v47 =	vperm.xlane v21, v4  }
0x2b0: {  	v24 =	vld [tilespmem:s10+$0xD0];
	v42 =	vimm.s32 $0x0;
	vm10 =	vlt.s32 v14, v27;
	vm11 =	vlt.s32 v15, v46  }
0x2b1: {  	v23 =	vld [tilespmem:s10+$0xC0];
	v27 =	vsel vm10, v14, v27;
	v21 =	vmax.f32 v21, v47;
	v28 =	vsel vm11, v15, v46  }
0x2b2: {  	vm12 =	veq.s32 v27, v2;
	vm5 =	veq.s32 v27, v7;
	vm15 =	veq.s32 v27, v6  }
0x2b3: {  	vm8 =	veq.s32 v27, v5;
	vm10 =	veq.f32 v12, v21;
	vm11 =	veq.f32 v11, v21  }
0x2b4: {  	v14 =	vsel vm12, $0xFFFFFFFF, v49;
	v16 =	vsel vm12, $0xFF800000, v16;
	v15 =	vsel vm15, $0xFF800000, v26  }
0x2b5: {  	v25 =	vld [tilespmem:s10+$0xE0];
	v17 =	vsel vm8, $0xFF800000, v17;
	v53 =	vperm.xlane v28, v3;
	v54 =	vnsel vm10, $0x3E8, v5  }
0x2b6: {  	v26 =	vld [tilespmem:s10+$0xF0];
	v58 =	vmax.f32 v23, v24;
	[tilespmem:$0x1FB50] =	vst v14;
	v14 =	vsel vm5, $0xFFFFFFFF, v50;
	v56 =	vmax.f32 v15, v17  }
0x2b7: {  	v27 =	vsel vm11, v6, v54;
	[tilespmem:$0x1FB90] =	vst v14;
	v14 =	vsel vm15, $0xFFFFFFFF, v51;
	vm12 =	vlt.s32 v28, v53  }
0x2b8: {  	vm15 =	veq.f32 v9, v21;
	[tilespmem:$0x1FC20] =	vst v14;
	v14 =	vsel vm5, $0xFF800000, v19;
	v19 =	vsel vm8, $0xFFFFFFFF, v52  }
0x2b9: {  	v27 =	vsel vm15, v7, v27;
	vm8 =	veq.f32 v10, v21;
	v55 =	vmax.f32 v16, v14  }
0x2ba: {  	[tilespmem:$0x1FCB0] =	vst v19;
	v19 =	vsel vm12, v28, v53;
	v27 =	vsel vm8, v2, v27;
	vm8 =	vlt.s32 v48, v36  }
0x2bb: {  	v29 =	vmax.f32 v55, v56;
	v59 =	vmax.f32 v25, v26;
	v60 =	vperm.xlane v19, v4  }
0x2bc: {  	v37 =	vperm.xlane v27, v0;
	v57 =	vperm.xlane v29, v0;
	v31 =	vmax.f32 v58, v59  }
0x2bd: {  	v30 =	vsel vm8, v48, v36;
	v61 =	vperm.xlane v31, v0;
	vm10 =	vlt.s32 v19, v60  }
0x2be: {  	v28 =	vmax.f32 v29, v57;
	v63 =	vsel vm10, v19, v60;
	vm10 =	vlt.s32 v27, v37  }
0x2bf: {  	v62 =	vperm.xlane v28, v1;
	v29 =	vmax.f32 v31, v61;
	vm11 =	veq.s32 v63, v2  }
0x2c0: {  	vm4 =	veq.s32 v63, v7;
	vm12 =	veq.s32 v63, v6;
	vm15 =	veq.s32 v63, v5  }
0x2c1: {  	v27 =	vsel vm10, v27, v37;
	v38 =	vperm.xlane v29, v1;
	v19 =	vsel vm11, $0xFFFFFFFF, v39  }
0x2c2: {  	v18 =	vsel vm4, $0xFF800000, v18;
	v21 =	vsel vm12, $0xFFFFFFFF, v42;
	v49 =	vperm.xlane v27, v1  }
0x2c3: {  	v39 =	vperm.xlane v30, v4;
	v42 =	vimm.s32 $0x0;
	v28 =	vmax.f32 v28, v62;
	[tilespmem:$0x1FD40] =	vst v19  }
0x2c4: {  	v19 =	vsel vm4, $0xFFFFFFFF, v40;
	[tilespmem:$0x1FE80] =	vst v21;
	v21 =	vsel vm15, $0xFFFFFFFF, v43;
	v62 =	vimm.s32 $0x0  }
0x2c5: {  	v43 =	vimm.s32 $0x0;
	v34 =	vperm.xlane v28, v3;
	[tilespmem:$0x1FD90] =	vst v19;
	v19 =	vsel vm11, $0xFF800000, v13  }
0x2c6: {  	v41 =	vmax.f32 v29, v38;
	[tilespmem:$0x1FE90] =	vst v21;
	v21 =	vsel vm12, $0xFF800000, v20;
	v20 =	vsel vm15, $0xFF800000, v22  }
0x2c7: {  	vm4 =	vlt.s32 v27, v49;
	v44 =	vmax.f32 v19, v18;
	v45 =	vmax.f32 v21, v20  }
0x2c8: {  	v29 =	vperm.xlane v41, v3;
	v27 =	vsel vm4, v27, v49;
	v22 =	vmax.f32 v44, v45  }
0x2c9: {  	v28 =	vmax.f32 v28, v34;
	v55 =	vperm.xlane v27, v3;
	v47 =	vperm.xlane v22, v0  }
0x2ca: {  	v13 =	vmax.f32 v41, v29;
	v48 =	vperm.xlane v28, v4;
	v41 =	vimm.s32 $0x0  }
0x2cb: {  	v46 =	vperm.xlane v13, v4;
	vm8 =	vlt.s32 v27, v55;
	v22 =	vmax.f32 v22, v47  }
0x2cc: {  	v28 =	vmax.f32 v28, v48;
	v27 =	vsel vm8, v27, v55;
	v55 =	vimm.s32 $0x0  }
0x2cd: {  	v13 =	vmax.f32 v13, v46;
	v51 =	vperm.xlane v22, v1;
	vm12 =	veq.f32 v17, v28  }
0x2ce: {  	v61 =	vld [tilespmem:$0x1F7D0];
	vm10 =	veq.f32 v15, v28;
	v59 =	vperm.xlane v27, v4;
	vm11 =	veq.f32 v26, v13  }
0x2cf: {  	vm15 =	veq.f32 v25, v13;
	v52 =	vnsel vm12, $0x3E8, v5;
	vm12 =	veq.f32 v14, v28  }
0x2d0: {  	v50 =	vnsel vm11, $0x3E8, v5;
	v22 =	vmax.f32 v22, v51;
	vm11 =	veq.f32 v24, v13  }
0x2d1: {  	v29 =	vsel vm10, v6, v52;
	vm10 =	veq.f32 v16, v28;
	v52 =	vimm.s32 $0x0  }
0x2d2: {  	v32 =	vsel vm15, v6, v50;
	v54 =	vperm.xlane v22, v3;
	vm15 =	veq.f32 v23, v13  }
0x2d3: {  	v56 =	vsel vm12, v7, v29;
	vm12 =	vnez.u8 v61;
	v53 =	vsel vm11, v7, v32  }
0x2d4: {  	v13 =	vsel vm10, v2, v56;
	vm1 =	vmor vm1, vm12;
	v57 =	vsel vm15, v2, v53  }
0x2d5: {  	v22 =	vmax.f32 v22, v54;
	v60 =	vperm.xlane v13, v0;
	v34 =	vsel vm1, $0xFFFFFFFF, v62  }
0x2d6: {  	vm15 =	vlt.s32 v27, v59;
	v53 =	vimm.s32 $0x0;
	v31 =	vperm.xlane v57, v0  }
0x2d7: {  	v54 =	vimm.s32 $0x0;
	v58 =	vperm.xlane v22, v4;
	v27 =	vsel vm15, v27, v59  }
0x2d8: {  	vm8 =	vlt.s32 v13, v60;
	vm15 =	veq.s32 v27, v7;
	vm11 =	vlt.s32 v57, v31  }
0x2d9: {  	v22 =	vmax.f32 v22, v58;
	v36 =	vsel vm8, v13, v60;
	v13 =	vsel vm15, $0xFFFFFFFF, v41  }
0x2da: {  	vm8 =	veq.s32 v27, v6;
	v29 =	vsel vm11, v57, v31;
	vm10 =	veq.f32 v20, v22  }
0x2db: {  	vm11 =	veq.f32 v21, v22;
	[tilespmem:$0x1F960] =	vst v13;
	v13 =	vsel vm8, $0xFFFFFFFF, v42;
	v11 =	vsel vm8, $0xFF800000, v11  }
0x2dc: {  	v45 =	vperm.xlane v36, v1;
	v63 =	vperm.xlane v29, v1;
	v37 =	vnsel vm10, $0x3E8, v5  }
0x2dd: {  	vm8 =	veq.f32 v18, v22;
	vm10 =	veq.s32 v27, v2;
	v38 =	vsel vm11, v6, v37  }
0x2de: {  	v10 =	vsel vm10, $0xFF800000, v10;
	vm11 =	veq.s32 v27, v5;
	vm12 =	vlt.s32 v29, v63  }
0x2df: {  	[tilespmem:$0x1F980] =	vst v13;
	v13 =	vsel vm11, $0xFFFFFFFF, v43;
	v12 =	vsel vm11, $0xFF800000, v12;
	v47 =	vsel vm8, v7, v38  }
0x2e0: {  	vm11 =	vlt.s32 v36, v45;
	v43 =	vimm.s32 $0x0;
	v28 =	vsel vm12, v29, v63  }
0x2e1: {  	[tilespmem:$0x1FA40] =	vst v13;
	v13 =	vsel vm15, $0xFF800000, v9;
	v44 =	vmax.f32 v11, v12;
	vm15 =	vlt.s32 v30, v39  }
0x2e2: {  	v49 =	vsel vm11, v36, v45;
	v40 =	vperm.xlane v28, v3;
	v9 =	vmax.f32 v10, v13  }
0x2e3: {  	v45 =	vimm.s32 $0x0;
	v60 =	vperm.xlane v49, v3;
	v27 =	vmax.f32 v9, v44  }
0x2e4: {  	v9 =	vsel vm15, v30, v39;
	vm12 =	vlt.s32 v28, v40;
	v48 =	vperm.xlane v27, v0  }
0x2e5: {  	vm5 =	veq.s32 v9, v2;
	v28 =	vsel vm12, v28, v40;
	vm12 =	veq.f32 v19, v22  }
0x2e6: {  	vm1 =	vmor vm5, vm3;
	v46 =	vperm.xlane v28, v4;
	v29 =	vsel vm12, v2, v47  }
0x2e7: {  	v30 =	vmax.f32 v27, v48;
	vm1 =	vmor vm1, vm7;
	v51 =	vperm.xlane v29, v0  }
0x2e8: {  	v47 =	vimm.s32 $0x0;
	v56 =	vperm.xlane v30, v1;
	vm15 =	vlt.s32 v28, v46  }
0x2e9: {  	v50 =	vsel vm15, v28, v46;
	vm4 =	vlt.s32 v29, v51;
	v46 =	vimm.s32 $0x0  }
0x2ea: {  	vm8 =	veq.s32 v50, v2;
	vm11 =	veq.s32 v50, v7;
	vm12 =	veq.s32 v50, v6  }
0x2eb: {  	v41 =	vld [tilespmem:$0x1F7E0];
	vm15 =	veq.s32 v50, v5;
	v57 =	vsel vm4, v29, v51;
	v27 =	vsel vm8, $0xFFFFFFFF, v52  }
0x2ec: {  	v24 =	vsel vm11, $0xFF800000, v24;
	v28 =	vsel vm12, $0xFF800000, v25;
	v26 =	vsel vm15, $0xFF800000, v26  }
0x2ed: {  	v63 =	vperm.xlane v57, v1;
	[tilespmem:$0x1FED0] =	vst v27;
	v27 =	vsel vm8, $0xFF800000, v23;
	v23 =	vsel vm11, $0xFFFFFFFF, v53  }
0x2ee: {  	v59 =	vmax.f32 v28, v26;
	vm8 =	vlt.s32 v49, v60;
	[tilespmem:$0x1FFA0] =	vst v23;
	v23 =	vsel vm12, $0xFFFFFFFF, v54  }
0x2ef: {  	v58 =	vmax.f32 v27, v24;
	v22 =	vsel vm8, v49, v60;
	vm11 =	vlt.s32 v57, v63  }
0x2f0: {  	vm8 =	vnez.u8 v41;
	[tilespmem:$0x1FFD0] =	vst v23;
	v23 =	vsel vm15, $0xFFFFFFFF, v55;
	v29 =	vmax.f32 v58, v59  }
0x2f1: {  	v25 =	vsel vm11, v57, v63;
	v38 =	vperm.xlane v22, v4;
	vm1 =	vmor vm1, vm8  }
0x2f2: {  	v55 =	vimm.s32 $0x0;
	v57 =	vimm.s32 $0x0;
	v58 =	vimm.s32 $0x0  }
0x2f3: {  	[tilespmem:$0x1FFF0] =	vst v23;
	v23 =	vmax.f32 v30, v56;
	v62 =	vperm.xlane v29, v0;
	v40 =	vperm.xlane v25, v3  }
0x2f4: {  	v56 =	vimm.s32 $0x0;
	v61 =	vperm.xlane v23, v3;
	vm15 =	vlt.s32 v22, v38  }
0x2f5: {  	v29 =	vmax.f32 v29, v62;
	v22 =	vsel vm15, v22, v38;
	vm11 =	vlt.s32 v25, v40  }
0x2f6: {  	v23 =	vmax.f32 v23, v61;
	v37 =	vperm.xlane v29, v1;
	vm4 =	veq.s32 v22, v2  }
0x2f7: {  	v25 =	vsel vm11, v25, v40;
	vm15 =	veq.s32 v22, v6;
	v36 =	vperm.xlane v23, v4  }
0x2f8: {  	vm8 =	veq.s32 v22, v5;
	v16 =	vsel vm4, $0xFF800000, v16;
	v39 =	vmax.f32 v29, v37  }
0x2f9: {  	v15 =	vsel vm15, $0xFF800000, v15;
	v30 =	vmax.f32 v23, v36;
	v31 =	vperm.xlane v39, v3  }
0x2fa: {  	v51 =	vperm.xlane v25, v4;
	vm12 =	veq.f32 v12, v30;
	vm11 =	veq.f32 v11, v30  }
0x2fb: {  	v42 =	vnsel vm12, $0x3E8, v5;
	v23 =	vmax.f32 v39, v31;
	v31 =	vsel vm4, $0xFFFFFFFF, v43  }
0x2fc: {  	vm12 =	veq.s32 v22, v7;
	v22 =	vsel vm8, $0xFFFFFFFF, v47;
	[tilespmem:$0x1FB30] =	vst v31;
	v44 =	vperm.xlane v23, v4  }
0x2fd: {  	v31 =	vsel vm12, $0xFFFFFFFF, v45;
	[tilespmem:$0x1FC80] =	vst v22;
	v14 =	vsel vm12, $0xFF800000, v14;
	v22 =	vsel vm8, $0xFF800000, v17  }
0x2fe: {  	v52 =	vsel vm11, v6, v42;
	[tilespmem:$0x1FB70] =	vst v31;
	v31 =	vsel vm15, $0xFFFFFFFF, v46;
	v49 =	vmax.f32 v16, v14  }
0x2ff: {  	v50 =	vmax.f32 v15, v22;
	vm15 =	vlt.s32 v25, v51;
	v48 =	vmax.f32 v23, v44  }
0x300: {  	v23 =	vmax.f32 v49, v50;
	v25 =	vsel vm15, v25, v51;
	vm12 =	veq.f32 v26, v48  }
0x301: {  	v29 =	vperm.xlane v23, v0;
	vm8 =	veq.f32 v28, v48;
	vm11 =	veq.f32 v24, v48  }
0x302: {  	vm15 =	veq.s32 v25, v7;
	v53 =	vnsel vm12, $0x3E8, v5;
	vm12 =	veq.s32 v25, v2  }
0x303: {  	v54 =	vsel vm8, v6, v53;
	v29 =	vmax.f32 v23, v29;
	v23 =	vsel vm12, $0xFFFFFFFF, v55  }
0x304: {  	v19 =	vsel vm12, $0xFF800000, v19;
	vm8 =	veq.s32 v25, v6;
	vm12 =	veq.f32 v27, v48  }
0x305: {  	v37 =	vld [tilespmem:$0x1F7F0];
	[tilespmem:$0x1FC00] =	vst v31;
	v53 =	vimm.s32 $0x0;
	v55 =	vimm.s32 $0x0;
	v31 =	vsel vm11, v7, v54  }
0x306: {  	[tilespmem:$0x1FD10] =	vst v23;
	v23 =	vsel vm15, $0xFFFFFFFF, v56;
	vm11 =	veq.s32 v25, v5;
	v59 =	vperm.xlane v29, v1  }
0x307: {  	v40 =	vld [tilespmem:$0x1F800];
	v54 =	vimm.s32 $0x0;
	[tilespmem:$0x1FD60] =	vst v23;
	v23 =	vsel vm8, $0xFFFFFFFF, v57;
	v20 =	vsel vm11, $0xFF800000, v20  }
0x308: {  	v17 =	vsel vm12, v2, v31;
	vm12 =	veq.f32 v10, v30;
	v57 =	vimm.s32 $0x0  }
0x309: {  	[tilespmem:$0x1FE50] =	vst v23;
	v23 =	vsel vm15, $0xFF800000, v18;
	v18 =	vsel vm8, $0xFF800000, v21;
	v21 =	vsel vm11, $0xFFFFFFFF, v58  }
0x30a: {  	v62 =	vperm.xlane v17, v0;
	vm15 =	veq.f32 v13, v30;
	vm8 =	vnez.u8 v37  }
0x30b: {  	[tilespmem:$0x1FE60] =	vst v21;
	v60 =	vmax.f32 v19, v23;
	v61 =	vmax.f32 v18, v20;
	v21 =	vmax.f32 v29, v59  }
0x30c: {  	vm1 =	vmor vm1, vm8;
	v32 =	vsel vm15, v7, v52;
	vm15 =	vnez.u8 v40  }
0x30d: {  	v25 =	vmax.f32 v60, v61;
	v63 =	vperm.xlane v21, v3;
	vm11 =	vlt.s32 v17, v62  }
0x30e: {  	v41 =	vsel vm12, v2, v32;
	v36 =	vperm.xlane v25, v0;
	v17 =	vsel vm11, v17, v62  }
0x30f: {  	v43 =	vperm.xlane v41, v0;
	v21 =	vmax.f32 v21, v63;
	v39 =	vperm.xlane v17, v1  }
0x310: {  	vm1 =	vmor vm1, vm15;
	v25 =	vmax.f32 v25, v36;
	v42 =	vperm.xlane v21, v4  }
0x311: {  	v50 =	vld [tilespmem:$0x1F810];
	vm8 =	vlt.s32 v41, v43;
	v38 =	vperm.xlane v25, v1;
	vm7 =	vlt.s32 v17, v39  }
0x312: {  	v29 =	vsel vm8, v41, v43;
	v17 =	vsel vm7, v17, v39;
	v21 =	vmax.f32 v21, v42  }
0x313: {  	v47 =	vperm.xlane v29, v1;
	v39 =	vimm.s32 $0x0;
	v25 =	vmax.f32 v25, v38  }
0x314: {  	v45 =	vperm.xlane v17, v3;
	vm11 =	veq.f32 v22, v21;
	vm12 =	veq.f32 v15, v21  }
0x315: {  	vm5 =	veq.f32 v14, v21;
	v44 =	vperm.xlane v25, v3;
	v46 =	vnsel vm11, $0x3E8, v5  }
0x316: {  	vm8 =	vlt.s32 v29, v47;
	vm11 =	vnez.u8 v50;
	vm15 =	vlt.s32 v17, v45  }
0x317: {  	v30 =	vsel vm12, v6, v46;
	vm3 =	vmor vm1, vm11;
	v25 =	vmax.f32 v25, v44  }
0x318: {  	v29 =	vsel vm8, v29, v47;
	v17 =	vsel vm15, v17, v45;
	v48 =	vperm.xlane v25, v4  }
0x319: {  	vm12 =	veq.f32 v16, v21;
	v30 =	vsel vm5, v7, v30;
	v49 =	vperm.xlane v17, v4  }
0x31a: {  	v56 =	vperm.xlane v29, v3;
	v30 =	vsel vm12, v2, v30;
	v51 =	vmax.f32 v25, v48  }
0x31b: {  	v58 =	vperm.xlane v30, v0;
	vm15 =	vlt.s32 v17, v49;
	vm7 =	veq.f32 v20, v51  }
0x31c: {  	v17 =	vsel vm15, v17, v49;
	vm15 =	vlt.s32 v29, v56;
	v52 =	vnsel vm7, $0x3E8, v5  }
0x31d: {  	vm4 =	veq.s32 v17, v2;
	vm8 =	veq.s32 v17, v7;
	vm11 =	veq.s32 v17, v6  }
0x31e: {  	vm12 =	veq.s32 v17, v5;
	v21 =	vsel vm4, $0xFFFFFFFF, v53;
	v25 =	vsel vm4, $0xFF800000, v27  }
0x31f: {  	v24 =	vsel vm8, $0xFF800000, v24;
	v17 =	vsel vm12, $0xFFFFFFFF, v57;
	v26 =	vsel vm12, $0xFF800000, v26  }
0x320: {  	v27 =	vsel vm15, v29, v56;
	vm12 =	veq.f32 v23, v51;
	vm15 =	veq.f32 v19, v51  }
0x321: {  	vm4 =	veq.s32 v9, v7;
	v53 =	vimm.s32 $0x0;
	[tilespmem:$0x1FEC0] =	vst v21;
	v21 =	vsel vm8, $0xFFFFFFFF, v54  }
0x322: {  	v59 =	vmax.f32 v25, v24;
	vm8 =	veq.f32 v18, v51;
	v63 =	vperm.xlane v27, v4  }
0x323: {  	vm2 =	vmor vm4, vm2;
	v54 =	vimm.s32 $0x0;
	[tilespmem:$0x1FF70] =	vst v21;
	v21 =	vsel vm11, $0xFFFFFFFF, v55  }
0x324: {  	v61 =	vsel vm8, v6, v52;
	v52 =	vimm.s32 $0x0;
	v55 =	vimm.s32 $0x0  }
0x325: {  	vm2 =	vmor vm2, vm6;
	[tilespmem:$0x1FFB0] =	vst v21;
	v21 =	vsel vm11, $0xFF800000, v28;
	vm11 =	vlt.s32 v30, v58  }
0x326: {  	v29 =	vsel vm12, v7, v61;
	vm5 =	vlt.s32 v27, v63;
	v60 =	vmax.f32 v21, v26  }
0x327: {  	[tilespmem:$0x1FFE0] =	vst v17;
	v17 =	vsel vm11, v30, v58;
	v29 =	vsel vm15, v2, v29;
	v27 =	vsel vm5, v27, v63  }
0x328: {  	v28 =	vmax.f32 v59, v60;
	v36 =	vperm.xlane v17, v1;
	v37 =	vperm.xlane v29, v0  }
0x329: {  	vm1 =	veq.s32 v27, v2;
	vm15 =	veq.s32 v27, v7;
	vm12 =	veq.s32 v27, v6  }
0x32a: {  	vm11 =	veq.s32 v27, v5;
	v62 =	vperm.xlane v28, v0;
	v10 =	vsel vm1, $0xFF800000, v10  }
0x32b: {  	v13 =	vsel vm15, $0xFF800000, v13;
	v27 =	vsel vm11, $0xFFFFFFFF, v39;
	vm7 =	vlt.s32 v17, v36  }
0x32c: {  	vm8 =	vlt.s32 v29, v37;
	v28 =	vmax.f32 v28, v62;
	v17 =	vsel vm7, v17, v36  }
0x32d: {  	v29 =	vsel vm8, v29, v37;
	v32 =	vperm.xlane v28, v1;
	v40 =	vperm.xlane v17, v3  }
0x32e: {  	v11 =	vsel vm12, $0xFF800000, v11;
	v12 =	vsel vm11, $0xFF800000, v12;
	v43 =	vperm.xlane v29, v1  }
0x32f: {  	v41 =	vmax.f32 v10, v13;
	v28 =	vmax.f32 v28, v32;
	vm8 =	vlt.s32 v17, v40  }
0x330: {  	v38 =	vperm.xlane v28, v3;
	v17 =	vsel vm8, v17, v40;
	vm8 =	vlt.s32 v29, v43  }
0x331: {  	v42 =	vmax.f32 v11, v12;
	v45 =	vperm.xlane v17, v4;
	v29 =	vsel vm8, v29, v43  }
0x332: {  	v62 =	vimm.s32 $0x0;
	v28 =	vmax.f32 v28, v38;
	v47 =	vperm.xlane v29, v3  }
0x333: {  	v36 =	vimm.s32 $0x0;
	v30 =	vperm.xlane v28, v4;
	vm8 =	vlt.s32 v17, v45  }
0x334: {  	v37 =	vimm.s32 $0x0;
	v31 =	vsel vm8, v17, v45;
	vm8 =	vlt.s32 v29, v47  }
0x335: {  	v45 =	vimm.s32 $0x0;
	v28 =	vmax.f32 v28, v30;
	v30 =	vmax.f32 v41, v42  }
0x336: {  	v50 =	vsel vm8, v29, v47;
	vm8 =	veq.s32 v31, v2;
	vm11 =	veq.f32 v26, v28  }
0x337: {  	v46 =	vperm.xlane v30, v0;
	v17 =	vsel vm8, $0xFFFFFFFF, v52;
	v56 =	vperm.xlane v50, v4  }
0x338: {  	v44 =	vnsel vm11, $0x3E8, v5;
	vm11 =	veq.f32 v21, v28;
	[tilespmem:$0x1FB10] =	vst v17;
	v17 =	vsel vm8, $0xFF800000, v16  }
0x339: {  	[tilespmem:$0x1FA30] =	vst v27;
	v27 =	vsel vm11, v6, v44;
	vm11 =	veq.f32 v24, v28;
	v49 =	vmax.f32 v30, v46  }
0x33a: {  	v48 =	vsel vm11, v7, v27;
	v30 =	vperm.xlane v49, v1;
	vm11 =	veq.f32 v25, v28  }
0x33b: {  	vm8 =	veq.s32 v31, v6;
	v51 =	vsel vm11, v2, v48;
	vm11 =	veq.s32 v31, v7  }
0x33c: {  	v15 =	vsel vm8, $0xFF800000, v15;
	v27 =	vmax.f32 v49, v30;
	v16 =	vsel vm11, $0xFFFFFFFF, v53  }
0x33d: {  	v14 =	vsel vm11, $0xFF800000, v14;
	vm11 =	veq.s32 v31, v5;
	[tilespmem:$0x1FB60] =	vst v16;
	v16 =	vsel vm8, $0xFFFFFFFF, v54  }
0x33e: {  	v59 =	vperm.xlane v51, v0;
	v60 =	vperm.xlane v27, v3;
	[tilespmem:$0x1FBE0] =	vst v16;
	v16 =	vsel vm11, $0xFFFFFFFF, v55  }
0x33f: {  	v57 =	vmax.f32 v17, v14;
	vm8 =	vlt.s32 v50, v56;
	[tilespmem:$0x1FC70] =	vst v16;
	v16 =	vsel vm11, $0xFF800000, v22  }
0x340: {  	v22 =	vsel vm8, v50, v56;
	vm11 =	vlt.s32 v51, v59;
	v31 =	vmax.f32 v27, v60  }
0x341: {  	v56 =	vimm.s32 $0x0;
	v60 =	vimm.s32 $0x0;
	v58 =	vmax.f32 v15, v16  }
0x342: {  	v32 =	vsel vm11, v51, v59;
	vm8 =	veq.s32 v22, v2;
	vm11 =	veq.s32 v22, v7  }
0x343: {  	v41 =	vperm.xlane v31, v4;
	v59 =	vimm.s32 $0x0;
	v30 =	vmax.f32 v57, v58  }
0x344: {  	v44 =	vld [tilespmem:$0x1F820];
	v27 =	vsel vm8, $0xFFFFFFFF, v62;
	v28 =	vsel vm11, $0xFF800000, v23;
	v40 =	vperm.xlane v32, v1  }
0x345: {  	v58 =	vimm.s32 $0x0;
	v61 =	vperm.xlane v30, v0;
	[tilespmem:$0x1FCF0] =	vst v27;
	v27 =	vsel vm8, $0xFF800000, v19  }
0x346: {  	v19 =	vsel vm11, $0xFFFFFFFF, v35;
	vm8 =	veq.s32 v22, v6;
	vm11 =	veq.s32 v22, v5  }
0x347: {  	[tilespmem:$0x1FD50] =	vst v19;
	v19 =	vsel vm8, $0xFFFFFFFF, v36;
	v29 =	vsel vm8, $0xFF800000, v18;
	v39 =	vmax.f32 v27, v28  }
0x348: {  	vm8 =	vlt.s32 v32, v40;
	v63 =	vmax.f32 v30, v61;
	[tilespmem:$0x1FE20] =	vst v19;
	v19 =	vsel vm11, $0xFFFFFFFF, v37  }
0x349: {  	v30 =	vsel vm11, $0xFF800000, v20;
	vm11 =	vnez.u8 v44;
	v22 =	vsel vm8, v32, v40  }
0x34a: {  	[tilespmem:$0x1FBF0] =	vst v34;
	v38 =	vperm.xlane v63, v1;
	v20 =	vmax.f32 v29, v30;
	vm3 =	vmor vm3, vm11  }
0x34b: {  	[tilespmem:$0x1FE30] =	vst v19;
	v48 =	vperm.xlane v22, v3;
	v19 =	vmax.f32 v39, v20;
	v34 =	vsel vm3, $0xFFFFFFFF, v45  }
0x34c: {  	v20 =	vmax.f32 v31, v41;
	v18 =	vmax.f32 v63, v38;
	v43 =	vperm.xlane v19, v0  }
0x34d: {  	vm7 =	veq.f32 v12, v20;
	vm8 =	veq.f32 v11, v20;
	vm11 =	veq.f32 v13, v20  }
0x34e: {  	vm4 =	vlt.s32 v22, v48;
	v42 =	vperm.xlane v18, v3;
	v47 =	vnsel vm7, $0x3E8, v5  }
0x34f: {  	v22 =	vsel vm4, v22, v48;
	v48 =	vimm.s32 $0x0;
	v19 =	vmax.f32 v19, v43  }
0x350: {  	v32 =	vsel vm8, v6, v47;
	v52 =	vperm.xlane v22, v4;
	v46 =	vperm.xlane v19, v1  }
0x351: {  	vm8 =	veq.f32 v10, v20;
	v18 =	vmax.f32 v18, v42;
	v50 =	vsel vm11, v7, v32  }
0x352: {  	v23 =	vperm.xlane v18, v4;
	v31 =	vsel vm8, v2, v50;
	v19 =	vmax.f32 v19, v46  }
0x353: {  	vm6 =	vlt.s32 v22, v52;
	v50 =	vimm.s32 $0x0;
	v49 =	vperm.xlane v19, v3  }
0x354: {  	v22 =	vsel vm6, v22, v52;
	v62 =	vperm.xlane v31, v0;
	v46 =	vimm.s32 $0x0  }
0x355: {  	v18 =	vmax.f32 v18, v23;
	vm6 =	veq.s32 v22, v5;
	v19 =	vmax.f32 v19, v49  }
0x356: {  	vm7 =	veq.f32 v16, v18;
	vm11 =	veq.f32 v15, v18;
	v53 =	vperm.xlane v19, v4  }
0x357: {  	v51 =	vnsel vm7, $0x3E8, v5;
	vm7 =	veq.f32 v14, v18;
	v49 =	vimm.s32 $0x0  }
0x358: {  	v54 =	vsel vm11, v6, v51;
	vm11 =	veq.s32 v22, v2;
	v55 =	vmax.f32 v19, v53  }
0x359: {  	v32 =	vsel vm7, v7, v54;
	v19 =	vsel vm11, $0xFFFFFFFF, v56;
	vm8 =	veq.f32 v30, v55  }
0x35a: {  	[tilespmem:$0x1FEB0] =	vst v19;
	v19 =	vsel vm11, $0xFF800000, v25;
	vm11 =	veq.s32 v22, v6;
	vm7 =	veq.f32 v29, v55  }
0x35b: {  	v35 =	vld [tilespmem:$0x1F830];
	v57 =	vnsel vm8, $0x3E8, v5;
	vm8 =	veq.s32 v22, v7;
	v22 =	vsel vm6, $0xFFFFFFFF, v60  }
0x35c: {  	v21 =	vsel vm11, $0xFF800000, v21;
	v20 =	vsel vm8, $0xFFFFFFFF, v58;
	[tilespmem:$0x1FFC0] =	vst v22;
	v22 =	vsel vm6, $0xFF800000, v26  }
0x35d: {  	v61 =	vsel vm7, v6, v57;
	[tilespmem:$0x1FF40] =	vst v20;
	v20 =	vsel vm8, $0xFF800000, v24;
	v24 =	vsel vm11, $0xFFFFFFFF, v59  }
0x35e: {  	v26 =	vmax.f32 v21, v22;
	vm8 =	veq.f32 v17, v18;
	vm11 =	veq.f32 v28, v55  }
0x35f: {  	[tilespmem:$0x1FF80] =	vst v24;
	v25 =	vmax.f32 v19, v20;
	v18 =	vsel vm8, v2, v32;
	v24 =	vsel vm11, v7, v61  }
0x360: {  	v41 =	vld [tilespmem:$0x1F840];
	vm8 =	veq.f32 v27, v55;
	vm11 =	vnez.u8 v35;
	v25 =	vmax.f32 v25, v26  }
0x361: {  	v63 =	vperm.xlane v18, v0;
	v36 =	vsel vm8, v2, v24;
	vm8 =	vlt.s32 v31, v62  }
0x362: {  	v26 =	vperm.xlane v25, v0;
	v38 =	vperm.xlane v36, v0;
	v39 =	vsel vm8, v31, v62  }
0x363: {  	vm2 =	vmor vm2, vm11;
	vm11 =	vlt.s32 v18, v63;
	v32 =	vperm.xlane v39, v1  }
0x364: {  	v42 =	vld [tilespmem:$0x1F850];
	v37 =	vmax.f32 v25, v26;
	v18 =	vsel vm11, v18, v63;
	vm8 =	vlt.s32 v36, v38  }
0x365: {  	vm11 =	vnez.u8 v41;
	v40 =	vperm.xlane v37, v1;
	v33 =	vperm.xlane v18, v1  }
0x366: {  	vm2 =	vmor vm2, vm11;
	v23 =	vsel vm8, v36, v38;
	vm8 =	vlt.s32 v39, v32  }
0x367: {  	v38 =	vimm.s32 $0x0;
	v25 =	vperm.xlane v23, v1;
	v26 =	vsel vm8, v39, v32  }
0x368: {  	v24 =	vmax.f32 v37, v40;
	vm11 =	vlt.s32 v18, v33;
	v32 =	vperm.xlane v26, v3  }
0x369: {  	v43 =	vld [tilespmem:$0x1F860];
	v18 =	vsel vm11, v18, v33;
	v31 =	vperm.xlane v24, v3;
	vm11 =	vnez.u8 v42  }
0x36a: {  	vm8 =	vlt.s32 v23, v25;
	v33 =	vperm.xlane v18, v3;
	vm2 =	vmor vm2, vm11  }
0x36b: {  	v23 =	vsel vm8, v23, v25;
	vm8 =	vlt.s32 v26, v32;
	v24 =	vmax.f32 v24, v31  }
0x36c: {  	v25 =	vperm.xlane v23, v3;
	v26 =	vsel vm8, v26, v32;
	vm11 =	vlt.s32 v18, v33  }
0x36d: {  	v31 =	vperm.xlane v24, v4;
	v32 =	vperm.xlane v26, v4;
	v18 =	vsel vm11, v18, v33  }
0x36e: {  	vm8 =	vlt.s32 v23, v25;
	vm11 =	vnez.u8 v43;
	v33 =	vperm.xlane v18, v4  }
0x36f: {  	vm4 =	vmor vm2, vm11;
	v23 =	vsel vm8, v23, v25;
	vm6 =	vlt.s32 v26, v32  }
0x370: {  	v24 =	vmax.f32 v24, v31;
	v25 =	vperm.xlane v23, v4;
	v26 =	vsel vm6, v26, v32  }
0x371: {  	vm8 =	veq.f32 v22, v24;
	vm6 =	veq.f32 v21, v24;
	vm7 =	vlt.s32 v18, v33  }
0x372: {  	v45 =	vnsel vm8, $0x3E8, v5;
	vm2 =	veq.s32 v26, v7;
	v44 =	vsel vm7, v18, v33  }
0x373: {  	vm11 =	vlt.s32 v23, v25;
	v18 =	vsel vm6, v6, v45;
	vm7 =	veq.f32 v20, v24  }
0x374: {  	v25 =	vsel vm11, v23, v25;
	v18 =	vsel vm7, v7, v18;
	vm11 =	veq.f32 v19, v24  }
0x375: {  	vm3 =	veq.s32 v26, v6;
	vm8 =	veq.s32 v25, v2;
	v47 =	vsel vm11, v2, v18  }
0x376: {  	vm5 =	veq.s32 v25, v7;
	vm6 =	veq.s32 v25, v6;
	vm7 =	veq.s32 v25, v5  }
0x377: {  	vm11 =	veq.s32 v26, v5;
	v23 =	vsel vm8, $0xFFFFFFFF, v46;
	v18 =	vsel vm5, $0xFFFFFFFF, v48  }
0x378: {  	v24 =	vsel vm6, $0xFFFFFFFF, v49;
	v25 =	vsel vm7, $0xFF800000, v30;
	v52 =	vsel vm11, $0xFF800000, v12;
	[tilespmem:$0x1FCC0] =	vst v23  }
0x379: {  	v48 =	vimm.s32 $0x0;
	v23 =	vsel vm8, $0xFF800000, v27;
	[tilespmem:$0x1FD20] =	vst v18;
	v18 =	vsel vm5, $0xFF800000, v28  }
0x37a: {  	[tilespmem:$0x1FE00] =	vst v24;
	v24 =	vsel vm7, $0xFFFFFFFF, v50;
	vm5 =	veq.s32 v26, v2;
	v26 =	vsel vm3, $0xFF800000, v11  }
0x37b: {  	vm8 =	veq.s32 v44, v7;
	vm7 =	veq.s32 v44, v6;
	v50 =	vimm.s32 $0x0  }
0x37c: {  	[tilespmem:$0x1FE10] =	vst v24;
	v24 =	vsel vm6, $0xFF800000, v29;
	v27 =	vmax.f32 v23, v18;
	v28 =	vsel vm5, $0xFF800000, v10  }
0x37d: {  	v29 =	vsel vm2, $0xFF800000, v13;
	v10 =	vperm.xlane v47, v0;
	v12 =	vmax.f32 v26, v52  }
0x37e: {  	v13 =	vsel vm8, $0xFF800000, v14;
	v51 =	vmax.f32 v24, v25;
	v11 =	vmax.f32 v28, v29  }
0x37f: {  	v27 =	vmax.f32 v27, v51;
	vm6 =	vlt.s32 v47, v10;
	v54 =	vmax.f32 v11, v12  }
0x380: {  	v11 =	vimm.s32 $0x0;
	v12 =	vsel vm7, $0xFF800000, v15;
	v51 =	vimm.s32 $0x0  }
0x381: {  	v53 =	vperm.xlane v27, v0;
	v32 =	vsel vm6, v47, v10;
	vm6 =	veq.s32 v44, v2  }
0x382: {  	v39 =	vld [tilespmem:$0x1F890];
	v10 =	vimm.s32 $0x0;
	v11 =	vsel vm8, $0xFFFFFFFF, v11;
	v56 =	vperm.xlane v54, v0  }
0x383: {  	v10 =	vsel vm6, $0xFFFFFFFF, v10;
	v55 =	vperm.xlane v32, v1;
	[tilespmem:$0x1FB40] =	vst v11;
	v11 =	vimm.s32 $0x0  }
0x384: {  	[tilespmem:$0x1FAE0] =	vst v10;
	v27 =	vmax.f32 v27, v53;
	v10 =	vsel vm6, $0xFF800000, v17;
	v11 =	vsel vm7, $0xFFFFFFFF, v11  }
0x385: {  	vm6 =	veq.s32 v44, v5;
	v14 =	vmax.f32 v54, v56;
	[tilespmem:$0x1FBD0] =	vst v11;
	v11 =	vimm.s32 $0x0  }
0x386: {  	v36 =	vld [tilespmem:$0x1F870];
	v57 =	vperm.xlane v27, v1;
	v61 =	vperm.xlane v14, v1;
	v11 =	vsel vm6, $0xFFFFFFFF, v11  }
0x387: {  	vm8 =	vnez.u8 v39;
	v59 =	vmax.f32 v10, v13;
	[tilespmem:$0x1FC60] =	vst v11;
	v11 =	vsel vm6, $0xFF800000, v16  }
0x388: {  	vm6 =	vlt.s32 v32, v55;
	v15 =	vmax.f32 v27, v57;
	v14 =	vmax.f32 v14, v61  }
0x389: {  	v58 =	vsel vm6, v32, v55;
	v60 =	vmax.f32 v12, v11;
	vm6 =	veq.s32 v9, v6  }
0x38a: {  	v37 =	vld [tilespmem:$0x1F880];
	v62 =	vperm.xlane v15, v3;
	v27 =	vperm.xlane v14, v3;
	v17 =	vmax.f32 v59, v60  }
0x38b: {  	vm0 =	vmor vm6, vm0;
	v63 =	vperm.xlane v58, v3;
	vm6 =	vnez.u8 v36  }
0x38c: {  	v43 =	vld [tilespmem:$0x1F8A0];
	v36 =	vimm.s32 $0x0;
	v31 =	vperm.xlane v17, v0;
	vm0 =	vmor vm0, vm6  }
0x38d: {  	v15 =	vmax.f32 v15, v62;
	v14 =	vmax.f32 v14, v27;
	vm6 =	vlt.s32 v58, v63  }
0x38e: {  	v32 =	vperm.xlane v15, v4;
	vm0 =	vmor vm0, vm8;
	v42 =	vperm.xlane v14, v4  }
0x38f: {  	v17 =	vmax.f32 v17, v31;
	v16 =	vsel vm6, v58, v63;
	vm6 =	vnez.u8 v37  }
0x390: {  	v37 =	vimm.s32 $0x0;
	v31 =	vperm.xlane v17, v1;
	vm4 =	vmor vm4, vm6  }
0x391: {  	v40 =	vperm.xlane v16, v4;
	v41 =	vmax.f32 v15, v32;
	vm6 =	vnez.u8 v43  }
0x392: {  	v14 =	vmax.f32 v14, v42;
	v33 =	vsel vm4, $0xFFFFFFFF, v38;
	vm0 =	vmor vm0, vm6  }
0x393: {  	vm8 =	veq.f32 v25, v41;
	vm6 =	veq.f32 v24, v41;
	v17 =	vmax.f32 v17, v31  }
0x394: {  	v38 =	vimm.s32 $0x0;
	vm4 =	vlt.s32 v16, v40;
	v31 =	vperm.xlane v17, v3  }
0x395: {  	[tilespmem:$0x1FC30] =	vst v33;
	v45 =	vnsel vm8, $0x3E8, v5;
	v33 =	vimm.s32 $0x0;
	v44 =	vsel vm4, v16, v40  }
0x396: {  	vm4 =	veq.f32 v52, v14;
	vm8 =	veq.s32 v44, v2;
	v46 =	vmax.f32 v17, v31  }
0x397: {  	v47 =	vsel vm6, v6, v45;
	v16 =	vsel vm8, $0xFFFFFFFF, v48;
	v17 =	vperm.xlane v46, v4  }
0x398: {  	v52 =	vimm.s32 $0x0;
	[tilespmem:$0x1FEA0] =	vst v16;
	v16 =	vsel vm8, $0xFF800000, v19;
	vm8 =	veq.s32 v44, v7  }
0x399: {  	vm6 =	veq.s32 v44, v6;
	v15 =	vsel vm8, $0xFFFFFFFF, v50;
	v49 =	vmax.f32 v46, v17  }
0x39a: {  	[tilespmem:$0x1FF10] =	vst v15;
	v15 =	vsel vm8, $0xFF800000, v20;
	v17 =	vsel vm6, $0xFFFFFFFF, v51;
	vm8 =	veq.s32 v44, v5  }
0x39b: {  	v30 =	vnsel vm4, $0x3E8, v5;
	v48 =	vimm.s32 $0x0;
	[tilespmem:$0x1FF50] =	vst v17;
	v17 =	vsel vm8, $0xFFFFFFFF, v52  }
0x39c: {  	v19 =	vsel vm8, $0xFF800000, v22;
	v20 =	vmax.f32 v16, v15;
	vm4 =	veq.f32 v11, v49  }
0x39d: {  	vm8 =	veq.f32 v13, v49;
	[tilespmem:$0x1FF90] =	vst v17;
	v17 =	vsel vm6, $0xFF800000, v21;
	vm6 =	veq.f32 v18, v41  }
0x39e: {  	v58 =	vld [tilespmem:$0x1F8B0];
	v53 =	vnsel vm4, $0x3E8, v5;
	vm4 =	veq.f32 v12, v49;
	v21 =	vmax.f32 v17, v19  }
0x39f: {  	v31 =	vsel vm6, v7, v47;
	vm6 =	veq.f32 v23, v41;
	v22 =	vsel vm4, v6, v53  }
0x3a0: {  	vm4 =	veq.f32 v26, v14;
	v20 =	vmax.f32 v20, v21;
	v27 =	vsel vm6, v2, v31  }
0x3a1: {  	v22 =	vsel vm8, v7, v22;
	vm6 =	veq.f32 v10, v49;
	v26 =	vsel vm4, v6, v30  }
0x3a2: {  	vm4 =	veq.f32 v29, v14;
	v21 =	vperm.xlane v20, v0;
	v54 =	vperm.xlane v27, v0  }
0x3a3: {  	v22 =	vsel vm6, v2, v22;
	vm6 =	vnez.u8 v58;
	v26 =	vsel vm4, v7, v26  }
0x3a4: {  	vm4 =	veq.s32 v9, v5;
	v9 =	vld [tilespmem:$0x1F8C0];
	v20 =	vmax.f32 v20, v21;
	vm8 =	vlt.s32 v27, v54  }
0x3a5: {  	v56 =	vperm.xlane v22, v0;
	v55 =	vperm.xlane v20, v1;
	v21 =	vsel vm8, v27, v54  }
0x3a6: {  	v50 =	vimm.s32 $0x0;
	vm0 =	vmor vm0, vm6;
	v57 =	vperm.xlane v21, v1  }
0x3a7: {  	vm6 =	veq.f32 v28, v14;
	vm8 =	vlt.s32 v22, v56;
	v20 =	vmax.f32 v20, v55  }
0x3a8: {  	v22 =	vsel vm8, v22, v56;
	v31 =	vperm.xlane v20, v3;
	vm8 =	vlt.s32 v21, v57  }
0x3a9: {  	v27 =	vperm.xlane v22, v1;
	vm7 =	vnez.u8 v9;
	v21 =	vsel vm8, v21, v57  }
0x3aa: {  	v9 =	vsel vm6, v2, v26;
	v20 =	vmax.f32 v20, v31;
	v30 =	vperm.xlane v21, v3  }
0x3ab: {  	vm4 =	vmor vm4, vm7;
	v26 =	vperm.xlane v9, v0;
	v59 =	vperm.xlane v20, v4  }
0x3ac: {  	vm6 =	vlt.s32 v22, v27;
	vm4 =	vmor vm4, vm14;
	vm7 =	vlt.s32 v21, v30  }
0x3ad: {  	v61 =	vsel vm6, v22, v27;
	v60 =	vmax.f32 v20, v59;
	v21 =	vsel vm7, v21, v30  }
0x3ae: {  	v32 =	vperm.xlane v61, v3;
	vm8 =	veq.f32 v19, v60;
	v63 =	vperm.xlane v21, v4  }
0x3af: {  	vm6 =	veq.f32 v17, v60;
	vm14 =	veq.f32 v15, v60;
	v62 =	vnsel vm8, $0x3E8, v5  }
0x3b0: {  	v22 =	vsel vm6, v6, v62;
	vm6 =	vlt.s32 v9, v26;
	vm7 =	vlt.s32 v21, v63  }
0x3b1: {  	v9 =	vsel vm6, v9, v26;
	v21 =	vsel vm7, v21, v63;
	v22 =	vsel vm14, v7, v22  }
0x3b2: {  	vm6 =	vlt.s32 v61, v32;
	vm14 =	veq.f32 v16, v60;
	vm8 =	veq.s32 v21, v2  }
0x3b3: {  	[tilespmem:$0x1FC10] =	vst v34;
	v43 =	vld [tilespmem:$0x1F8D0];
	v34 =	vsel vm6, v61, v32;
	v35 =	vsel vm14, v2, v22;
	vm7 =	veq.s32 v21, v6  }
0x3b4: {  	v44 =	vld [tilespmem:$0x1F8E0];
	vm14 =	veq.s32 v21, v5;
	v39 =	vperm.xlane v9, v1;
	v26 =	vsel vm8, $0xFFFFFFFF, v33  }
0x3b5: {  	v20 =	vsel vm8, $0xFF800000, v23;
	vm8 =	veq.s32 v21, v7;
	v21 =	vsel vm14, $0xFFFFFFFF, v38  }
0x3b6: {  	v41 =	vperm.xlane v34, v4;
	v42 =	vperm.xlane v35, v0;
	v33 =	vimm.s32 $0x0  }
0x3b7: {  	v38 =	vimm.s32 $0x0;
	v22 =	vsel vm8, $0xFFFFFFFF, v36;
	[tilespmem:$0x1FDF0] =	vst v21;
	v21 =	vsel vm14, $0xFF800000, v25  }
0x3b8: {  	v58 =	vld [tilespmem:$0x1F8F0];
	vm14 =	vnez.u8 v43;
	vm6 =	vlt.s32 v9, v39;
	[tilespmem:$0x1FD00] =	vst v22;
	v22 =	vsel vm7, $0xFFFFFFFF, v37  }
0x3b9: {  	vm0 =	vmor vm0, vm14;
	vm14 =	vnez.u8 v44;
	v9 =	vsel vm6, v9, v39  }
0x3ba: {  	v39 =	vimm.s32 $0x0;
	[tilespmem:$0x1FDD0] =	vst v22;
	v22 =	vsel vm8, $0xFF800000, v18;
	v18 =	vsel vm7, $0xFF800000, v24  }
0x3bb: {  	v32 =	vld [tilespmem:$0x1F900];
	vm4 =	vmor vm4, vm14;
	vm7 =	vlt.s32 v34, v41;
	vm14 =	vlt.s32 v35, v42  }
0x3bc: {  	v51 =	vperm.xlane v9, v3;
	v40 =	vmax.f32 v20, v22;
	v25 =	vmax.f32 v18, v21  }
0x3bd: {  	v46 =	vsel vm7, v34, v41;
	v47 =	vsel vm14, v35, v42;
	vm7 =	vnez.u8 v58  }
0x3be: {  	v41 =	vimm.s32 $0x0;
	v58 =	vimm.s32 $0x0;
	v24 =	vmax.f32 v40, v25  }
0x3bf: {  	vm14 =	veq.s32 v46, v2;
	vm6 =	veq.s32 v46, v7;
	v49 =	vperm.xlane v47, v1  }
0x3c0: {  	v34 =	vld [tilespmem:$0x1F910];
	vm4 =	vmor vm4, vm7;
	vm7 =	vnez.u8 v32;
	v45 =	vperm.xlane v24, v0  }
0x3c1: {  	v14 =	vsel vm6, $0xFFFFFFFF, v48;
	v13 =	vsel vm6, $0xFF800000, v13;
	vm6 =	veq.s32 v46, v6  }
0x3c2: {  	vm0 =	vmor vm0, vm7;
	[tilespmem:$0x1FB20] =	vst v14;
	v14 =	vsel vm14, $0xFF800000, v10;
	v10 =	vimm.s32 $0x0  }
0x3c3: {  	v40 =	vimm.s32 $0x0;
	v29 =	vsel vm0, $0xFFFFFFFF, v33;
	v10 =	vsel vm6, $0xFFFFFFFF, v10  }
0x3c4: {  	v24 =	vmax.f32 v24, v45;
	v53 =	vmax.f32 v14, v13;
	[tilespmem:$0x1FBB0] =	vst v10;
	v10 =	vsel vm6, $0xFF800000, v12  }
0x3c5: {  	vm6 =	veq.s32 v46, v5;
	v52 =	vperm.xlane v24, v1;
	vm7 =	vnez.u8 v34  }
0x3c6: {  	v23 =	vsel vm6, $0xFFFFFFFF, v50;
	v11 =	vsel vm6, $0xFF800000, v11;
	vm6 =	vlt.s32 v47, v49  }
0x3c7: {  	v54 =	vmax.f32 v10, v11;
	v12 =	vsel vm6, v47, v49;
	v24 =	vmax.f32 v24, v52  }
0x3c8: {  	vm6 =	vlt.s32 v9, v51;
	v55 =	vmax.f32 v53, v54;
	v57 =	vperm.xlane v12, v3  }
0x3c9: {  	v9 =	vsel vm6, v9, v51;
	v59 =	vperm.xlane v24, v3;
	v56 =	vperm.xlane v55, v0  }
0x3ca: {  	vm0 =	vmor vm4, vm7;
	v51 =	vimm.s32 $0x0;
	v60 =	vperm.xlane v9, v4  }
0x3cb: {  	[tilespmem:$0x1FC40] =	vst v23;
	vm6 =	vlt.s32 v12, v57;
	v23 =	vmax.f32 v24, v59;
	v25 =	vmax.f32 v55, v56  }
0x3cc: {  	v12 =	vsel vm6, v12, v57;
	v62 =	vperm.xlane v23, v4;
	vm6 =	vlt.s32 v9, v60  }
0x3cd: {  	v57 =	vimm.s32 $0x0;
	v61 =	vperm.xlane v25, v1;
	v63 =	vperm.xlane v12, v4  }
0x3ce: {  	v9 =	vsel vm6, v9, v60;
	v60 =	vimm.s32 $0x0;
	v23 =	vmax.f32 v23, v62  }
0x3cf: {  	v24 =	vmax.f32 v25, v61;
	vm8 =	vlt.s32 v12, v63;
	vm4 =	veq.f32 v18, v23  }
0x3d0: {  	v61 =	vimm.s32 $0x0;
	v35 =	vsel vm8, v12, v63;
	vm8 =	veq.f32 v21, v23  }
0x3d1: {  	v36 =	vperm.xlane v24, v3;
	v37 =	vnsel vm8, $0x3E8, v5;
	vm6 =	veq.s32 v35, v2  }
0x3d2: {  	v34 =	vld [tilespmem:$0x1F960];
	vm7 =	veq.s32 v35, v7;
	vm8 =	veq.s32 v35, v5;
	v27 =	vsel vm6, $0xFFFFFFFF, v38  }
0x3d3: {  	[tilespmem:$0x1FCA0] =	vst v26;
	v26 =	vsel vm4, v6, v37;
	v24 =	vmax.f32 v24, v36;
	v12 =	vsel vm6, $0xFF800000, v16  }
0x3d4: {  	v45 =	vld [tilespmem:$0x1F920];
	v16 =	vsel vm7, $0xFFFFFFFF, v39;
	vm6 =	veq.s32 v35, v6;
	v19 =	vsel vm8, $0xFF800000, v19  }
0x3d5: {  	vm4 =	veq.s32 v9, v2;
	[tilespmem:$0x1FEF0] =	vst v16;
	v16 =	vsel vm6, $0xFFFFFFFF, v40;
	v17 =	vsel vm6, $0xFF800000, v17  }
0x3d6: {  	v43 =	vperm.xlane v24, v4;
	vm6 =	veq.f32 v20, v23;
	vm4 =	vmor vm4, vm5  }
0x3d7: {  	vm5 =	vnez.u8 v34;
	[tilespmem:$0x1FF20] =	vst v16;
	v16 =	vsel vm8, $0xFFFFFFFF, v41;
	v42 =	vmax.f32 v17, v19  }
0x3d8: {  	vm8 =	veq.f32 v22, v23;
	vm1 =	vmor vm4, vm1;
	[tilespmem:$0x1FF60] =	vst v16;
	v16 =	vsel vm7, $0xFF800000, v15  }
0x3d9: {  	v26 =	vsel vm8, v7, v26;
	vm7 =	vnez.u8 v45;
	v24 =	vmax.f32 v24, v43  }
0x3da: {  	v50 =	vld [tilespmem:$0x1F930];
	v15 =	vmax.f32 v12, v16;
	vm0 =	vmor vm0, vm7;
	v46 =	vsel vm6, v2, v26  }
0x3db: {  	vm8 =	veq.f32 v11, v24;
	v15 =	vmax.f32 v15, v42;
	v47 =	vperm.xlane v46, v0  }
0x3dc: {  	vm4 =	veq.f32 v10, v24;
	v49 =	vnsel vm8, $0x3E8, v5;
	v44 =	vperm.xlane v15, v0  }
0x3dd: {  	[tilespmem:$0x1FE70] =	vst v27;
	v27 =	vsel vm4, v6, v49;
	vm4 =	veq.f32 v13, v24;
	vm8 =	vlt.s32 v46, v47  }
0x3de: {  	v27 =	vsel vm4, v7, v27;
	v15 =	vmax.f32 v15, v44;
	v23 =	vsel vm8, v46, v47  }
0x3df: {  	vm8 =	vnez.u8 v50;
	v46 =	vimm.s32 $0x0;
	v47 =	vimm.s32 $0x0  }
0x3e0: {  	v48 =	vperm.xlane v15, v1;
	v25 =	vperm.xlane v23, v1;
	vm0 =	vmor vm0, vm8  }
0x3e1: {  	v28 =	vsel vm0, $0xFFFFFFFF, v51;
	vm0 =	vmor vm1, vm10;
	vm10 =	veq.f32 v14, v24  }
0x3e2: {  	v56 =	vld [tilespmem:$0x1F940];
	v15 =	vmax.f32 v15, v48;
	vm8 =	vlt.s32 v23, v25;
	v24 =	vsel vm10, v2, v27  }
0x3e3: {  	vm10 =	veq.s32 v9, v7;
	v26 =	vperm.xlane v15, v3;
	v23 =	vsel vm8, v23, v25  }
0x3e4: {  	vm0 =	vmor vm0, vm13;
	v53 =	vperm.xlane v24, v0;
	v54 =	vperm.xlane v23, v3  }
0x3e5: {  	v48 =	vimm.s32 $0x0;
	vm1 =	vmor vm10, vm2;
	v15 =	vmax.f32 v15, v26  }
0x3e6: {  	vm13 =	vlt.s32 v24, v53;
	v52 =	vperm.xlane v15, v4;
	vm4 =	vlt.s32 v23, v54  }
0x3e7: {  	v24 =	vsel vm13, v24, v53;
	vm13 =	vnez.u8 v56;
	v23 =	vsel vm4, v23, v54  }
0x3e8: {  	v26 =	vperm.xlane v24, v1;
	vm0 =	vmor vm0, vm13;
	v15 =	vmax.f32 v15, v52  }
0x3e9: {  	vm4 =	vmor vm1, vm15;
	v27 =	vperm.xlane v23, v4;
	vm8 =	veq.f32 v19, v15  }
0x3ea: {  	vm10 =	veq.f32 v17, v15;
	vm13 =	veq.f32 v16, v15;
	v55 =	vnsel vm8, $0x3E8, v5  }
0x3eb: {  	vm6 =	veq.f32 v12, v15;
	vm8 =	vlt.s32 v24, v26;
	v25 =	vsel vm10, v6, v55  }
0x3ec: {  	v33 =	vld [tilespmem:$0x1F950];
	vm10 =	vlt.s32 v23, v27;
	v24 =	vsel vm8, v24, v26;
	v55 =	vimm.s32 $0x0  }
0x3ed: {  	v23 =	vsel vm10, v23, v27;
	v25 =	vsel vm13, v7, v25;
	v59 =	vperm.xlane v24, v3  }
0x3ee: {  	vm15 =	veq.s32 v23, v2;
	vm2 =	veq.s32 v23, v7;
	v25 =	vsel vm6, v2, v25  }
0x3ef: {  	vm7 =	veq.s32 v23, v6;
	vm8 =	veq.s32 v23, v5;
	v26 =	vsel vm15, $0xFFFFFFFF, v57  }
0x3f0: {  	v20 =	vsel vm15, $0xFF800000, v20;
	v15 =	vsel vm2, $0xFF800000, v22;
	v22 =	vsel vm7, $0xFFFFFFFF, v60  }
0x3f1: {  	v62 =	vperm.xlane v25, v0;
	vm10 =	vlt.s32 v24, v59;
	vm15 =	vnez.u8 v33;
	[tilespmem:$0x1FC90] =	vst v26  }
0x3f2: {  	v26 =	vsel vm2, $0xFFFFFFFF, v58;
	[tilespmem:$0x1FDA0] =	vst v22;
	v22 =	vsel vm8, $0xFFFFFFFF, v61;
	v63 =	vmax.f32 v20, v15  }
0x3f3: {  	v24 =	vsel vm10, v24, v59;
	vm1 =	vmor vm0, vm15;
	vm0 =	vmor vm4, vm5  }
0x3f4: {  	[tilespmem:$0x1FDE0] =	vst v22;
	v22 =	vsel vm7, $0xFF800000, v18;
	v18 =	vsel vm8, $0xFF800000, v21;
	vm13 =	vlt.s32 v25, v62  }
0x3f5: {  	v31 =	vperm.xlane v24, v4;
	vm2 =	vmor vm0, vm9;
	v21 =	vsel vm13, v25, v62  }
0x3f6: {  	vm8 =	veq.s32 v9, v6;
	v30 =	vmax.f32 v22, v18;
	v35 =	vperm.xlane v21, v1  }
0x3f7: {  	vm3 =	vmor vm8, vm3;
	v23 =	vmax.f32 v63, v30;
	vm6 =	vlt.s32 v24, v31  }
0x3f8: {  	v32 =	vperm.xlane v23, v0;
	v24 =	vsel vm6, v24, v31;
	vm7 =	vlt.s32 v21, v35  }
0x3f9: {  	vm0 =	veq.s32 v24, v2;
	vm9 =	veq.s32 v24, v7;
	vm10 =	veq.s32 v24, v6  }
0x3fa: {  	v43 =	vld [tilespmem:$0x1F970];
	vm13 =	veq.s32 v24, v5;
	v23 =	vmax.f32 v23, v32;
	v21 =	vsel vm7, v21, v35  }
0x3fb: {  	v37 =	vsel vm10, $0xFF800000, v10;
	v36 =	vperm.xlane v23, v1;
	v10 =	vperm.xlane v21, v3  }
0x3fc: {  	v14 =	vsel vm0, $0xFF800000, v14;
	v13 =	vsel vm9, $0xFF800000, v13;
	v11 =	vsel vm13, $0xFF800000, v11  }
0x3fd: {  	v56 =	vld [tilespmem:$0x1F9A0];
	v38 =	vmax.f32 v14, v13;
	v23 =	vmax.f32 v23, v36;
	vm15 =	vlt.s32 v21, v10  }
0x3fe: {  	v39 =	vmax.f32 v37, v11;
	v25 =	vperm.xlane v23, v3;
	v10 =	vsel vm15, v21, v10  }
0x3ff: {  	vm8 =	vnez.u8 v43;
	v41 =	vmax.f32 v38, v39;
	v42 =	vperm.xlane v10, v4  }
0x400: {  	vm2 =	vmor vm2, vm8;
	v23 =	vmax.f32 v23, v25;
	v25 =	vperm.xlane v41, v0  }
0x401: {  	vm3 =	vmor vm3, vm12;
	v40 =	vperm.xlane v23, v4;
	vm8 =	vlt.s32 v10, v42  }
0x402: {  	vm7 =	vnez.u8 v56;
	v21 =	vmax.f32 v41, v25;
	v10 =	vsel vm8, v10, v42  }
0x403: {  	v23 =	vmax.f32 v23, v40;
	v25 =	vperm.xlane v21, v1;
	vm8 =	veq.s32 v10, v2  }
0x404: {  	vm6 =	veq.s32 v10, v7;
	vm15 =	veq.f32 v18, v23;
	vm12 =	veq.f32 v22, v23  }
0x405: {  	v27 =	vsel vm8, $0xFFFFFFFF, v46;
	v16 =	vsel vm6, $0xFF800000, v16;
	v44 =	vnsel vm15, $0x3E8, v5  }
0x406: {  	vm15 =	veq.f32 v15, v23;
	v21 =	vmax.f32 v21, v25;
	v25 =	vsel vm8, $0xFF800000, v12  }
0x407: {  	v51 =	vld [tilespmem:$0x1F980];
	v12 =	vsel vm6, $0xFFFFFFFF, v47;
	v45 =	vsel vm12, v6, v44;
	vm12 =	veq.s32 v10, v6  }
0x408: {  	v54 =	vld [tilespmem:$0x1F990];
	[tilespmem:$0x1FCD0] =	vst v26;
	v26 =	vsel vm15, v7, v45;
	vm15 =	veq.s32 v10, v5;
	v10 =	vimm.s32 $0x0  }
0x409: {  	v17 =	vsel vm12, $0xFF800000, v17;
	v10 =	vsel vm15, $0xFFFFFFFF, v10;
	v19 =	vsel vm15, $0xFF800000, v19  }
0x40a: {  	v50 =	vperm.xlane v21, v3;
	[tilespmem:$0x1FF30] =	vst v10;
	v10 =	vmax.f32 v25, v16;
	v49 =	vmax.f32 v17, v19  }
0x40b: {  	vm8 =	veq.f32 v20, v23;
	[tilespmem:$0x1FEE0] =	vst v12;
	v12 =	vsel vm12, $0xFFFFFFFF, v48;
	v10 =	vmax.f32 v10, v49  }
0x40c: {  	vm12 =	vnez.u8 v51;
	[tilespmem:$0x1FF00] =	vst v12;
	v12 =	vmax.f32 v21, v50;
	v53 =	vperm.xlane v10, v0  }
0x40d: {  	v57 =	vld [tilespmem:$0x1F9B0];
	v23 =	vsel vm8, v2, v26;
	vm15 =	vnez.u8 v54;
	v59 =	vperm.xlane v12, v4  }
0x40e: {  	v52 =	vperm.xlane v23, v0;
	vm1 =	vmor vm1, vm15;
	v58 =	vmax.f32 v10, v53;
	v10 =	vld [tilespmem:$0x1F9C0]  }
0x40f: {  	[tilespmem:$0x1FD70] =	vst v28;
	vm3 =	vmor vm3, vm12;
	v28 =	vsel vm1, $0xFFFFFFFF, v55;
	v26 =	vmax.f32 v12, v59  }
0x410: {  	vm1 =	vmor vm2, vm7;
	vm12 =	vlt.s32 v23, v52;
	vm7 =	veq.f32 v11, v26  }
0x411: {  	v23 =	vsel vm12, v23, v52;
	vm12 =	veq.f32 v37, v26;
	v11 =	vnsel vm7, $0x3E8, v5  }
0x412: {  	v24 =	vsel vm12, v6, v11;
	v11 =	vld [tilespmem:$0x1FA00]  }
0x413: {  	v61 =	vld [tilespmem:$0x1F9F0];
	vm8 =	vnez.u8 v57;
	v60 =	vperm.xlane v23, v1;
	vm15 =	vnez.u8 v10  }
0x414: {  	[tilespmem:$0x1FE40] =	vst v27;
	v27 =	vperm.xlane v58, v1;
	v10 =	vimm.s32 $0x0;
	vm1 =	vmor vm1, vm15  }
0x415: {  	vm2 =	vmor vm3, vm8;
	vm8 =	vlt.s32 v23, v60;
	v10 =	vsel vm1, $0xFFFFFFFF, v10  }
0x416: {  	v21 =	vmax.f32 v58, v27;
	v23 =	vsel vm8, v23, v60;
	[tilespmem:$0x1FDB0] =	vst v10;
	v10 =	vld [tilespmem:$0x1F9D0]  }
0x417: {  	v27 =	vperm.xlane v21, v3;
	v62 =	vperm.xlane v23, v3;
	vm7 =	vnez.u8 v11;
	v11 =	vld [tilespmem:$0x1FA10]  }
0x418: {  	vm15 =	vnez.u8 v61  }
0x419: {  	v21 =	vmax.f32 v21, v27;
	v12 =	vsel vm15, $0x3F800000, v8;
	vm15 =	vlt.s32 v23, v62  }
0x41a: {  	v63 =	vperm.xlane v21, v4;
	v23 =	vsel vm15, v23, v62  }
0x41b: {  	v48 =	vimm.s32 $0x0;
	v31 =	vperm.xlane v23, v4;
	vm5 =	vnez.u8 v10;
	v10 =	vld [tilespmem:$0x1F9E0]  }
0x41c: {  	vm12 =	veq.f32 v14, v26;
	v21 =	vmax.f32 v21, v63;
	vm8 =	vnez.u8 v11  }
0x41d: {  	v32 =	vld [tilespmem:$0x1FA20];
	vm15 =	vlt.s32 v23, v31;
	v11 =	vsel vm8, $0x3F800000, v8;
	vm8 =	veq.s32 v9, v5  }
0x41e: {  	v9 =	vsel vm15, v23, v31;
	vm1 =	vmor vm2, vm5;
	vm5 =	veq.f32 v19, v21  }
0x41f: {  	vm11 =	vmor vm8, vm11;
	vm2 =	veq.s32 v9, v7;
	v30 =	vnsel vm5, $0x3E8, v5  }
0x420: {  	vm5 =	veq.s32 v9, v2;
	v15 =	vsel vm2, $0xFF800000, v15;
	vm6 =	vnez.u8 v10  }
0x421: {  	v20 =	vsel vm5, $0xFF800000, v20;
	v10 =	vsel vm6, $0x3F800000, v8;
	vm6 =	veq.f32 v13, v26  }
0x422: {  	v13 =	vsel vm7, $0x3F800000, v8;
	vm7 =	vnez.u8 v32;
	v24 =	vsel vm6, v7, v24  }
0x423: {  	vm6 =	veq.f32 v17, v21;
	vm3 =	vmor vm1, vm7;
	vm1 =	veq.f32 v25, v21  }
0x424: {  	v14 =	vsel vm12, v2, v24;
	v24 =	vsel vm6, v6, v30;
	vm12 =	veq.f32 v16, v21  }
0x425: {  	v40 =	vld [tilespmem:$0x1FA30];
	vm7 =	veq.s32 v9, v6;
	v33 =	vperm.xlane v14, v0;
	v34 =	vsel vm12, v7, v24  }
0x426: {  	v22 =	vsel vm7, $0xFF800000, v22;
	vm12 =	veq.s32 v9, v5;
	v21 =	vsel vm1, v2, v34  }
0x427: {  	v42 =	vld [tilespmem:$0x1FA40];
	v9 =	vsel vm12, $0xFF800000, v18;
	vm15 =	vlt.s32 v14, v33;
	v36 =	vperm.xlane v21, v0  }
0x428: {  	v44 =	vld [tilespmem:$0x1FA50];
	v37 =	vmax.f32 v20, v15;
	v38 =	vmax.f32 v22, v9;
	v14 =	vsel vm15, v14, v33  }
0x429: {  	v47 =	vld [tilespmem:$0x1FA60];
	v23 =	vmax.f32 v37, v38;
	v35 =	vperm.xlane v14, v1;
	vm15 =	vlt.s32 v21, v36  }
0x42a: {  	v49 =	vld [tilespmem:$0x1FA70];
	vm6 =	vnez.u8 v40;
	v41 =	vperm.xlane v23, v0;
	v18 =	vsel vm15, v21, v36  }
0x42b: {  	v51 =	vld [tilespmem:$0x1FA80];
	vm11 =	vmor vm11, vm6;
	vm8 =	vlt.s32 v14, v35;
	v43 =	vperm.xlane v18, v1  }
0x42c: {  	v57 =	vld [tilespmem:$0x1FAD0];
	v21 =	vmax.f32 v23, v41;
	v14 =	vsel vm8, v14, v35;
	vm8 =	vnez.u8 v42  }
0x42d: {  	v53 =	vld [tilespmem:$0x1FA90];
	vm15 =	vnez.u8 v44;
	v46 =	vperm.xlane v21, v1;
	vm4 =	vmor vm11, vm8  }
0x42e: {  	v39 =	vperm.xlane v14, v3;
	vm6 =	vlt.s32 v18, v43;
	vm4 =	vmor vm4, vm15  }
0x42f: {  	vm15 =	vnez.u8 v47;
	v18 =	vsel vm6, v18, v43;
	vm6 =	vnez.u8 v49  }
0x430: {  	v21 =	vmax.f32 v21, v46;
	vm11 =	vlt.s32 v14, v39;
	vm1 =	vmor vm3, vm15  }
0x431: {  	v56 =	vld [tilespmem:$0x1FAC0];
	vm8 =	vmor vm4, vm6;
	v50 =	vperm.xlane v18, v3;
	vm15 =	vnez.u8 v51  }
0x432: {  	v52 =	vperm.xlane v21, v3;
	vm6 =	vnez.u8 v53;
	vm4 =	vnez.u8 v57  }
0x433: {  	v14 =	vsel vm11, v14, v39;
	v27 =	vsel vm1, $0xFFFFFFFF, v48;
	vm3 =	vmor vm8, vm15  }
0x434: {  	v54 =	vld [tilespmem:$0x1FAA0];
	v45 =	vperm.xlane v14, v4;
	vm15 =	vlt.s32 v18, v50;
	v21 =	vmax.f32 v21, v52  }
0x435: {  	[tilespmem:$0x1FCE0] =	vst v29;
	v55 =	vld [tilespmem:$0x1FAB0];
	v29 =	vsel vm4, $0x3F800000, v8;
	v18 =	vsel vm15, v18, v50;
	v23 =	vperm.xlane v21, v4  }
0x436: {  	v58 =	vld [tilespmem:$0x1FAE0];
	vm15 =	vnez.u8 v56;
	vm11 =	vlt.s32 v14, v45;
	v24 =	vperm.xlane v18, v4  }
0x437: {  	[tilespmem:$0x1FD80] =	vst v28;
	v28 =	vsel vm15, $0x3F800000, v8;
	v14 =	vsel vm11, v14, v45;
	vm11 =	vmor vm3, vm6  }
0x438: {  	v21 =	vmax.f32 v21, v23;
	vm8 =	veq.s32 v14, v2;
	vm6 =	vlt.s32 v18, v24  }
0x439: {  	vm15 =	veq.f32 v22, v21;
	vm0 =	vmor vm8, vm0;
	vm8 =	vnez.u8 v54  }
0x43a: {  	v18 =	vsel vm6, v18, v24;
	vm0 =	vmor vm0, vm14;
	v26 =	vsel vm8, $0x3F800000, v8  }
0x43b: {  	v61 =	vld [tilespmem:$0x1FAF0];
	vm14 =	vnez.u8 v55;
	vm8 =	vnez.u8 v58;
	vm3 =	veq.s32 v18, v2  }
0x43c: {  	v62 =	vld [tilespmem:$0x1FB00];
	[tilespmem:$0x1FDC0] =	vst v27;
	vm4 =	veq.s32 v18, v7;
	vm6 =	veq.s32 v18, v6;
	v27 =	vsel vm14, $0x3F800000, v8  }
0x43d: {  	vm1 =	vmor vm0, vm8;
	vm14 =	veq.f32 v9, v21;
	v59 =	vsel vm3, $0xFF800000, v25  }
0x43e: {  	v63 =	vld [tilespmem:$0x1FB10];
	v16 =	vsel vm4, $0xFF800000, v16;
	vm8 =	veq.s32 v18, v5;
	v17 =	vsel vm6, $0xFF800000, v17  }
0x43f: {  	v31 =	vld [tilespmem:$0x1FB30];
	vm0 =	veq.f32 v15, v21;
	v9 =	vnsel vm14, $0x3E8, v5;
	v18 =	vsel vm8, $0xFF800000, v19  }
0x440: {  	v25 =	vld [tilespmem:$0x1FB20];
	v60 =	vmax.f32 v59, v16;
	vm14 =	vnez.u8 v61;
	v9 =	vsel vm15, v6, v9  }
0x441: {  	v34 =	vld [tilespmem:$0x1FB50];
	v19 =	vmax.f32 v17, v18;
	v23 =	vsel vm14, $0x3F800000, v8;
	vm15 =	vnez.u8 v62  }
0x442: {  	v32 =	vld [tilespmem:$0x1FB40];
	vm14 =	veq.f32 v20, v21;
	v9 =	vsel vm0, v7, v9;
	v24 =	vsel vm15, $0x3F800000, v8  }
0x443: {  	v37 =	vld [tilespmem:$0x1FB80];
	v15 =	vmax.f32 v60, v19;
	vm0 =	veq.s32 v14, v7;
	vm15 =	vnez.u8 v63  }
0x444: {  	v35 =	vld [tilespmem:$0x1FB60];
	v19 =	vperm.xlane v15, v0;
	vm1 =	vmor vm1, vm15;
	vm0 =	vmor vm0, vm9  }
0x445: {  	v36 =	vld [tilespmem:$0x1FB70];
	v9 =	vsel vm14, v2, v9;
	vm15 =	vnez.u8 v31;
	vm14 =	vnez.u8 v25  }
0x446: {  	v30 =	vperm.xlane v9, v0;
	vm1 =	vmor vm1, vm15;
	vm15 =	vnez.u8 v34  }
0x447: {  	v38 =	vld [tilespmem:$0x1FB90];
	vm0 =	vmor vm0, vm14;
	v15 =	vmax.f32 v15, v19;
	vm14 =	vnez.u8 v32  }
0x448: {  	v39 =	vld [tilespmem:$0x1FBA0];
	vm1 =	vmor vm1, vm15;
	vm15 =	vnez.u8 v37;
	vm0 =	vmor vm0, vm14  }
0x449: {  	v42 =	vld [tilespmem:$0x1FBC0];
	v33 =	vperm.xlane v15, v1;
	vm14 =	vnez.u8 v35;
	vm9 =	vlt.s32 v9, v30  }
0x44a: {  	v40 =	vld [tilespmem:$0x1FBB0];
	vm0 =	vmor vm0, vm14;
	vm14 =	vnez.u8 v36;
	v9 =	vsel vm9, v9, v30  }
0x44b: {  	v43 =	vld [tilespmem:$0x1FBD0];
	vm9 =	veq.s32 v14, v6;
	vm14 =	vmor vm0, vm14;
	v15 =	vmax.f32 v15, v33  }
0x44c: {  	v46 =	vld [tilespmem:$0x1FBF0];
	v19 =	vperm.xlane v9, v1;
	vm0 =	vmor vm1, vm15;
	vm15 =	vnez.u8 v38  }
0x44d: {  	v45 =	vld [tilespmem:$0x1FBE0];
	v20 =	vperm.xlane v15, v3;
	vm1 =	vmor vm14, vm15;
	vm14 =	vnez.u8 v39  }
0x44e: {  	vm9 =	vmor vm9, vm10;
	vm15 =	vnez.u8 v42;
	v21 =	vsel vm14, $0x3F800000, v8  }
0x44f: {  	v47 =	vld [tilespmem:$0x1FC00];
	vm10 =	vlt.s32 v9, v19;
	vm14 =	vnez.u8 v40;
	v15 =	vmax.f32 v15, v20  }
0x450: {  	vm14 =	vmor vm9, vm14;
	v9 =	vsel vm10, v9, v19;
	vm9 =	vmor vm1, vm15  }
0x451: {  	v49 =	vld [tilespmem:$0x1FC20];
	vm10 =	vnez.u8 v43;
	vm15 =	vnez.u8 v46;
	v41 =	vperm.xlane v15, v4  }
0x452: {  	v48 =	vld [tilespmem:$0x1FC10];
	vm1 =	vmor vm14, vm10;
	v44 =	vperm.xlane v9, v3;
	vm14 =	vnez.u8 v45  }
0x453: {  	v52 =	vld [tilespmem:$0x1FC30];
	v25 =	vsel vm15, $0x3F800000, v8;
	vm1 =	vmor vm1, vm14  }
0x454: {  	vm14 =	vnez.u8 v47;
	v15 =	vmax.f32 v15, v41;
	vm10 =	vlt.s32 v9, v44  }
0x455: {  	v57 =	vld [tilespmem:$0x1FC60];
	vm1 =	vmor vm1, vm14;
	vm14 =	veq.f32 v18, v15;
	v9 =	vsel vm10, v9, v44  }
0x456: {  	v54 =	vld [tilespmem:$0x1FC40];
	vm15 =	veq.f32 v17, v15;
	vm10 =	veq.f32 v16, v15;
	v18 =	vnsel vm14, $0x3E8, v5  }
0x457: {  	v56 =	vld [tilespmem:$0x1FC50];
	vm14 =	vnez.u8 v48;
	v51 =	vperm.xlane v9, v4;
	v17 =	vsel vm15, v6, v18  }
0x458: {  	v18 =	vsel vm14, $0x3F800000, v8;
	vm14 =	vnez.u8 v49;
	vm15 =	vnez.u8 v52  }
0x459: {  	v58 =	vld [tilespmem:$0x1FC70];
	vm1 =	vmor vm1, vm14;
	v50 =	vsel vm10, v7, v17;
	v19 =	vsel vm15, $0x3F800000, v8  }
0x45a: {  	vm10 =	veq.f32 v59, v15;
	vm14 =	veq.s32 v14, v5;
	vm15 =	vnez.u8 v57;
	v59 =	vld [tilespmem:$0x1FC80]  }
0x45b: {  	v60 =	vld [tilespmem:$0x1FC90];
	vm13 =	vmor vm14, vm13;
	v53 =	vsel vm10, v2, v50;
	vm14 =	vnez.u8 v54  }
0x45c: {  	v61 =	vld [tilespmem:$0x1FCA0];
	vm10 =	vlt.s32 v9, v51;
	vm13 =	vmor vm13, vm14;
	vm14 =	vnez.u8 v56  }
0x45d: {  	[tilespmem:s11+$0xFFFFFF30] =	vst v11;
	v11 =	vld [tilespmem:$0x1FD10];
	v9 =	vsel vm10, v9, v51;
	v55 =	vperm.xlane v53, v0;
	vm10 =	vmor vm1, vm14  }
0x45e: {  	v17 =	vld [tilespmem:$0x1FCD0];
	vm1 =	vmor vm13, vm15;
	vm13 =	veq.s32 v9, v2;
	vm14 =	vnez.u8 v58  }
0x45f: {  	v20 =	vld [tilespmem:$0x1FCE0];
	vm1 =	vmor vm1, vm14;
	vm5 =	vmor vm13, vm5;
	vm14 =	vnez.u8 v59  }
0x460: {  	v22 =	vld [tilespmem:$0x1FCF0];
	vm13 =	vlt.s32 v53, v55;
	vm1 =	vmor vm1, vm14;
	vm14 =	vnez.u8 v60  }
0x461: {  	v62 =	vld [tilespmem:$0x1FCB0];
	v14 =	vsel vm13, v53, v55;
	vm13 =	vnez.u8 v61;
	vm5 =	vmor vm5, vm14  }
0x462: {  	v63 =	vld [tilespmem:$0x1FCC0];
	vm5 =	vmor vm5, vm13;
	vm13 =	veq.s32 v9, v7  }
0x463: {  	[tilespmem:s11+$0xFFFFFF00] =	vst v10;
	v31 =	vld [tilespmem:$0x1FD30];
	v10 =	vperm.xlane v14, v1;
	vm2 =	vmor vm13, vm2;
	vm13 =	vnez.u8 v17  }
0x464: {  	v30 =	vld [tilespmem:$0x1FD00];
	vm2 =	vmor vm2, vm13;
	vm13 =	vnez.u8 v20  }
0x465: {  	[tilespmem:s11+$0xFFFFFF10] =	vst v12;
	v32 =	vld [tilespmem:$0x1FD40];
	v12 =	vsel vm13, $0x3F800000, v8;
	vm13 =	vlt.s32 v14, v10  }
0x466: {  	vm14 =	vnez.u8 v62;
	v10 =	vsel vm13, v14, v10;
	vm13 =	vnez.u8 v11;
	v11 =	vld [tilespmem:$0x1FD20]  }
0x467: {  	v33 =	vld [tilespmem:$0x1FD50];
	vm1 =	vmor vm1, vm14;
	vm14 =	vnez.u8 v63  }
0x468: {  	v34 =	vld [tilespmem:$0x1FD60];
	vm5 =	vmor vm5, vm14;
	vm14 =	vnez.u8 v22  }
0x469: {  	v35 =	vld [tilespmem:$0x1FD70];
	vm5 =	vmor vm5, vm14;
	vm14 =	vnez.u8 v30  }
0x46a: {  	vm15 =	vnez.u8 v32;
	vm2 =	vmor vm2, vm14;
	vm14 =	vnez.u8 v31  }
0x46b: {  	vm1 =	vmor vm1, vm14;
	vm5 =	vmor vm5, vm13;
	vm13 =	vnez.u8 v11  }
0x46c: {  	vm14 =	vnez.u8 v33;
	v11 =	vperm.xlane v10, v3;
	vm13 =	vmor vm2, vm13  }
0x46d: {  	vm2 =	vmor vm5, vm15;
	vm5 =	vmor vm13, vm14;
	vm13 =	vnez.u8 v34  }
0x46e: {  	vm5 =	vmor vm5, vm13;
	vm13 =	vnez.u8 v35  }
0x46f: {  	[tilespmem:s11+$0xFFFFFF20] =	vst v13;
	v36 =	vld [tilespmem:$0x1FD90];
	v13 =	vsel vm13, $0x3F800000, v8;
	vm13 =	vlt.s32 v10, v11  }
0x470: {  	v10 =	vsel vm13, v10, v11;
	v11 =	vld [tilespmem:$0x1FD80]  }
0x471: {  	v38 =	vld [tilespmem:$0x1FDA0]  }
0x472: {  	v39 =	vld [tilespmem:$0x1FDB0]  }
0x473: {  	v42 =	vld [tilespmem:$0x1FDF0]  }
0x474: {  	v40 =	vld [tilespmem:$0x1FDD0]  }
0x475: {  	v46 =	vld [tilespmem:$0x1FE20];
	vm13 =	vnez.u8 v11  }
0x476: {  	v45 =	vld [tilespmem:$0x1FE10];
	v11 =	vsel vm13, $0x3F800000, v8;
	vm13 =	veq.s32 v9, v6  }
0x477: {  	v41 =	vld [tilespmem:$0x1FDE0];
	vm14 =	vnez.u8 v36;
	vm15 =	vmor vm13, vm7;
	vm13 =	vnez.u8 v38  }
0x478: {  	vm14 =	vmor vm5, vm14;
	vm5 =	vmor vm15, vm13;
	vm13 =	veq.s32 v9, v5;
	v9 =	vld [tilespmem:$0x1FDC0]  }
0x479: {  	v48 =	vld [tilespmem:$0x1FE40]  }
0x47a: {  	v43 =	vsel vm11, $0x3F800000, v8;
	v47 =	vld [tilespmem:$0x1FE30];
	v37 =	vperm.xlane v10, v4  }
0x47b: {  	v44 =	vld [tilespmem:$0x1FE00];
	vm15 =	vnez.u8 v39;
	vm7 =	vmor vm13, vm12;
	vm13 =	vnez.u8 v40  }
0x47c: {  	v49 =	vld [tilespmem:$0x1FE50];
	v15 =	vsel vm15, $0x3F800000, v8;
	vm5 =	vmor vm5, vm13;
	vm13 =	vnez.u8 v41  }
0x47d: {  	v52 =	vld [tilespmem:$0x1FE80];
	vm15 =	vnez.u8 v46;
	vm7 =	vmor vm7, vm13;
	vm12 =	vnez.u8 v9  }
0x47e: {  	v50 =	vld [tilespmem:$0x1FE60];
	vm13 =	vnez.u8 v48;
	v9 =	vsel vm12, $0x3F800000, v8;
	vm12 =	vlt.s32 v10, v37  }
0x47f: {  	v51 =	vld [tilespmem:$0x1FE70];
	v10 =	vsel vm12, v10, v37;
	vm12 =	vnez.u8 v42;
	[tilespmem:s11+$0x20] =	vst v9;
	v9 =	vsel vm14, $0x3F800000, v8  }
0x480: {  	v54 =	vld [tilespmem:$0x1FEA0];
	vm7 =	vmor vm7, vm12;
	vm11 =	veq.s32 v10, v2;
	vm12 =	vnez.u8 v44  }
0x481: {  	v53 =	vld [tilespmem:$0x1FE90];
	vm14 =	veq.s32 v10, v7;
	vm5 =	vmor vm5, vm12;
	vm12 =	vnez.u8 v45  }
0x482: {  	[tilespmem:s11+$0x0] =	vst v11;
	v11 =	vld [tilespmem:$0x1FEB0];
	vm3 =	vmor vm11, vm3;
	vm7 =	vmor vm7, vm12;
	vm5 =	vmor vm5, vm15  }
0x483: {  	vm12 =	vnez.u8 v47;
	vm3 =	vmor vm3, vm13;
	vm15 =	vnez.u8 v49  }
0x484: {  	vm13 =	vnez.u8 v51;
	vm7 =	vmor vm7, vm12;
	vm5 =	vmor vm5, vm15  }
0x485: {  	vm12 =	vnez.u8 v50;
	vm3 =	vmor vm3, vm13;
	vm15 =	vnez.u8 v52  }
0x486: {  	vm13 =	vnez.u8 v54;
	vm7 =	vmor vm7, vm12;
	vm5 =	vmor vm5, vm15  }
0x487: {  	vm12 =	vnez.u8 v53;
	vm3 =	vmor vm3, vm13;
	vm15 =	vnez.u8 v11  }
0x488: {  	vm7 =	vmor vm7, vm12;
	vm3 =	vmor vm3, vm15;
	vm15 =	vmor vm14, vm4  }
0x489: {  	vm4 =	veq.s32 v10, v6;
	v61 =	vsel vm7, $0x3F800000, v8;
	vm7 =	veq.s32 v10, v5;
	v10 =	vld [tilespmem:$0x1FEF0];
	_ =	sdelay $0x4  }
0x48a: {  	v55 =	vsel vm9, $0x3F800000, v8;
	vm9 =	vnez.u8 v10;
	v10 =	vld [tilespmem:$0x1FF00];
	_ =	sdelay $0x4  }
0x48b: {  	v56 =	vsel vm10, $0x3F800000, v8;
	vm10 =	vnez.u8 v10;
	v10 =	vld [tilespmem:$0x1FF10];
	_ =	sdelay $0x3  }
0x48c: {  	v60 =	vld [tilespmem:$0x1FEC0]  }
0x48d: {  	vm11 =	vnez.u8 v10;
	v10 =	vld [tilespmem:$0x1FF20];
	_ =	sdelay $0x1  }
0x48e: {  	[tilespmem:s11+$0x90] =	vst v9;
	v9 =	vld [tilespmem:$0x1FF70];
	_ =	sdelay $0x1  }
0x48f: {  	v62 =	vld [tilespmem:$0x1FED0];
	vm12 =	vnez.u8 v60  }
0x490: {  	v11 =	vsel vm0, $0x3F800000, v8;
	vm0 =	vmor vm3, vm12;
	vm12 =	vnez.u8 v10;
	v10 =	vld [tilespmem:$0x1FF30];
	_ =	sdelay $0x1  }
0x491: {  	v58 =	vsel vm2, $0x3F800000, v8;
	vm2 =	vmor vm7, vm8;
	vm7 =	vnez.u8 v9;
	v9 =	vld [tilespmem:$0x1FF80];
	_ =	sdelay $0x1  }
0x492: {  	v63 =	vld [tilespmem:$0x1FEE0];
	vm13 =	vnez.u8 v62  }
0x493: {  	vm0 =	vmor vm0, vm13;
	vm13 =	vnez.u8 v10;
	v10 =	vld [tilespmem:$0x1FF40];
	_ =	sdelay $0x1  }
0x494: {  	vm8 =	vnez.u8 v9;
	v9 =	vld [tilespmem:$0x1FF90];
	_ =	sdelay $0x2  }
0x495: {  	[tilespmem:s11+$0xFFFFFF70] =	vst v29;
	v59 =	vsel vm5, $0x3F800000, v8;
	vm5 =	vnez.u8 v63;
	vm14 =	vnez.u8 v10;
	v10 =	vld [tilespmem:$0x1FF50]  }
0x496: {  	[tilespmem:s11+$0x40] =	vst v11;
	v11 =	vsel vm0, $0x3F800000, v8;
	vm0 =	vmor vm15, vm5  }
0x497: {  	[tilespmem:s11+$0xFFFFFF60] =	vst v28;
	vm0 =	vmor vm0, vm9;
	vm9 =	vnez.u8 v9;
	v9 =	vld [tilespmem:$0x1FFA0]  }
0x498: {  	[tilespmem:s11+$0xFFFFFF40] =	vst v26  }
0x499: {  	[tilespmem:s11+$0xFFFFFF50] =	vst v27  }
0x49a: {  	[tilespmem:s11+$0xFFFFFF80] =	vst v23;
	vm15 =	vnez.u8 v10;
	v10 =	vld [tilespmem:$0x1FF60]  }
0x49b: {  	[tilespmem:s11+$0xFFFFFF90] =	vst v24;
	v57 =	vsel vm1, $0x3F800000, v8;
	vm1 =	vmor vm4, vm6  }
0x49c: {  	[tilespmem:s11+$0xFFFFFFA0] =	vst v21;
	vm1 =	vmor vm1, vm10;
	vm10 =	vnez.u8 v9;
	v9 =	vld [tilespmem:$0x1FFB0]  }
0x49d: {  	[tilespmem:s11+$0x30] =	vst v43  }
0x49e: {  	[tilespmem:s11+$0xFFFFFFB0] =	vst v25  }
0x49f: {  	[tilespmem:s11+$0xFFFFFFC0] =	vst v18;
	vm6 =	vnez.u8 v10;
	v10 =	vld [tilespmem:$0x1FFD0]  }
0x4a0: {  	[tilespmem:s11+$0xFFFFFFD0] =	vst v19  }
0x4a1: {  	[tilespmem:s11+$0x60] =	vst v56;
	vm0 =	vmor vm0, vm11;
	vm11 =	vnez.u8 v9;
	v9 =	vld [tilespmem:$0x1FFC0]  }
0x4a2: {  	[tilespmem:s11+$0x50] =	vst v55  }
0x4a3: {  	[tilespmem:s11+$0xFFFFFFE0] =	vst v12  }
0x4a4: {  	[tilespmem:s11+$0x70] =	vst v57;
	vm2 =	vmor vm2, vm13;
	vm13 =	vnez.u8 v10;
	v10 =	vld [tilespmem:$0x1FFE0]  }
0x4a5: {  	[tilespmem:s11+$0xC0] =	vst v11;
	v11 =	vld [tilespmem:$0x1FFF0];
	vm0 =	vmor vm0, vm14  }
0x4a6: {  	[tilespmem:s11+$0x80] =	vst v58;
	vm1 =	vmor vm1, vm12;
	vm12 =	vnez.u8 v9;
	vm0 =	vmor vm0, vm7  }
0x4a7: {  	s9 =	sadd.s32 $0x8, s9;
	[tilespmem:s11+$0xFFFFFFF0] =	vst v13;
	vm0 =	vmor vm0, vm10;
	vm1 =	vmor vm1, vm15;
	vm2 =	vmor vm2, vm6  }
0x4a8: {  	p0 =	slt.u32 s9, $0x1F8;
	[tilespmem:s11+$0x10] =	vst v15;
	v9 =	vsel vm0, $0x3F800000, v8;
	vm1 =	vmor vm1, vm8;
	vm2 =	vmor vm2, vm9  }
.Ltmp0:
0x4a9: {  	[tilespmem:s11+$0xA0] =	vst v59;
	vm1 =	vmor vm1, vm11;
	vm2 =	vmor vm2, vm12;
	vm14 =	vnez.u8 v10;
	(pc) =	sbr.rel @p0 .LBB2_2-.Ltmp0, $4  }
0x4aa: {  	[tilespmem:s11+$0xB0] =	vst v61;
	vm15 =	vnez.u8 v11;
	vm0 =	vmor vm1, vm13;
	vm1 =	vmor vm2, vm14  }
0x4ab: {  	[tilespmem:s11+$0xD0] =	vst v9;
	v10 =	vsel vm0, $0x3F800000, v8;
	vm0 =	vmor vm1, vm15  }
0x4ac: {  	[tilespmem:s11+$0xE0] =	vst v10;
	v9 =	vsel vm0, $0x3F800000, v8  }
0x4ad: {  	s10 =	sadd.s32 $0x200, s10;
	[tilespmem:s11+$0xF0] =	vst v9;
	s11 =	sadd.s32 $0x200, s11  }
0x4ae: {  	s8 =	sadd.s32 $0x1, s8  }
0x4af: {  	p0 =	sne.s32 s8, s5  }
.Ltmp1:
0x4b0: {  	_ = 	snop;
	(pc) =	sbr.rel @p0 .LBB2_1-.Ltmp1, $4  }
0x4b1: {  	[hbm4b:s4+s2] =	stream.linear.scatter [tilespmem:s7], [sflag:$0x1], $0x8000, $0x38;
	[tilespmem:$0x10000] =	vst v63  }
0x4b2: {  	_ =	swait.ge [sflag:s6], $0x8000  }
0x4b3: {  	[sflag:s6] =	ssyncset.done $0x0  }
0x4b4: {  	[sflag:s6] =	ssyncadd.s32 $0xFFFF8000  }
0x4b5: {  	_ =	sfence.sel $0x180000  }
0x4b6: {  	[bflag:$0x0] =	sbarrier.arrive $0xFFFF  }
0x4b7: {  	p0 =	sne.s32 s1, $0x0;
	_ =	strace $0x90000047  }
0x4b8: {  	s0 =	sadd.s32 @!p0 $0x100000, s0;
	[bflag:$0x2] =	sbarrier.arrive $0xFFFF  }
0x4b9: {  	[sflag:s0] =	ssyncadd.tile.s32 @!p0 $0x1;
	_ =	shalt  }
.Lfunc_end2:
_tile_overlayer_lowered:
.L_overlay_start_2:
0x4ba: {  	(tag) =	ssettag $0x2  }
0x4bb: {  	s0 =	rddreg [dreg:$0x0];
	s2 =	stileid.u32  }
0x4bc: {  	s1 =	rddreg [dreg:$0x1];
	p0 =	sne.s32 s2, $0x0  }
0x4bd: {  	s3 =	rddreg [dreg:$0x2];
	[bflag:$0x3] =	sbarrier.arrive $0xFFFF;
	s2 =	simm.s32 @!p0 $0x1C01  }
0x4be: {  	[timem:s3], [sflag:s2] =	dma.local @!p0 [hbm:s0], s1  }
0x4bf: {  	s0 =	simm.s32 @!p0 $0x1  }
0x4c0: {  	_ =	swait.ge @!p0 [sflag:s0], s1  }
0x4c1: {  	s1 =	ssub.s32 @!p0 $0x0, s1;
	[sflag:s0] =	ssyncset.done @!p0 $0x0  }
0x4c2: {  	[sflag:s0] =	ssyncadd.s32 @!p0 s1  }
0x4c3: {  	[bflag:$0x3] =	sbarrier.arrive $0xFFFF  }
0x4c4: {  	_ =	shalt  }

</sc_bundles>
